<compile_context>
chip_gen: v7x
topology: tpu7x:2x2x1
jax: 0.10.2.dev20260603
libtpu: 0.0.44.dev20260713+nightly
codegen_flags: <defaults>
</compile_context>

<pallas_src>
import functools

import jax
import jax.numpy as jnp
from jax import lax
from jax.experimental import pallas as pl
from jax.experimental.pallas import tpu as pltpu
from jax.experimental.pallas import tpu_sc as plsc

_STEP = 10
_POS_THRESH = 0.5

_N = 128 * 8192
_NS = 16
_L = 16
_PER_W = _N // _NS
_CHUNKS = _PER_W // _L

_ROUNDS = (
    (21, 1023, 1024, 31),
    (11, 1023, 1024, 21),
    (0, 2047, 2048, 11),
)
_MAXB = 2048


def _bce_body(preds_ref, targets_ref, bits_ref, total_ref, k_ref):
    p = preds_ref[...]
    t = targets_ref[...]
    losses = jnp.maximum(p, 0.0) - p * t + jnp.log1p(jnp.exp(-jnp.abs(p)))
    masked = jnp.where(t < _POS_THRESH, losses, 0.0)
    bits = lax.bitcast_convert_type(masked, jnp.int32)
    bits_ref[...] = bits
    count = jnp.sum((bits > 0).astype(jnp.int32))
    k_ref[0, 0] = (count + (_STEP - 1)) // _STEP
    total_ref[0, 0] = jnp.sum(losses)


def _sc_select_body(bits_hbm, kvec_hbm, out_hbm,
                    data_v, hist_v, coll_v, merged_v, idx64_v, idx128_v,
                    kv_v, outv_v, csum_s,
                    shared_merged, shared_sums):
    c = lax.axis_index("c")
    s = lax.axis_index("s")
    lane = lax.iota(jnp.int32, _L)
    zero16 = jnp.zeros((_L,), jnp.int32)

    pltpu.sync_copy(bits_hbm.at[pl.ds(s * _PER_W, _PER_W)], data_v)
    pltpu.sync_copy(kvec_hbm, kv_v)
    k_rem = jnp.max(kv_v[...])

    @plsc.parallel_loop(0, _MAXB // _L // _L)
    def _(i):
        idx128_v[pl.ds(i * _L, _L)] = lane + i * _L
    @plsc.parallel_loop(0, 4)
    def _(i):
        idx64_v[pl.ds(i * _L, _L)] = lane + i * _L

    prefix = jnp.int32(0)
    v_acc = jnp.int32(0)

    for (sh_bin, b_mask, nb, sh_match) in _ROUNDS:
        lane_base = lane * nb
        nch = nb // _L

        @plsc.parallel_loop(0, (_L * nb) // _L, unroll=8)
        def _(i):
            hist_v[pl.ds(i * _L, _L)] = zero16

        pfx = prefix
        ones16 = jnp.ones((_L,), jnp.int32)

        @plsc.parallel_loop(0, _CHUNKS, unroll=16)
        def _(i):
            x = data_v[pl.ds(i * _L, _L)]
            m = lax.shift_right_logical(x, sh_match) == pfx
            bins = lax.shift_right_logical(x, sh_bin) & b_mask
            idx = bins + lane_base
            plsc.addupdate_scatter(hist_v, [idx], ones16, mask=m)

        @plsc.parallel_loop(0, nch, unroll=2)
        def _(i):
            acc = hist_v[pl.ds(i * _L, _L)]
            for j in range(1, _L):
                acc = acc + hist_v[pl.ds(j * nb + i * _L, _L)]
            coll_v[i, pl.ds(0, _L)] = acc

        idx_ref = idx64_v if nch == 64 else idx128_v

        @pl.when(s == 0)
        def _():
            pltpu.sync_copy(coll_v.at[pl.ds(0, nch)],
                            shared_merged.at[idx_ref])
        plsc.subcore_barrier()

        @pl.when(s != 0)
        def _():
            pltpu.sync_copy(coll_v.at[pl.ds(0, nch)],
                            shared_merged.at[idx_ref], add=True)
        plsc.subcore_barrier()

        pltpu.sync_copy(shared_merged.at[pl.ds(0, nch)],
                        merged_v.at[pl.ds(0, nch)])

        @plsc.parallel_loop(0, nch, unroll=4)
        def _(i):
            csum_s[i] = jnp.sum(merged_v[i, pl.ds(0, _L)])

        def walk(i, carry):
            run, cc_star, run_excl, found = carry
            cc = nch - 1 - i
            sval = csum_s[cc]
            new_run = run + sval
            cross = jnp.logical_and(jnp.logical_not(found), new_run >= k_rem)
            cc_star = jnp.where(cross, cc, cc_star)
            run_excl = jnp.where(cross, run, run_excl)
            found = jnp.logical_or(found, cross)
            return (new_run, cc_star, run_excl, found)
        _, cc_star, run_excl, _ = lax.fori_loop(
            0, nch, walk,
            (jnp.int32(0), jnp.int32(0), jnp.int32(0), jnp.bool_(False)))

        v = merged_v[cc_star, pl.ds(0, _L)]
        rsuf = lax.rev(plsc.cumsum(lax.rev(v, (0,))), (0,))
        cond = (rsuf + run_excl) >= k_rem
        b = cc_star * _L + jnp.sum(cond.astype(jnp.int32)) - 1
        cnt_above = run_excl + jnp.sum(jnp.where(cond, 0, v))

        k_rem = k_rem - cnt_above
        prefix = b if sh_match == 31 else (prefix << 10) | b
        v_acc = (v_acc << (10 if sh_bin == 11 else (11 if sh_bin == 0 else 0))) | b

    vbits = v_acc

    @plsc.parallel_loop(0, _CHUNKS, unroll=16,
                        carry=(jnp.zeros((_L,), jnp.float32),
                               jnp.zeros((_L,), jnp.float32)))
    def acc2(i, acc):
        a0, a1 = acc
        x = data_v[pl.ds(i * _L, _L)]
        xf = plsc.bitcast(x, jnp.float32)
        contrib = jnp.where(x >= vbits, xf, jnp.float32(0.0))
        return (a1, a0 + contrib)
    acc = acc2[0] + acc2[1]
    mine = jnp.sum(acc)

    outv_v[...] = jnp.full((_L,), mine, jnp.float32)
    pltpu.sync_copy(outv_v, shared_sums.at[s])
    plsc.subcore_barrier()

    @pl.when(jnp.logical_and(c == 0, s == 0))
    def _():
        total = jnp.zeros((_L,), jnp.float32)
        for j in range(_NS):
            pltpu.sync_copy(shared_sums.at[j], outv_v)
            total = total + outv_v[...]
        outv_v[...] = total
        pltpu.sync_copy(outv_v, out_hbm)


def _sc_select(bits_flat, kvec):
    mesh = plsc.VectorSubcoreMesh(core_axis_name="c", subcore_axis_name="s", num_cores=1)
    f = functools.partial(
        pl.kernel,
        out_type=jax.ShapeDtypeStruct((_L,), jnp.float32),
        mesh=mesh,
        compiler_params=pltpu.CompilerParams(
            needs_layout_passes=False, use_tc_tiling_on_sc=False),
        scratch_types=[
            pltpu.VMEM((_PER_W,), jnp.int32),
            pltpu.VMEM((_L * _MAXB,), jnp.int32),
            pltpu.VMEM((_MAXB // _L, _L), jnp.int32),
            pltpu.VMEM((_MAXB // _L, _L), jnp.int32),
            pltpu.VMEM((64,), jnp.int32),
            pltpu.VMEM((_MAXB // _L,), jnp.int32),
            pltpu.VMEM((_L,), jnp.int32),
            pltpu.VMEM((_L,), jnp.float32),
            pltpu.SMEM((_MAXB // _L,), jnp.int32),
            pltpu.VMEM_SHARED((_MAXB // _L, _L), jnp.int32),
            pltpu.VMEM_SHARED((_NS, _L), jnp.float32),
        ],
    )(_sc_select_body)
    return f(bits_flat, kvec)


def kernel(preds, targets):
    bits, total, k = pl.pallas_call(
        _bce_body,
        out_shape=(
            jax.ShapeDtypeStruct((128, 8192), jnp.int32),
            jax.ShapeDtypeStruct((1, 1), jnp.float32),
            jax.ShapeDtypeStruct((1, 1), jnp.int32),
        ),
        out_specs=(
            pl.BlockSpec(memory_space=pltpu.VMEM),
            pl.BlockSpec(memory_space=pltpu.SMEM),
            pl.BlockSpec(memory_space=pltpu.SMEM),
        ),
    )(preds, targets)
    kvec = jnp.full((_L,), k[0, 0], jnp.int32)
    dropped = _sc_select(bits.reshape(_N), kvec)
    return (total[0, 0] - dropped[0]) / jnp.float32(_N)

# --- scband reference (transcript-rebuilt; emitter-appended) ---
"""Pipeline reference for scband-large-loss-negative-rejection-31765578121784 (READ-ONLY COPY).

The authoritative reference and input builder live on the scoring server;
editing this copy changes nothing except your own understanding.
"""

import math
import jax, jax.numpy as jnp
import numpy as np


def bce_with_logits(preds, targets):
    # elementwise binary_cross_entropy_with_logits, reduction='none'
    return jnp.maximum(preds, 0.0) - preds * targets + jnp.log1p(jnp.exp(-jnp.abs(preds)))


def setup_inputs(seed: int = 0) -> dict:
    key = jax.random.key(seed)
    k1, k2 = jax.random.split(key)
    preds = jax.random.normal(k1, (128, 8192), dtype=jnp.float32)
    targets = jax.random.uniform(k2, (128, 8192), dtype=jnp.float32)
    return {"preds": preds, "targets": targets}


def reference(preds, targets):
    percent = 0.1
    pos_thresh = 0.5
    # threshold is None in this configuration
    losses = bce_with_logits(preds, targets)
    unobserved_losses = losses * (targets < pos_thresh)
    unobserved_count = jnp.count_nonzero(unobserved_losses)
    step = round(1.0 / percent)
    k = (unobserved_count + (step - 1)) // step
    flat = unobserved_losses.flatten()
    largest_unobserved_losses, _ = jax.lax.top_k(flat, flat.shape[0])
    kth_largest = jnp.take(largest_unobserved_losses, k - 1)
    keep_mask = (unobserved_losses < kth_largest).astype(jnp.float32)
    losses = losses * keep_mask
    return jnp.mean(losses)

if __name__ == "__main__":
    import jax
    _d = setup_inputs()
    print(jax.jit(kernel)(*tuple(_d.values())))

</pallas_src>

<mosaic_0001>
#map = affine_map<(d0, d1) -> (0)>
module attributes {stable_mosaic.version = 14 : i64} {
  func.func @_sc_select_body(%arg0: i32, %arg1: i32, %arg2: memref<1048576xi32, #tpu.memory_space<hbm>>, %arg3: memref<16xi32, #tpu.memory_space<hbm>>, %arg4: memref<16xf32, #tpu.memory_space<hbm>>, %arg5: memref<65536xi32, #tpu.memory_space<vmem>>, %arg6: memref<32768xi32, #tpu.memory_space<vmem>>, %arg7: memref<128x16xi32, #tpu.memory_space<vmem>>, %arg8: memref<128x16xi32, #tpu.memory_space<vmem>>, %arg9: memref<64xi32, #tpu.memory_space<vmem>>, %arg10: memref<128xi32, #tpu.memory_space<vmem>>, %arg11: memref<16xi32, #tpu.memory_space<vmem>>, %arg12: memref<16xf32, #tpu.memory_space<vmem>>, %arg13: memref<128xi32, #tpu.memory_space<smem>>, %arg14: memref<128x16xi32, #tpu.memory_space<vmem_shared>>, %arg15: memref<16x16xf32, #tpu.memory_space<vmem_shared>>) attributes {dimension_semantics = [#tpu.dimension_semantics<core_parallel>, #tpu.dimension_semantics<subcore_parallel>], iteration_bounds = array<i64: 1, 16>, scalar_prefetch = 0 : i64, scratch_operands = 11 : i64, tpu.core_type = #tpu.core_type<sc_vector_subcore>, window_params = [{transform_indices = #map}, {transform_indices = #map}, {transform_indices = #map}]} {
    %iota3A = tpu.iota {dimensions = array<i32: 0>} : vector<16xi32>
    %broadcast_in_dim3A = arith.constant 0 : i32
    %broadcast_in_dim3A_0 = vector.broadcast %broadcast_in_dim3A : i32 to vector<16xi32>
    %mul3A = arith.constant 65536 : i32
    %mul3A_1 = arith.muli %arg1, %mul3A : i32
    "tpu.region"() ({
      %run_scoped3A = tpu.sem_alloc : memref<!tpu.dma_semaphore, #tpu.memory_space<semaphore_mem>>
      %dma_start3A = tpu.memref_slice %arg2[%mul3A_1] : memref<1048576xi32, #tpu.memory_space<hbm>> -> memref<65536xi32, #tpu.memory_space<hbm>>
      %dma_start3A_273 = tpu.memref_slice %arg2[%mul3A_1] : memref<1048576xi32, #tpu.memory_space<hbm>> -> memref<65536xi32, #tpu.memory_space<hbm>>
      tpu.enqueue_dma source(%dma_start3A_273 : memref<65536xi32, #tpu.memory_space<hbm>>) target(%arg5 : memref<65536xi32, #tpu.memory_space<vmem>>) target_semaphore(%run_scoped3A : memref<!tpu.dma_semaphore, #tpu.memory_space<semaphore_mem>>)
      %dma_wait3A = tpu.memref_slice %arg2[%mul3A_1] : memref<1048576xi32, #tpu.memory_space<hbm>> -> memref<65536xi32, #tpu.memory_space<hbm>>
      %dma_wait3A_274 = tpu.memref_slice %arg2[%mul3A_1] : memref<1048576xi32, #tpu.memory_space<hbm>> -> memref<65536xi32, #tpu.memory_space<hbm>>
      tpu.wait_dma2 semaphore(%run_scoped3A : memref<!tpu.dma_semaphore, #tpu.memory_space<semaphore_mem>>) src(%dma_wait3A_274 : memref<65536xi32, #tpu.memory_space<hbm>>) dst(%arg5 : memref<65536xi32, #tpu.memory_space<vmem>>)
      tpu.yield
    }) : () -> ()
    "tpu.region"() ({
      %run_scoped3A = tpu.sem_alloc : memref<!tpu.dma_semaphore, #tpu.memory_space<semaphore_mem>>
      tpu.enqueue_dma source(%arg3 : memref<16xi32, #tpu.memory_space<hbm>>) target(%arg11 : memref<16xi32, #tpu.memory_space<vmem>>) target_semaphore(%run_scoped3A : memref<!tpu.dma_semaphore, #tpu.memory_space<semaphore_mem>>)
      tpu.wait_dma2 semaphore(%run_scoped3A : memref<!tpu.dma_semaphore, #tpu.memory_space<semaphore_mem>>) src(%arg3 : memref<16xi32, #tpu.memory_space<hbm>>) dst(%arg11 : memref<16xi32, #tpu.memory_space<vmem>>)
      tpu.yield
    }) : () -> ()
    %get3A = arith.constant 0 : index
    %get3A_2 = tpu.vector_load %arg11[%get3A] {strides = array<i32>} : memref<16xi32, #tpu.memory_space<vmem>>, vector<16xi32>,
    %reduce_max3A = arith.constant true
    %reduce_max3A_3 = vector.broadcast %reduce_max3A : i1 to vector<16xi1>
    %reduce_max3A_4 = arith.constant -2147483648 : i32
    %reduce_max3A_5 = vector.broadcast %reduce_max3A_4 : i32 to vector<16xi32>
    %reduce_max3A_6 = arith.xori %get3A_2, %reduce_max3A_5 : vector<16xi32>
    %reduce_max3A_7 = tpu.scan <max>, %reduce_max3A_6 masked %reduce_max3A_3 : vector<16xi32>, vector<16xi1> -> vector<16xi32>
    %reduce_max3A_8 = arith.xori %reduce_max3A_7, %reduce_max3A_5 : vector<16xi32>
    %reduce_max3A_9 = vector.extract %reduce_max3A_8[15] : i32 from vector<16xi32>
    %parallel_loop3A = arith.constant 0 : i32
    %parallel_loop3A_10 = arith.constant 8 : i32
    %parallel_loop3A_11 = arith.constant 1 : i32
    scf.for %parallel_loop3A_273 = %parallel_loop3A to %parallel_loop3A_10 step %parallel_loop3A_11  : i32 {
      %parallel_loop3A_274 = arith.constant 16 : i32
      %parallel_loop3A_275 = arith.muli %parallel_loop3A_273, %parallel_loop3A_274 : i32
      %parallel_loop3A_276 = vector.broadcast %parallel_loop3A_275 : i32 to vector<16xi32>
      %parallel_loop3A_277 = arith.addi %iota3A, %parallel_loop3A_276 : vector<16xi32>
      %parallel_loop3A_278 = arith.constant 16 : i32
      %parallel_loop3A_279 = arith.muli %parallel_loop3A_273, %parallel_loop3A_278 : i32
      %parallel_loop3A_280 = arith.index_cast %parallel_loop3A_279 : i32 to index
      %parallel_loop3A_281 = tpu.vector_load %arg10[%parallel_loop3A_280] {strides = array<i32>} : memref<128xi32, #tpu.memory_space<vmem>>, vector<16xi32>,
      tpu.vector_store %arg10[%parallel_loop3A_280], %parallel_loop3A_277 {strides = array<i32>} : memref<128xi32, #tpu.memory_space<vmem>>, vector<16xi32>,
    } {sc.loop_unroll_factor = 1 : i64, sc.parallel_access}
    %parallel_loop3A_12 = arith.constant 0 : i32
    %parallel_loop3A_13 = arith.constant 4 : i32
    %parallel_loop3A_14 = arith.constant 1 : i32
    scf.for %parallel_loop3A_273 = %parallel_loop3A_12 to %parallel_loop3A_13 step %parallel_loop3A_14  : i32 {
      %parallel_loop3A_274 = arith.constant 16 : i32
      %parallel_loop3A_275 = arith.muli %parallel_loop3A_273, %parallel_loop3A_274 : i32
      %parallel_loop3A_276 = vector.broadcast %parallel_loop3A_275 : i32 to vector<16xi32>
      %parallel_loop3A_277 = arith.addi %iota3A, %parallel_loop3A_276 : vector<16xi32>
      %parallel_loop3A_278 = arith.constant 16 : i32
      %parallel_loop3A_279 = arith.muli %parallel_loop3A_273, %parallel_loop3A_278 : i32
      %parallel_loop3A_280 = arith.index_cast %parallel_loop3A_279 : i32 to index
      %parallel_loop3A_281 = tpu.vector_load %arg9[%parallel_loop3A_280] {strides = array<i32>} : memref<64xi32, #tpu.memory_space<vmem>>, vector<16xi32>,
      tpu.vector_store %arg9[%parallel_loop3A_280], %parallel_loop3A_277 {strides = array<i32>} : memref<64xi32, #tpu.memory_space<vmem>>, vector<16xi32>,
    } {sc.loop_unroll_factor = 1 : i64, sc.parallel_access}
    %mul3A_15 = arith.constant 1024 : i32
    %mul3A_16 = vector.broadcast %mul3A_15 : i32 to vector<16xi32>
    %mul3A_17 = arith.muli %iota3A, %mul3A_16 : vector<16xi32>
    %parallel_loop3A_18 = arith.constant 0 : i32
    %parallel_loop3A_19 = arith.constant 1024 : i32
    %parallel_loop3A_20 = arith.constant 1 : i32
    scf.for %parallel_loop3A_273 = %parallel_loop3A_18 to %parallel_loop3A_19 step %parallel_loop3A_20  : i32 {
      %parallel_loop3A_274 = arith.constant 16 : i32
      %parallel_loop3A_275 = arith.muli %parallel_loop3A_273, %parallel_loop3A_274 : i32
      %parallel_loop3A_276 = arith.index_cast %parallel_loop3A_275 : i32 to index
      %parallel_loop3A_277 = tpu.vector_load %arg6[%parallel_loop3A_276] {strides = array<i32>} : memref<32768xi32, #tpu.memory_space<vmem>>, vector<16xi32>,
      tpu.vector_store %arg6[%parallel_loop3A_276], %broadcast_in_dim3A_0 {strides = array<i32>} : memref<32768xi32, #tpu.memory_space<vmem>>, vector<16xi32>,
    } {sc.loop_unroll_factor = 8 : i64, sc.parallel_access}
    %broadcast_in_dim3A_21 = arith.constant 1 : i32
    %broadcast_in_dim3A_22 = vector.broadcast %broadcast_in_dim3A_21 : i32 to vector<16xi32>
    %parallel_loop3A_23 = arith.constant 0 : i32
    %parallel_loop3A_24 = arith.constant 4096 : i32
    %parallel_loop3A_25 = arith.constant 1 : i32
    %parallel_loop3A_26 = arith.constant 0 : i32
    scf.for %parallel_loop3A_273 = %parallel_loop3A_23 to %parallel_loop3A_24 step %parallel_loop3A_25  : i32 {
      %parallel_loop3A_274 = arith.constant 16 : i32
      %parallel_loop3A_275 = arith.muli %parallel_loop3A_273, %parallel_loop3A_274 : i32
      %parallel_loop3A_276 = arith.index_cast %parallel_loop3A_275 : i32 to index
      %parallel_loop3A_277 = tpu.vector_load %arg5[%parallel_loop3A_276] {strides = array<i32>} : memref<65536xi32, #tpu.memory_space<vmem>>, vector<16xi32>,
      %parallel_loop3A_278 = arith.constant 31 : i32
      %parallel_loop3A_279 = vector.broadcast %parallel_loop3A_278 : i32 to vector<16xi32>
      %parallel_loop3A_280 = arith.shrui %parallel_loop3A_277, %parallel_loop3A_279 : vector<16xi32>
      %parallel_loop3A_281 = vector.broadcast %parallel_loop3A_26 : i32 to vector<16xi32>
      %parallel_loop3A_282 = arith.cmpi eq, %parallel_loop3A_280, %parallel_loop3A_281 : vector<16xi32>
      %parallel_loop3A_283 = arith.constant 21 : i32
      %parallel_loop3A_284 = vector.broadcast %parallel_loop3A_283 : i32 to vector<16xi32>
      %parallel_loop3A_285 = arith.shrui %parallel_loop3A_277, %parallel_loop3A_284 : vector<16xi32>
      %parallel_loop3A_286 = arith.constant 1023 : i32
      %parallel_loop3A_287 = vector.broadcast %parallel_loop3A_286 : i32 to vector<16xi32>
      %parallel_loop3A_288 = arith.andi %parallel_loop3A_285, %parallel_loop3A_287 : vector<16xi32>
      %parallel_loop3A_289 = arith.addi %parallel_loop3A_288, %mul3A_17 : vector<16xi32>
      tpu.vector_store_idx %arg6[%parallel_loop3A_289], %broadcast_in_dim3A_22 masked %parallel_loop3A_282 {add = true} : memref<32768xi32, #tpu.memory_space<vmem>>[vector<16xi32>], vector<16xi32>, vector<16xi1>
    } {sc.loop_unroll_factor = 16 : i64, sc.parallel_access}
    %parallel_loop3A_27 = arith.constant 0 : i32
    %parallel_loop3A_28 = arith.constant 64 : i32
    %parallel_loop3A_29 = arith.constant 1 : i32
    scf.for %parallel_loop3A_273 = %parallel_loop3A_27 to %parallel_loop3A_28 step %parallel_loop3A_29  : i32 {
      %parallel_loop3A_274 = arith.constant 16 : i32
      %parallel_loop3A_275 = arith.muli %parallel_loop3A_273, %parallel_loop3A_274 : i32
      %parallel_loop3A_276 = arith.index_cast %parallel_loop3A_275 : i32 to index
      %parallel_loop3A_277 = tpu.vector_load %arg6[%parallel_loop3A_276] {strides = array<i32>} : memref<32768xi32, #tpu.memory_space<vmem>>, vector<16xi32>,
      %parallel_loop3A_278 = arith.constant 16 : i32
      %parallel_loop3A_279 = arith.muli %parallel_loop3A_273, %parallel_loop3A_278 : i32
      %parallel_loop3A_280 = arith.constant 1024 : i32
      %parallel_loop3A_281 = arith.addi %parallel_loop3A_280, %parallel_loop3A_279 : i32
      %parallel_loop3A_282 = arith.index_cast %parallel_loop3A_281 : i32 to index
      %parallel_loop3A_283 = tpu.vector_load %arg6[%parallel_loop3A_282] {strides = array<i32>} : memref<32768xi32, #tpu.memory_space<vmem>>, vector<16xi32>,
      %parallel_loop3A_284 = arith.addi %parallel_loop3A_277, %parallel_loop3A_283 : vector<16xi32>
      %parallel_loop3A_285 = arith.constant 16 : i32
      %parallel_loop3A_286 = arith.muli %parallel_loop3A_273, %parallel_loop3A_285 : i32
      %parallel_loop3A_287 = arith.constant 2048 : i32
      %parallel_loop3A_288 = arith.addi %parallel_loop3A_287, %parallel_loop3A_286 : i32
      %parallel_loop3A_289 = arith.index_cast %parallel_loop3A_288 : i32 to index
      %parallel_loop3A_290 = tpu.vector_load %arg6[%parallel_loop3A_289] {strides = array<i32>} : memref<32768xi32, #tpu.memory_space<vmem>>, vector<16xi32>,
      %parallel_loop3A_291 = arith.addi %parallel_loop3A_284, %parallel_loop3A_290 : vector<16xi32>
      %parallel_loop3A_292 = arith.constant 16 : i32
      %parallel_loop3A_293 = arith.muli %parallel_loop3A_273, %parallel_loop3A_292 : i32
      %parallel_loop3A_294 = arith.constant 3072 : i32
      %parallel_loop3A_295 = arith.addi %parallel_loop3A_294, %parallel_loop3A_293 : i32
      %parallel_loop3A_296 = arith.index_cast %parallel_loop3A_295 : i32 to index
      %parallel_loop3A_297 = tpu.vector_load %arg6[%parallel_loop3A_296] {strides = array<i32>} : memref<32768xi32, #tpu.memory_space<vmem>>, vector<16xi32>,
      %parallel_loop3A_298 = arith.addi %parallel_loop3A_291, %parallel_loop3A_297 : vector<16xi32>
      %parallel_loop3A_299 = arith.constant 16 : i32
      %parallel_loop3A_300 = arith.muli %parallel_loop3A_273, %parallel_loop3A_299 : i32
      %parallel_loop3A_301 = arith.constant 4096 : i32
      %parallel_loop3A_302 = arith.addi %parallel_loop3A_301, %parallel_loop3A_300 : i32
      %parallel_loop3A_303 = arith.index_cast %parallel_loop3A_302 : i32 to index
      %parallel_loop3A_304 = tpu.vector_load %arg6[%parallel_loop3A_303] {strides = array<i32>} : memref<32768xi32, #tpu.memory_space<vmem>>, vector<16xi32>,
      %parallel_loop3A_305 = arith.addi %parallel_loop3A_298, %parallel_loop3A_304 : vector<16xi32>
      %parallel_loop3A_306 = arith.constant 16 : i32
      %parallel_loop3A_307 = arith.muli %parallel_loop3A_273, %parallel_loop3A_306 : i32
      %parallel_loop3A_308 = arith.constant 5120 : i32
      %parallel_loop3A_309 = arith.addi %parallel_loop3A_308, %parallel_loop3A_307 : i32
      %parallel_loop3A_310 = arith.index_cast %parallel_loop3A_309 : i32 to index
      %parallel_loop3A_311 = tpu.vector_load %arg6[%parallel_loop3A_310] {strides = array<i32>} : memref<32768xi32, #tpu.memory_space<vmem>>, vector<16xi32>,
      %parallel_loop3A_312 = arith.addi %parallel_loop3A_305, %parallel_loop3A_311 : vector<16xi32>
      %parallel_loop3A_313 = arith.constant 16 : i32
      %parallel_loop3A_314 = arith.muli %parallel_loop3A_273, %parallel_loop3A_313 : i32
      %parallel_loop3A_315 = arith.constant 6144 : i32
      %parallel_loop3A_316 = arith.addi %parallel_loop3A_315, %parallel_loop3A_314 : i32
      %parallel_loop3A_317 = arith.index_cast %parallel_loop3A_316 : i32 to index
      %parallel_loop3A_318 = tpu.vector_load %arg6[%parallel_loop3A_317] {strides = array<i32>} : memref<32768xi32, #tpu.memory_space<vmem>>, vector<16xi32>,
      %parallel_loop3A_319 = arith.addi %parallel_loop3A_312, %parallel_loop3A_318 : vector<16xi32>
      %parallel_loop3A_320 = arith.constant 16 : i32
      %parallel_loop3A_321 = arith.muli %parallel_loop3A_273, %parallel_loop3A_320 : i32
      %parallel_loop3A_322 = arith.constant 7168 : i32
      %parallel_loop3A_323 = arith.addi %parallel_loop3A_322, %parallel_loop3A_321 : i32
      %parallel_loop3A_324 = arith.index_cast %parallel_loop3A_323 : i32 to index
      %parallel_loop3A_325 = tpu.vector_load %arg6[%parallel_loop3A_324] {strides = array<i32>} : memref<32768xi32, #tpu.memory_space<vmem>>, vector<16xi32>,
      %parallel_loop3A_326 = arith.addi %parallel_loop3A_319, %parallel_loop3A_325 : vector<16xi32>
      %parallel_loop3A_327 = arith.constant 16 : i32
      %parallel_loop3A_328 = arith.muli %parallel_loop3A_273, %parallel_loop3A_327 : i32
      %parallel_loop3A_329 = arith.constant 8192 : i32
      %parallel_loop3A_330 = arith.addi %parallel_loop3A_329, %parallel_loop3A_328 : i32
      %parallel_loop3A_331 = arith.index_cast %parallel_loop3A_330 : i32 to index
      %parallel_loop3A_332 = tpu.vector_load %arg6[%parallel_loop3A_331] {strides = array<i32>} : memref<32768xi32, #tpu.memory_space<vmem>>, vector<16xi32>,
      %parallel_loop3A_333 = arith.addi %parallel_loop3A_326, %parallel_loop3A_332 : vector<16xi32>
      %parallel_loop3A_334 = arith.constant 16 : i32
      %parallel_loop3A_335 = arith.muli %parallel_loop3A_273, %parallel_loop3A_334 : i32
      %parallel_loop3A_336 = arith.constant 9216 : i32
      %parallel_loop3A_337 = arith.addi %parallel_loop3A_336, %parallel_loop3A_335 : i32
      %parallel_loop3A_338 = arith.index_cast %parallel_loop3A_337 : i32 to index
      %parallel_loop3A_339 = tpu.vector_load %arg6[%parallel_loop3A_338] {strides = array<i32>} : memref<32768xi32, #tpu.memory_space<vmem>>, vector<16xi32>,
      %parallel_loop3A_340 = arith.addi %parallel_loop3A_333, %parallel_loop3A_339 : vector<16xi32>
      %parallel_loop3A_341 = arith.constant 16 : i32
      %parallel_loop3A_342 = arith.muli %parallel_loop3A_273, %parallel_loop3A_341 : i32
      %parallel_loop3A_343 = arith.constant 10240 : i32
      %parallel_loop3A_344 = arith.addi %parallel_loop3A_343, %parallel_loop3A_342 : i32
      %parallel_loop3A_345 = arith.index_cast %parallel_loop3A_344 : i32 to index
      %parallel_loop3A_346 = tpu.vector_load %arg6[%parallel_loop3A_345] {strides = array<i32>} : memref<32768xi32, #tpu.memory_space<vmem>>, vector<16xi32>,
      %parallel_loop3A_347 = arith.addi %parallel_loop3A_340, %parallel_loop3A_346 : vector<16xi32>
      %parallel_loop3A_348 = arith.constant 16 : i32
      %parallel_loop3A_349 = arith.muli %parallel_loop3A_273, %parallel_loop3A_348 : i32
      %parallel_loop3A_350 = arith.constant 11264 : i32
      %parallel_loop3A_351 = arith.addi %parallel_loop3A_350, %parallel_loop3A_349 : i32
      %parallel_loop3A_352 = arith.index_cast %parallel_loop3A_351 : i32 to index
      %parallel_loop3A_353 = tpu.vector_load %arg6[%parallel_loop3A_352] {strides = array<i32>} : memref<32768xi32, #tpu.memory_space<vmem>>, vector<16xi32>,
      %parallel_loop3A_354 = arith.addi %parallel_loop3A_347, %parallel_loop3A_353 : vector<16xi32>
      %parallel_loop3A_355 = arith.constant 16 : i32
      %parallel_loop3A_356 = arith.muli %parallel_loop3A_273, %parallel_loop3A_355 : i32
      %parallel_loop3A_357 = arith.constant 12288 : i32
      %parallel_loop3A_358 = arith.addi %parallel_loop3A_357, %parallel_loop3A_356 : i32
      %parallel_loop3A_359 = arith.index_cast %parallel_loop3A_358 : i32 to index
      %parallel_loop3A_360 = tpu.vector_load %arg6[%parallel_loop3A_359] {strides = array<i32>} : memref<32768xi32, #tpu.memory_space<vmem>>, vector<16xi32>,
      %parallel_loop3A_361 = arith.addi %parallel_loop3A_354, %parallel_loop3A_360 : vector<16xi32>
      %parallel_loop3A_362 = arith.constant 16 : i32
      %parallel_loop3A_363 = arith.muli %parallel_loop3A_273, %parallel_loop3A_362 : i32
      %parallel_loop3A_364 = arith.constant 13312 : i32
      %parallel_loop3A_365 = arith.addi %parallel_loop3A_364, %parallel_loop3A_363 : i32
      %parallel_loop3A_366 = arith.index_cast %parallel_loop3A_365 : i32 to index
      %parallel_loop3A_367 = tpu.vector_load %arg6[%parallel_loop3A_366] {strides = array<i32>} : memref<32768xi32, #tpu.memory_space<vmem>>, vector<16xi32>,
      %parallel_loop3A_368 = arith.addi %parallel_loop3A_361, %parallel_loop3A_367 : vector<16xi32>
      %parallel_loop3A_369 = arith.constant 16 : i32
      %parallel_loop3A_370 = arith.muli %parallel_loop3A_273, %parallel_loop3A_369 : i32
      %parallel_loop3A_371 = arith.constant 14336 : i32
      %parallel_loop3A_372 = arith.addi %parallel_loop3A_371, %parallel_loop3A_370 : i32
      %parallel_loop3A_373 = arith.index_cast %parallel_loop3A_372 : i32 to index
      %parallel_loop3A_374 = tpu.vector_load %arg6[%parallel_loop3A_373] {strides = array<i32>} : memref<32768xi32, #tpu.memory_space<vmem>>, vector<16xi32>,
      %parallel_loop3A_375 = arith.addi %parallel_loop3A_368, %parallel_loop3A_374 : vector<16xi32>
      %parallel_loop3A_376 = arith.constant 16 : i32
      %parallel_loop3A_377 = arith.muli %parallel_loop3A_273, %parallel_loop3A_376 : i32
      %parallel_loop3A_378 = arith.constant 15360 : i32
      %parallel_loop3A_379 = arith.addi %parallel_loop3A_378, %parallel_loop3A_377 : i32
      %parallel_loop3A_380 = arith.index_cast %parallel_loop3A_379 : i32 to index
      %parallel_loop3A_381 = tpu.vector_load %arg6[%parallel_loop3A_380] {strides = array<i32>} : memref<32768xi32, #tpu.memory_space<vmem>>, vector<16xi32>,
      %parallel_loop3A_382 = arith.addi %parallel_loop3A_375, %parallel_loop3A_381 : vector<16xi32>
      %parallel_loop3A_383 = arith.index_cast %parallel_loop3A_273 : i32 to index
      %parallel_loop3A_384 = arith.constant 0 : index
      %parallel_loop3A_385 = tpu.vector_load %arg7[%parallel_loop3A_383, %parallel_loop3A_384] {strides = array<i32>} : memref<128x16xi32, #tpu.memory_space<vmem>>, vector<16xi32>,
      tpu.vector_store %arg7[%parallel_loop3A_383, %parallel_loop3A_384], %parallel_loop3A_382 {strides = array<i32>} : memref<128x16xi32, #tpu.memory_space<vmem>>, vector<16xi32>,
    } {sc.loop_unroll_factor = 2 : i64, sc.parallel_access}
    %eq3A = arith.constant 0 : i32
    %eq3A_30 = arith.cmpi eq, %arg1, %eq3A : i32
    %convert_element_type3A = arith.extui %eq3A_30 : i1 to i32
    %cond3A = arith.constant 0 : i32
    %cond3A_31 = arith.cmpi ne, %convert_element_type3A, %cond3A : i32
    scf.if %cond3A_31 {
      "tpu.region"() ({
        %run_scoped3A = tpu.sem_alloc : memref<!tpu.dma_semaphore, #tpu.memory_space<semaphore_mem>>
        %dma_start3A = arith.constant 0 : i32
        %dma_start3A_273 = arith.constant 0 : i32
        %dma_start3A_274 = tpu.memref_slice %arg7[%dma_start3A, %dma_start3A_273] : memref<128x16xi32, #tpu.memory_space<vmem>> -> memref<64x16xi32, #tpu.memory_space<vmem>>
        %dma_start3A_275 = arith.constant 0 : i32
        %dma_start3A_276 = arith.constant 0 : i32
        %dma_start3A_277 = tpu.memref_slice %arg14[%dma_start3A_275, %dma_start3A_276] : memref<128x16xi32, #tpu.memory_space<vmem_shared>> -> memref<128x16xi32, #tpu.memory_space<vmem_shared>>
        tpu.enqueue_indirect_dma source(%dma_start3A_274 : memref<64x16xi32, #tpu.memory_space<vmem>>) target(%dma_start3A_277 : memref<128x16xi32, #tpu.memory_space<vmem_shared>>) offsets(%arg9 : memref<64xi32, #tpu.memory_space<vmem>>) semaphore(%run_scoped3A : memref<!tpu.dma_semaphore, #tpu.memory_space<semaphore_mem>>)
        %dma_wait3A = arith.constant 0 : i32
        %dma_wait3A_278 = arith.constant 0 : i32
        %dma_wait3A_279 = tpu.memref_slice %arg7[%dma_wait3A, %dma_wait3A_278] : memref<128x16xi32, #tpu.memory_space<vmem>> -> memref<64x16xi32, #tpu.memory_space<vmem>>
        %dma_wait3A_280 = arith.constant 0 : i32
        %dma_wait3A_281 = arith.constant 0 : i32
        %dma_wait3A_282 = tpu.memref_slice %arg14[%dma_wait3A_280, %dma_wait3A_281] : memref<128x16xi32, #tpu.memory_space<vmem_shared>> -> memref<128x16xi32, #tpu.memory_space<vmem_shared>>
        tpu.wait_indirect_dma semaphore(%run_scoped3A : memref<!tpu.dma_semaphore, #tpu.memory_space<semaphore_mem>>) src(%dma_wait3A_279 : memref<64x16xi32, #tpu.memory_space<vmem>>) dst(%dma_wait3A_282 : memref<128x16xi32, #tpu.memory_space<vmem_shared>>)
        tpu.yield
      }) : () -> ()
    } else {
    }
    %barrier3A = arith.constant 0 : index
    tpu.barrier barrier_id(%barrier3A)
    %ne3A = arith.constant 0 : i32
    %ne3A_32 = arith.cmpi ne, %arg1, %ne3A : i32
    %convert_element_type3A_33 = arith.extui %ne3A_32 : i1 to i32
    %cond3A_34 = arith.constant 0 : i32
    %cond3A_35 = arith.cmpi ne, %convert_element_type3A_33, %cond3A_34 : i32
    scf.if %cond3A_35 {
      "tpu.region"() ({
        %run_scoped3A = tpu.sem_alloc : memref<!tpu.dma_semaphore, #tpu.memory_space<semaphore_mem>>
        %dma_start3A = arith.constant 0 : i32
        %dma_start3A_273 = arith.constant 0 : i32
        %dma_start3A_274 = tpu.memref_slice %arg7[%dma_start3A, %dma_start3A_273] : memref<128x16xi32, #tpu.memory_space<vmem>> -> memref<64x16xi32, #tpu.memory_space<vmem>>
        %dma_start3A_275 = arith.constant 0 : i32
        %dma_start3A_276 = arith.constant 0 : i32
        %dma_start3A_277 = tpu.memref_slice %arg14[%dma_start3A_275, %dma_start3A_276] : memref<128x16xi32, #tpu.memory_space<vmem_shared>> -> memref<128x16xi32, #tpu.memory_space<vmem_shared>>
        tpu.enqueue_indirect_dma source(%dma_start3A_274 : memref<64x16xi32, #tpu.memory_space<vmem>>) target(%dma_start3A_277 : memref<128x16xi32, #tpu.memory_space<vmem_shared>>) offsets(%arg9 : memref<64xi32, #tpu.memory_space<vmem>>) semaphore(%run_scoped3A : memref<!tpu.dma_semaphore, #tpu.memory_space<semaphore_mem>>) {add = true}
        %dma_wait3A = arith.constant 0 : i32
        %dma_wait3A_278 = arith.constant 0 : i32
        %dma_wait3A_279 = tpu.memref_slice %arg7[%dma_wait3A, %dma_wait3A_278] : memref<128x16xi32, #tpu.memory_space<vmem>> -> memref<64x16xi32, #tpu.memory_space<vmem>>
        %dma_wait3A_280 = arith.constant 0 : i32
        %dma_wait3A_281 = arith.constant 0 : i32
        %dma_wait3A_282 = tpu.memref_slice %arg14[%dma_wait3A_280, %dma_wait3A_281] : memref<128x16xi32, #tpu.memory_space<vmem_shared>> -> memref<128x16xi32, #tpu.memory_space<vmem_shared>>
        tpu.wait_indirect_dma semaphore(%run_scoped3A : memref<!tpu.dma_semaphore, #tpu.memory_space<semaphore_mem>>) src(%dma_wait3A_279 : memref<64x16xi32, #tpu.memory_space<vmem>>) dst(%dma_wait3A_282 : memref<128x16xi32, #tpu.memory_space<vmem_shared>>)
        tpu.yield
      }) : () -> ()
    } else {
    }
    %barrier3A_36 = arith.constant 0 : index
    tpu.barrier barrier_id(%barrier3A_36)
    "tpu.region"() ({
      %run_scoped3A = tpu.sem_alloc : memref<!tpu.dma_semaphore, #tpu.memory_space<semaphore_mem>>
      %dma_start3A = arith.constant 0 : i32
      %dma_start3A_273 = arith.constant 0 : i32
      %dma_start3A_274 = tpu.memref_slice %arg8[%dma_start3A, %dma_start3A_273] : memref<128x16xi32, #tpu.memory_space<vmem>> -> memref<64x16xi32, #tpu.memory_space<vmem>>
      %dma_start3A_275 = arith.constant 0 : i32
      %dma_start3A_276 = arith.constant 0 : i32
      %dma_start3A_277 = tpu.memref_slice %arg14[%dma_start3A_275, %dma_start3A_276] : memref<128x16xi32, #tpu.memory_space<vmem_shared>> -> memref<64x16xi32, #tpu.memory_space<vmem_shared>>
      %dma_start3A_278 = arith.constant 0 : i32
      %dma_start3A_279 = arith.constant 0 : i32
      %dma_start3A_280 = tpu.memref_slice %arg8[%dma_start3A_278, %dma_start3A_279] : memref<128x16xi32, #tpu.memory_space<vmem>> -> memref<64x16xi32, #tpu.memory_space<vmem>>
      %dma_start3A_281 = arith.constant 0 : i32
      %dma_start3A_282 = arith.constant 0 : i32
      %dma_start3A_283 = tpu.memref_slice %arg14[%dma_start3A_281, %dma_start3A_282] : memref<128x16xi32, #tpu.memory_space<vmem_shared>> -> memref<64x16xi32, #tpu.memory_space<vmem_shared>>
      tpu.enqueue_dma source(%dma_start3A_283 : memref<64x16xi32, #tpu.memory_space<vmem_shared>>) target(%dma_start3A_280 : memref<64x16xi32, #tpu.memory_space<vmem>>) target_semaphore(%run_scoped3A : memref<!tpu.dma_semaphore, #tpu.memory_space<semaphore_mem>>)
      %dma_wait3A = arith.constant 0 : i32
      %dma_wait3A_284 = arith.constant 0 : i32
      %dma_wait3A_285 = tpu.memref_slice %arg8[%dma_wait3A, %dma_wait3A_284] : memref<128x16xi32, #tpu.memory_space<vmem>> -> memref<64x16xi32, #tpu.memory_space<vmem>>
      %dma_wait3A_286 = arith.constant 0 : i32
      %dma_wait3A_287 = arith.constant 0 : i32
      %dma_wait3A_288 = tpu.memref_slice %arg14[%dma_wait3A_286, %dma_wait3A_287] : memref<128x16xi32, #tpu.memory_space<vmem_shared>> -> memref<64x16xi32, #tpu.memory_space<vmem_shared>>
      %dma_wait3A_289 = arith.constant 0 : i32
      %dma_wait3A_290 = arith.constant 0 : i32
      %dma_wait3A_291 = tpu.memref_slice %arg8[%dma_wait3A_289, %dma_wait3A_290] : memref<128x16xi32, #tpu.memory_space<vmem>> -> memref<64x16xi32, #tpu.memory_space<vmem>>
      %dma_wait3A_292 = arith.constant 0 : i32
      %dma_wait3A_293 = arith.constant 0 : i32
      %dma_wait3A_294 = tpu.memref_slice %arg14[%dma_wait3A_292, %dma_wait3A_293] : memref<128x16xi32, #tpu.memory_space<vmem_shared>> -> memref<64x16xi32, #tpu.memory_space<vmem_shared>>
      tpu.wait_dma2 semaphore(%run_scoped3A : memref<!tpu.dma_semaphore, #tpu.memory_space<semaphore_mem>>) src(%dma_wait3A_294 : memref<64x16xi32, #tpu.memory_space<vmem_shared>>) dst(%dma_wait3A_291 : memref<64x16xi32, #tpu.memory_space<vmem>>)
      tpu.yield
    }) : () -> ()
    %parallel_loop3A_37 = arith.constant 0 : i32
    %parallel_loop3A_38 = arith.constant 64 : i32
    %parallel_loop3A_39 = arith.constant 1 : i32
    scf.for %parallel_loop3A_273 = %parallel_loop3A_37 to %parallel_loop3A_38 step %parallel_loop3A_39  : i32 {
      %parallel_loop3A_274 = arith.index_cast %parallel_loop3A_273 : i32 to index
      %parallel_loop3A_275 = arith.constant 0 : index
      %parallel_loop3A_276 = tpu.vector_load %arg8[%parallel_loop3A_274, %parallel_loop3A_275] {strides = array<i32>} : memref<128x16xi32, #tpu.memory_space<vmem>>, vector<16xi32>,
      %parallel_loop3A_277 = arith.constant true
      %parallel_loop3A_278 = vector.broadcast %parallel_loop3A_277 : i1 to vector<16xi1>
      %parallel_loop3A_279 = tpu.scan <sum>, %parallel_loop3A_276 masked %parallel_loop3A_278 : vector<16xi32>, vector<16xi1> -> vector<16xi32>
      %parallel_loop3A_280 = vector.extract %parallel_loop3A_279[15] : i32 from vector<16xi32>
      %parallel_loop3A_281 = arith.index_cast %parallel_loop3A_273 : i32 to index
      %parallel_loop3A_282 = memref.load %arg13[%parallel_loop3A_281] : memref<128xi32, #tpu.memory_space<smem>>
      memref.store %parallel_loop3A_280, %arg13[%parallel_loop3A_281] : memref<128xi32, #tpu.memory_space<smem>>
    } {sc.loop_unroll_factor = 4 : i64, sc.parallel_access}
    %scan3A = arith.constant 0 : i32
    %scan3A_40 = arith.constant 0 : i32
    %scan3A_41 = arith.constant 0 : i32
    %scan3A_42 = arith.constant false
    %scan3A_43 = arith.constant 0 : i32
    %scan3A_44 = arith.constant 64 : i32
    %scan3A_45 = arith.addi %scan3A_43, %scan3A_44 : i32
    %scan3A_46 = arith.constant 1 : i32
    %scan3A_47:4 = scf.for %scan3A_273 = %scan3A_43 to %scan3A_45 step %scan3A_46 iter_args(%scan3A_274 = %scan3A, %scan3A_275 = %scan3A_40, %scan3A_276 = %scan3A_41, %scan3A_277 = %scan3A_42) -> (i32, i32, i32, i1)  : i32 {
      %sub3A_278 = arith.constant 63 : i32
      %sub3A_279 = arith.subi %sub3A_278, %scan3A_273 : i32
      %get3A_280 = arith.index_cast %sub3A_279 : i32 to index
      %get3A_281 = memref.load %arg13[%get3A_280] : memref<128xi32, #tpu.memory_space<smem>>
      %add3A_282 = arith.addi %scan3A_274, %get3A_281 : i32
      %not3A = arith.constant true
      %not3A_283 = arith.xori %scan3A_277, %not3A : i1
      %ge3A_284 = arith.cmpi sge, %add3A_282, %reduce_max3A_9 : i32
      %and3A_285 = arith.andi %not3A_283, %ge3A_284 : i1
      %select_n3A_286 = arith.select %and3A_285, %sub3A_279, %scan3A_275 : i32
      %select_n3A_287 = arith.select %and3A_285, %scan3A_274, %scan3A_276 : i32
      %or3A_288 = arith.ori %scan3A_277, %and3A_285 : i1
      scf.yield %add3A_282, %select_n3A_286, %select_n3A_287, %or3A_288 : i32, i32, i32, i1
    }
    %scan3A_48 = arith.constant 64 : i32
    %get3A_49 = arith.index_cast %scan3A_47#1 : i32 to index
    %get3A_50 = arith.constant 0 : index
    %get3A_51 = tpu.vector_load %arg8[%get3A_49, %get3A_50] {strides = array<i32>} : memref<128x16xi32, #tpu.memory_space<vmem>>, vector<16xi32>,
    %rev3A = arith.constant 15 : i32
    %rev3A_52 = vector.broadcast %rev3A : i32 to vector<16xi32>
    %rev3A_53 = tpu.iota {dimensions = array<i32: 0>} : vector<16xi32>
    %rev3A_54 = arith.subi %rev3A_52, %rev3A_53 : vector<16xi32>
    %rev3A_55 = tpu.dynamic_gather %get3A_51[%rev3A_54] in [0] : vector<16xi32>, vector<16xi32> -> vector<16xi32>
    %broadcast_in_dim3A_56 = arith.constant true
    %broadcast_in_dim3A_57 = vector.broadcast %broadcast_in_dim3A_56 : i1 to vector<16xi1>
    %masked_cumsum3A = tpu.scan <sum>, %rev3A_55 masked %broadcast_in_dim3A_57 : vector<16xi32>, vector<16xi1> -> vector<16xi32>
    %rev3A_58 = arith.constant 15 : i32
    %rev3A_59 = vector.broadcast %rev3A_58 : i32 to vector<16xi32>
    %rev3A_60 = tpu.iota {dimensions = array<i32: 0>} : vector<16xi32>
    %rev3A_61 = arith.subi %rev3A_59, %rev3A_60 : vector<16xi32>
    %rev3A_62 = tpu.dynamic_gather %masked_cumsum3A[%rev3A_61] in [0] : vector<16xi32>, vector<16xi32> -> vector<16xi32>
    %add3A = vector.broadcast %scan3A_47#2 : i32 to vector<16xi32>
    %add3A_63 = arith.addi %rev3A_62, %add3A : vector<16xi32>
    %ge3A = vector.broadcast %reduce_max3A_9 : i32 to vector<16xi32>
    %ge3A_64 = arith.cmpi sge, %add3A_63, %ge3A : vector<16xi32>
    %mul3A_65 = arith.constant 16 : i32
    %mul3A_66 = arith.muli %scan3A_47#1, %mul3A_65 : i32
    %convert_element_type3A_67 = arith.extui %ge3A_64 : vector<16xi1> to vector<16xi32>
    %reduce_sum3A = arith.constant true
    %reduce_sum3A_68 = vector.broadcast %reduce_sum3A : i1 to vector<16xi1>
    %reduce_sum3A_69 = tpu.scan <sum>, %convert_element_type3A_67 masked %reduce_sum3A_68 : vector<16xi32>, vector<16xi1> -> vector<16xi32>
    %reduce_sum3A_70 = vector.extract %reduce_sum3A_69[15] : i32 from vector<16xi32>
    %add3A_71 = arith.addi %mul3A_66, %reduce_sum3A_70 : i32
    %sub3A = arith.constant 1 : i32
    %sub3A_72 = arith.subi %add3A_71, %sub3A : i32
    %jit3A = arith.constant 0 : i32
    %broadcast_in_dim3A_73 = vector.broadcast %jit3A : i32 to vector<16xi32>
    %select_n3A = arith.select %ge3A_64, %broadcast_in_dim3A_73, %get3A_51 : vector<16xi1>, vector<16xi32>
    %reduce_sum3A_74 = arith.constant true
    %reduce_sum3A_75 = vector.broadcast %reduce_sum3A_74 : i1 to vector<16xi1>
    %reduce_sum3A_76 = tpu.scan <sum>, %select_n3A masked %reduce_sum3A_75 : vector<16xi32>, vector<16xi1> -> vector<16xi32>
    %reduce_sum3A_77 = vector.extract %reduce_sum3A_76[15] : i32 from vector<16xi32>
    %add3A_78 = arith.addi %scan3A_47#2, %reduce_sum3A_77 : i32
    %sub3A_79 = arith.subi %reduce_max3A_9, %add3A_78 : i32
    %shift_left3A = arith.constant 0 : i32
    %shift_left3A_80 = arith.constant 0 : i32
    %shift_left3A_81 = arith.shli %shift_left3A, %shift_left3A_80 : i32
    %or3A = arith.ori %shift_left3A_81, %sub3A_72 : i32
    %mul3A_82 = arith.constant 1024 : i32
    %mul3A_83 = vector.broadcast %mul3A_82 : i32 to vector<16xi32>
    %mul3A_84 = arith.muli %iota3A, %mul3A_83 : vector<16xi32>
    %parallel_loop3A_85 = arith.constant 0 : i32
    %parallel_loop3A_86 = arith.constant 1024 : i32
    %parallel_loop3A_87 = arith.constant 1 : i32
    scf.for %parallel_loop3A_273 = %parallel_loop3A_85 to %parallel_loop3A_86 step %parallel_loop3A_87  : i32 {
      %parallel_loop3A_274 = arith.constant 16 : i32
      %parallel_loop3A_275 = arith.muli %parallel_loop3A_273, %parallel_loop3A_274 : i32
      %parallel_loop3A_276 = arith.index_cast %parallel_loop3A_275 : i32 to index
      %parallel_loop3A_277 = tpu.vector_load %arg6[%parallel_loop3A_276] {strides = array<i32>} : memref<32768xi32, #tpu.memory_space<vmem>>, vector<16xi32>,
      tpu.vector_store %arg6[%parallel_loop3A_276], %broadcast_in_dim3A_0 {strides = array<i32>} : memref<32768xi32, #tpu.memory_space<vmem>>, vector<16xi32>,
    } {sc.loop_unroll_factor = 8 : i64, sc.parallel_access}
    %broadcast_in_dim3A_88 = arith.constant 1 : i32
    %broadcast_in_dim3A_89 = vector.broadcast %broadcast_in_dim3A_88 : i32 to vector<16xi32>
    %parallel_loop3A_90 = arith.constant 0 : i32
    %parallel_loop3A_91 = arith.constant 4096 : i32
    %parallel_loop3A_92 = arith.constant 1 : i32
    scf.for %parallel_loop3A_273 = %parallel_loop3A_90 to %parallel_loop3A_91 step %parallel_loop3A_92  : i32 {
      %parallel_loop3A_274 = arith.constant 16 : i32
      %parallel_loop3A_275 = arith.muli %parallel_loop3A_273, %parallel_loop3A_274 : i32
      %parallel_loop3A_276 = arith.index_cast %parallel_loop3A_275 : i32 to index
      %parallel_loop3A_277 = tpu.vector_load %arg5[%parallel_loop3A_276] {strides = array<i32>} : memref<65536xi32, #tpu.memory_space<vmem>>, vector<16xi32>,
      %parallel_loop3A_278 = arith.constant 21 : i32
      %parallel_loop3A_279 = vector.broadcast %parallel_loop3A_278 : i32 to vector<16xi32>
      %parallel_loop3A_280 = arith.shrui %parallel_loop3A_277, %parallel_loop3A_279 : vector<16xi32>
      %parallel_loop3A_281 = vector.broadcast %sub3A_72 : i32 to vector<16xi32>
      %parallel_loop3A_282 = arith.cmpi eq, %parallel_loop3A_280, %parallel_loop3A_281 : vector<16xi32>
      %parallel_loop3A_283 = arith.constant 11 : i32
      %parallel_loop3A_284 = vector.broadcast %parallel_loop3A_283 : i32 to vector<16xi32>
      %parallel_loop3A_285 = arith.shrui %parallel_loop3A_277, %parallel_loop3A_284 : vector<16xi32>
      %parallel_loop3A_286 = arith.constant 1023 : i32
      %parallel_loop3A_287 = vector.broadcast %parallel_loop3A_286 : i32 to vector<16xi32>
      %parallel_loop3A_288 = arith.andi %parallel_loop3A_285, %parallel_loop3A_287 : vector<16xi32>
      %parallel_loop3A_289 = arith.addi %parallel_loop3A_288, %mul3A_84 : vector<16xi32>
      tpu.vector_store_idx %arg6[%parallel_loop3A_289], %broadcast_in_dim3A_89 masked %parallel_loop3A_282 {add = true} : memref<32768xi32, #tpu.memory_space<vmem>>[vector<16xi32>], vector<16xi32>, vector<16xi1>
    } {sc.loop_unroll_factor = 16 : i64, sc.parallel_access}
    %parallel_loop3A_93 = arith.constant 0 : i32
    %parallel_loop3A_94 = arith.constant 64 : i32
    %parallel_loop3A_95 = arith.constant 1 : i32
    scf.for %parallel_loop3A_273 = %parallel_loop3A_93 to %parallel_loop3A_94 step %parallel_loop3A_95  : i32 {
      %parallel_loop3A_274 = arith.constant 16 : i32
      %parallel_loop3A_275 = arith.muli %parallel_loop3A_273, %parallel_loop3A_274 : i32
      %parallel_loop3A_276 = arith.index_cast %parallel_loop3A_275 : i32 to index
      %parallel_loop3A_277 = tpu.vector_load %arg6[%parallel_loop3A_276] {strides = array<i32>} : memref<32768xi32, #tpu.memory_space<vmem>>, vector<16xi32>,
      %parallel_loop3A_278 = arith.constant 16 : i32
      %parallel_loop3A_279 = arith.muli %parallel_loop3A_273, %parallel_loop3A_278 : i32
      %parallel_loop3A_280 = arith.constant 1024 : i32
      %parallel_loop3A_281 = arith.addi %parallel_loop3A_280, %parallel_loop3A_279 : i32
      %parallel_loop3A_282 = arith.index_cast %parallel_loop3A_281 : i32 to index
      %parallel_loop3A_283 = tpu.vector_load %arg6[%parallel_loop3A_282] {strides = array<i32>} : memref<32768xi32, #tpu.memory_space<vmem>>, vector<16xi32>,
      %parallel_loop3A_284 = arith.addi %parallel_loop3A_277, %parallel_loop3A_283 : vector<16xi32>
      %parallel_loop3A_285 = arith.constant 16 : i32
      %parallel_loop3A_286 = arith.muli %parallel_loop3A_273, %parallel_loop3A_285 : i32
      %parallel_loop3A_287 = arith.constant 2048 : i32
      %parallel_loop3A_288 = arith.addi %parallel_loop3A_287, %parallel_loop3A_286 : i32
      %parallel_loop3A_289 = arith.index_cast %parallel_loop3A_288 : i32 to index
      %parallel_loop3A_290 = tpu.vector_load %arg6[%parallel_loop3A_289] {strides = array<i32>} : memref<32768xi32, #tpu.memory_space<vmem>>, vector<16xi32>,
      %parallel_loop3A_291 = arith.addi %parallel_loop3A_284, %parallel_loop3A_290 : vector<16xi32>
      %parallel_loop3A_292 = arith.constant 16 : i32
      %parallel_loop3A_293 = arith.muli %parallel_loop3A_273, %parallel_loop3A_292 : i32
      %parallel_loop3A_294 = arith.constant 3072 : i32
      %parallel_loop3A_295 = arith.addi %parallel_loop3A_294, %parallel_loop3A_293 : i32
      %parallel_loop3A_296 = arith.index_cast %parallel_loop3A_295 : i32 to index
      %parallel_loop3A_297 = tpu.vector_load %arg6[%parallel_loop3A_296] {strides = array<i32>} : memref<32768xi32, #tpu.memory_space<vmem>>, vector<16xi32>,
      %parallel_loop3A_298 = arith.addi %parallel_loop3A_291, %parallel_loop3A_297 : vector<16xi32>
      %parallel_loop3A_299 = arith.constant 16 : i32
      %parallel_loop3A_300 = arith.muli %parallel_loop3A_273, %parallel_loop3A_299 : i32
      %parallel_loop3A_301 = arith.constant 4096 : i32
      %parallel_loop3A_302 = arith.addi %parallel_loop3A_301, %parallel_loop3A_300 : i32
      %parallel_loop3A_303 = arith.index_cast %parallel_loop3A_302 : i32 to index
      %parallel_loop3A_304 = tpu.vector_load %arg6[%parallel_loop3A_303] {strides = array<i32>} : memref<32768xi32, #tpu.memory_space<vmem>>, vector<16xi32>,
      %parallel_loop3A_305 = arith.addi %parallel_loop3A_298, %parallel_loop3A_304 : vector<16xi32>
      %parallel_loop3A_306 = arith.constant 16 : i32
      %parallel_loop3A_307 = arith.muli %parallel_loop3A_273, %parallel_loop3A_306 : i32
      %parallel_loop3A_308 = arith.constant 5120 : i32
      %parallel_loop3A_309 = arith.addi %parallel_loop3A_308, %parallel_loop3A_307 : i32
      %parallel_loop3A_310 = arith.index_cast %parallel_loop3A_309 : i32 to index
      %parallel_loop3A_311 = tpu.vector_load %arg6[%parallel_loop3A_310] {strides = array<i32>} : memref<32768xi32, #tpu.memory_space<vmem>>, vector<16xi32>,
      %parallel_loop3A_312 = arith.addi %parallel_loop3A_305, %parallel_loop3A_311 : vector<16xi32>
      %parallel_loop3A_313 = arith.constant 16 : i32
      %parallel_loop3A_314 = arith.muli %parallel_loop3A_273, %parallel_loop3A_313 : i32
      %parallel_loop3A_315 = arith.constant 6144 : i32
      %parallel_loop3A_316 = arith.addi %parallel_loop3A_315, %parallel_loop3A_314 : i32
      %parallel_loop3A_317 = arith.index_cast %parallel_loop3A_316 : i32 to index
      %parallel_loop3A_318 = tpu.vector_load %arg6[%parallel_loop3A_317] {strides = array<i32>} : memref<32768xi32, #tpu.memory_space<vmem>>, vector<16xi32>,
      %parallel_loop3A_319 = arith.addi %parallel_loop3A_312, %parallel_loop3A_318 : vector<16xi32>
      %parallel_loop3A_320 = arith.constant 16 : i32
      %parallel_loop3A_321 = arith.muli %parallel_loop3A_273, %parallel_loop3A_320 : i32
      %parallel_loop3A_322 = arith.constant 7168 : i32
      %parallel_loop3A_323 = arith.addi %parallel_loop3A_322, %parallel_loop3A_321 : i32
      %parallel_loop3A_324 = arith.index_cast %parallel_loop3A_323 : i32 to index
      %parallel_loop3A_325 = tpu.vector_load %arg6[%parallel_loop3A_324] {strides = array<i32>} : memref<32768xi32, #tpu.memory_space<vmem>>, vector<16xi32>,
      %parallel_loop3A_326 = arith.addi %parallel_loop3A_319, %parallel_loop3A_325 : vector<16xi32>
      %parallel_loop3A_327 = arith.constant 16 : i32
      %parallel_loop3A_328 = arith.muli %parallel_loop3A_273, %parallel_loop3A_327 : i32
      %parallel_loop3A_329 = arith.constant 8192 : i32
      %parallel_loop3A_330 = arith.addi %parallel_loop3A_329, %parallel_loop3A_328 : i32
      %parallel_loop3A_331 = arith.index_cast %parallel_loop3A_330 : i32 to index
      %parallel_loop3A_332 = tpu.vector_load %arg6[%parallel_loop3A_331] {strides = array<i32>} : memref<32768xi32, #tpu.memory_space<vmem>>, vector<16xi32>,
      %parallel_loop3A_333 = arith.addi %parallel_loop3A_326, %parallel_loop3A_332 : vector<16xi32>
      %parallel_loop3A_334 = arith.constant 16 : i32
      %parallel_loop3A_335 = arith.muli %parallel_loop3A_273, %parallel_loop3A_334 : i32
      %parallel_loop3A_336 = arith.constant 9216 : i32
      %parallel_loop3A_337 = arith.addi %parallel_loop3A_336, %parallel_loop3A_335 : i32
      %parallel_loop3A_338 = arith.index_cast %parallel_loop3A_337 : i32 to index
      %parallel_loop3A_339 = tpu.vector_load %arg6[%parallel_loop3A_338] {strides = array<i32>} : memref<32768xi32, #tpu.memory_space<vmem>>, vector<16xi32>,
      %parallel_loop3A_340 = arith.addi %parallel_loop3A_333, %parallel_loop3A_339 : vector<16xi32>
      %parallel_loop3A_341 = arith.constant 16 : i32
      %parallel_loop3A_342 = arith.muli %parallel_loop3A_273, %parallel_loop3A_341 : i32
      %parallel_loop3A_343 = arith.constant 10240 : i32
      %parallel_loop3A_344 = arith.addi %parallel_loop3A_343, %parallel_loop3A_342 : i32
      %parallel_loop3A_345 = arith.index_cast %parallel_loop3A_344 : i32 to index
      %parallel_loop3A_346 = tpu.vector_load %arg6[%parallel_loop3A_345] {strides = array<i32>} : memref<32768xi32, #tpu.memory_space<vmem>>, vector<16xi32>,
      %parallel_loop3A_347 = arith.addi %parallel_loop3A_340, %parallel_loop3A_346 : vector<16xi32>
      %parallel_loop3A_348 = arith.constant 16 : i32
      %parallel_loop3A_349 = arith.muli %parallel_loop3A_273, %parallel_loop3A_348 : i32
      %parallel_loop3A_350 = arith.constant 11264 : i32
      %parallel_loop3A_351 = arith.addi %parallel_loop3A_350, %parallel_loop3A_349 : i32
      %parallel_loop3A_352 = arith.index_cast %parallel_loop3A_351 : i32 to index
      %parallel_loop3A_353 = tpu.vector_load %arg6[%parallel_loop3A_352] {strides = array<i32>} : memref<32768xi32, #tpu.memory_space<vmem>>, vector<16xi32>,
      %parallel_loop3A_354 = arith.addi %parallel_loop3A_347, %parallel_loop3A_353 : vector<16xi32>
      %parallel_loop3A_355 = arith.constant 16 : i32
      %parallel_loop3A_356 = arith.muli %parallel_loop3A_273, %parallel_loop3A_355 : i32
      %parallel_loop3A_357 = arith.constant 12288 : i32
      %parallel_loop3A_358 = arith.addi %parallel_loop3A_357, %parallel_loop3A_356 : i32
      %parallel_loop3A_359 = arith.index_cast %parallel_loop3A_358 : i32 to index
      %parallel_loop3A_360 = tpu.vector_load %arg6[%parallel_loop3A_359] {strides = array<i32>} : memref<32768xi32, #tpu.memory_space<vmem>>, vector<16xi32>,
      %parallel_loop3A_361 = arith.addi %parallel_loop3A_354, %parallel_loop3A_360 : vector<16xi32>
      %parallel_loop3A_362 = arith.constant 16 : i32
      %parallel_loop3A_363 = arith.muli %parallel_loop3A_273, %parallel_loop3A_362 : i32
      %parallel_loop3A_364 = arith.constant 13312 : i32
      %parallel_loop3A_365 = arith.addi %parallel_loop3A_364, %parallel_loop3A_363 : i32
      %parallel_loop3A_366 = arith.index_cast %parallel_loop3A_365 : i32 to index
      %parallel_loop3A_367 = tpu.vector_load %arg6[%parallel_loop3A_366] {strides = array<i32>} : memref<32768xi32, #tpu.memory_space<vmem>>, vector<16xi32>,
      %parallel_loop3A_368 = arith.addi %parallel_loop3A_361, %parallel_loop3A_367 : vector<16xi32>
      %parallel_loop3A_369 = arith.constant 16 : i32
      %parallel_loop3A_370 = arith.muli %parallel_loop3A_273, %parallel_loop3A_369 : i32
      %parallel_loop3A_371 = arith.constant 14336 : i32
      %parallel_loop3A_372 = arith.addi %parallel_loop3A_371, %parallel_loop3A_370 : i32
      %parallel_loop3A_373 = arith.index_cast %parallel_loop3A_372 : i32 to index
      %parallel_loop3A_374 = tpu.vector_load %arg6[%parallel_loop3A_373] {strides = array<i32>} : memref<32768xi32, #tpu.memory_space<vmem>>, vector<16xi32>,
      %parallel_loop3A_375 = arith.addi %parallel_loop3A_368, %parallel_loop3A_374 : vector<16xi32>
      %parallel_loop3A_376 = arith.constant 16 : i32
      %parallel_loop3A_377 = arith.muli %parallel_loop3A_273, %parallel_loop3A_376 : i32
      %parallel_loop3A_378 = arith.constant 15360 : i32
      %parallel_loop3A_379 = arith.addi %parallel_loop3A_378, %parallel_loop3A_377 : i32
      %parallel_loop3A_380 = arith.index_cast %parallel_loop3A_379 : i32 to index
      %parallel_loop3A_381 = tpu.vector_load %arg6[%parallel_loop3A_380] {strides = array<i32>} : memref<32768xi32, #tpu.memory_space<vmem>>, vector<16xi32>,
      %parallel_loop3A_382 = arith.addi %parallel_loop3A_375, %parallel_loop3A_381 : vector<16xi32>
      %parallel_loop3A_383 = arith.index_cast %parallel_loop3A_273 : i32 to index
      %parallel_loop3A_384 = arith.constant 0 : index
      %parallel_loop3A_385 = tpu.vector_load %arg7[%parallel_loop3A_383, %parallel_loop3A_384] {strides = array<i32>} : memref<128x16xi32, #tpu.memory_space<vmem>>, vector<16xi32>,
      tpu.vector_store %arg7[%parallel_loop3A_383, %parallel_loop3A_384], %parallel_loop3A_382 {strides = array<i32>} : memref<128x16xi32, #tpu.memory_space<vmem>>, vector<16xi32>,
    } {sc.loop_unroll_factor = 2 : i64, sc.parallel_access}
    %eq3A_96 = arith.constant 0 : i32
    %eq3A_97 = arith.cmpi eq, %arg1, %eq3A_96 : i32
    %convert_element_type3A_98 = arith.extui %eq3A_97 : i1 to i32
    %cond3A_99 = arith.constant 0 : i32
    %cond3A_100 = arith.cmpi ne, %convert_element_type3A_98, %cond3A_99 : i32
    scf.if %cond3A_100 {
      "tpu.region"() ({
        %run_scoped3A = tpu.sem_alloc : memref<!tpu.dma_semaphore, #tpu.memory_space<semaphore_mem>>
        %dma_start3A = arith.constant 0 : i32
        %dma_start3A_273 = arith.constant 0 : i32
        %dma_start3A_274 = tpu.memref_slice %arg7[%dma_start3A, %dma_start3A_273] : memref<128x16xi32, #tpu.memory_space<vmem>> -> memref<64x16xi32, #tpu.memory_space<vmem>>
        %dma_start3A_275 = arith.constant 0 : i32
        %dma_start3A_276 = arith.constant 0 : i32
        %dma_start3A_277 = tpu.memref_slice %arg14[%dma_start3A_275, %dma_start3A_276] : memref<128x16xi32, #tpu.memory_space<vmem_shared>> -> memref<128x16xi32, #tpu.memory_space<vmem_shared>>
        tpu.enqueue_indirect_dma source(%dma_start3A_274 : memref<64x16xi32, #tpu.memory_space<vmem>>) target(%dma_start3A_277 : memref<128x16xi32, #tpu.memory_space<vmem_shared>>) offsets(%arg9 : memref<64xi32, #tpu.memory_space<vmem>>) semaphore(%run_scoped3A : memref<!tpu.dma_semaphore, #tpu.memory_space<semaphore_mem>>)
        %dma_wait3A = arith.constant 0 : i32
        %dma_wait3A_278 = arith.constant 0 : i32
        %dma_wait3A_279 = tpu.memref_slice %arg7[%dma_wait3A, %dma_wait3A_278] : memref<128x16xi32, #tpu.memory_space<vmem>> -> memref<64x16xi32, #tpu.memory_space<vmem>>
        %dma_wait3A_280 = arith.constant 0 : i32
        %dma_wait3A_281 = arith.constant 0 : i32
        %dma_wait3A_282 = tpu.memref_slice %arg14[%dma_wait3A_280, %dma_wait3A_281] : memref<128x16xi32, #tpu.memory_space<vmem_shared>> -> memref<128x16xi32, #tpu.memory_space<vmem_shared>>
        tpu.wait_indirect_dma semaphore(%run_scoped3A : memref<!tpu.dma_semaphore, #tpu.memory_space<semaphore_mem>>) src(%dma_wait3A_279 : memref<64x16xi32, #tpu.memory_space<vmem>>) dst(%dma_wait3A_282 : memref<128x16xi32, #tpu.memory_space<vmem_shared>>)
        tpu.yield
      }) : () -> ()
    } else {
    }
    %barrier3A_101 = arith.constant 0 : index
    tpu.barrier barrier_id(%barrier3A_101)
    %ne3A_102 = arith.constant 0 : i32
    %ne3A_103 = arith.cmpi ne, %arg1, %ne3A_102 : i32
    %convert_element_type3A_104 = arith.extui %ne3A_103 : i1 to i32
    %cond3A_105 = arith.constant 0 : i32
    %cond3A_106 = arith.cmpi ne, %convert_element_type3A_104, %cond3A_105 : i32
    scf.if %cond3A_106 {
      "tpu.region"() ({
        %run_scoped3A = tpu.sem_alloc : memref<!tpu.dma_semaphore, #tpu.memory_space<semaphore_mem>>
        %dma_start3A = arith.constant 0 : i32
        %dma_start3A_273 = arith.constant 0 : i32
        %dma_start3A_274 = tpu.memref_slice %arg7[%dma_start3A, %dma_start3A_273] : memref<128x16xi32, #tpu.memory_space<vmem>> -> memref<64x16xi32, #tpu.memory_space<vmem>>
        %dma_start3A_275 = arith.constant 0 : i32
        %dma_start3A_276 = arith.constant 0 : i32
        %dma_start3A_277 = tpu.memref_slice %arg14[%dma_start3A_275, %dma_start3A_276] : memref<128x16xi32, #tpu.memory_space<vmem_shared>> -> memref<128x16xi32, #tpu.memory_space<vmem_shared>>
        tpu.enqueue_indirect_dma source(%dma_start3A_274 : memref<64x16xi32, #tpu.memory_space<vmem>>) target(%dma_start3A_277 : memref<128x16xi32, #tpu.memory_space<vmem_shared>>) offsets(%arg9 : memref<64xi32, #tpu.memory_space<vmem>>) semaphore(%run_scoped3A : memref<!tpu.dma_semaphore, #tpu.memory_space<semaphore_mem>>) {add = true}
        %dma_wait3A = arith.constant 0 : i32
        %dma_wait3A_278 = arith.constant 0 : i32
        %dma_wait3A_279 = tpu.memref_slice %arg7[%dma_wait3A, %dma_wait3A_278] : memref<128x16xi32, #tpu.memory_space<vmem>> -> memref<64x16xi32, #tpu.memory_space<vmem>>
        %dma_wait3A_280 = arith.constant 0 : i32
        %dma_wait3A_281 = arith.constant 0 : i32
        %dma_wait3A_282 = tpu.memref_slice %arg14[%dma_wait3A_280, %dma_wait3A_281] : memref<128x16xi32, #tpu.memory_space<vmem_shared>> -> memref<128x16xi32, #tpu.memory_space<vmem_shared>>
        tpu.wait_indirect_dma semaphore(%run_scoped3A : memref<!tpu.dma_semaphore, #tpu.memory_space<semaphore_mem>>) src(%dma_wait3A_279 : memref<64x16xi32, #tpu.memory_space<vmem>>) dst(%dma_wait3A_282 : memref<128x16xi32, #tpu.memory_space<vmem_shared>>)
        tpu.yield
      }) : () -> ()
    } else {
    }
    %barrier3A_107 = arith.constant 0 : index
    tpu.barrier barrier_id(%barrier3A_107)
    "tpu.region"() ({
      %run_scoped3A = tpu.sem_alloc : memref<!tpu.dma_semaphore, #tpu.memory_space<semaphore_mem>>
      %dma_start3A = arith.constant 0 : i32
      %dma_start3A_273 = arith.constant 0 : i32
      %dma_start3A_274 = tpu.memref_slice %arg8[%dma_start3A, %dma_start3A_273] : memref<128x16xi32, #tpu.memory_space<vmem>> -> memref<64x16xi32, #tpu.memory_space<vmem>>
      %dma_start3A_275 = arith.constant 0 : i32
      %dma_start3A_276 = arith.constant 0 : i32
      %dma_start3A_277 = tpu.memref_slice %arg14[%dma_start3A_275, %dma_start3A_276] : memref<128x16xi32, #tpu.memory_space<vmem_shared>> -> memref<64x16xi32, #tpu.memory_space<vmem_shared>>
      %dma_start3A_278 = arith.constant 0 : i32
      %dma_start3A_279 = arith.constant 0 : i32
      %dma_start3A_280 = tpu.memref_slice %arg8[%dma_start3A_278, %dma_start3A_279] : memref<128x16xi32, #tpu.memory_space<vmem>> -> memref<64x16xi32, #tpu.memory_space<vmem>>
      %dma_start3A_281 = arith.constant 0 : i32
      %dma_start3A_282 = arith.constant 0 : i32
      %dma_start3A_283 = tpu.memref_slice %arg14[%dma_start3A_281, %dma_start3A_282] : memref<128x16xi32, #tpu.memory_space<vmem_shared>> -> memref<64x16xi32, #tpu.memory_space<vmem_shared>>
      tpu.enqueue_dma source(%dma_start3A_283 : memref<64x16xi32, #tpu.memory_space<vmem_shared>>) target(%dma_start3A_280 : memref<64x16xi32, #tpu.memory_space<vmem>>) target_semaphore(%run_scoped3A : memref<!tpu.dma_semaphore, #tpu.memory_space<semaphore_mem>>)
      %dma_wait3A = arith.constant 0 : i32
      %dma_wait3A_284 = arith.constant 0 : i32
      %dma_wait3A_285 = tpu.memref_slice %arg8[%dma_wait3A, %dma_wait3A_284] : memref<128x16xi32, #tpu.memory_space<vmem>> -> memref<64x16xi32, #tpu.memory_space<vmem>>
      %dma_wait3A_286 = arith.constant 0 : i32
      %dma_wait3A_287 = arith.constant 0 : i32
      %dma_wait3A_288 = tpu.memref_slice %arg14[%dma_wait3A_286, %dma_wait3A_287] : memref<128x16xi32, #tpu.memory_space<vmem_shared>> -> memref<64x16xi32, #tpu.memory_space<vmem_shared>>
      %dma_wait3A_289 = arith.constant 0 : i32
      %dma_wait3A_290 = arith.constant 0 : i32
      %dma_wait3A_291 = tpu.memref_slice %arg8[%dma_wait3A_289, %dma_wait3A_290] : memref<128x16xi32, #tpu.memory_space<vmem>> -> memref<64x16xi32, #tpu.memory_space<vmem>>
      %dma_wait3A_292 = arith.constant 0 : i32
      %dma_wait3A_293 = arith.constant 0 : i32
      %dma_wait3A_294 = tpu.memref_slice %arg14[%dma_wait3A_292, %dma_wait3A_293] : memref<128x16xi32, #tpu.memory_space<vmem_shared>> -> memref<64x16xi32, #tpu.memory_space<vmem_shared>>
      tpu.wait_dma2 semaphore(%run_scoped3A : memref<!tpu.dma_semaphore, #tpu.memory_space<semaphore_mem>>) src(%dma_wait3A_294 : memref<64x16xi32, #tpu.memory_space<vmem_shared>>) dst(%dma_wait3A_291 : memref<64x16xi32, #tpu.memory_space<vmem>>)
      tpu.yield
    }) : () -> ()
    %parallel_loop3A_108 = arith.constant 0 : i32
    %parallel_loop3A_109 = arith.constant 64 : i32
    %parallel_loop3A_110 = arith.constant 1 : i32
    scf.for %parallel_loop3A_273 = %parallel_loop3A_108 to %parallel_loop3A_109 step %parallel_loop3A_110  : i32 {
      %parallel_loop3A_274 = arith.index_cast %parallel_loop3A_273 : i32 to index
      %parallel_loop3A_275 = arith.constant 0 : index
      %parallel_loop3A_276 = tpu.vector_load %arg8[%parallel_loop3A_274, %parallel_loop3A_275] {strides = array<i32>} : memref<128x16xi32, #tpu.memory_space<vmem>>, vector<16xi32>,
      %parallel_loop3A_277 = arith.constant true
      %parallel_loop3A_278 = vector.broadcast %parallel_loop3A_277 : i1 to vector<16xi1>
      %parallel_loop3A_279 = tpu.scan <sum>, %parallel_loop3A_276 masked %parallel_loop3A_278 : vector<16xi32>, vector<16xi1> -> vector<16xi32>
      %parallel_loop3A_280 = vector.extract %parallel_loop3A_279[15] : i32 from vector<16xi32>
      %parallel_loop3A_281 = arith.index_cast %parallel_loop3A_273 : i32 to index
      %parallel_loop3A_282 = memref.load %arg13[%parallel_loop3A_281] : memref<128xi32, #tpu.memory_space<smem>>
      memref.store %parallel_loop3A_280, %arg13[%parallel_loop3A_281] : memref<128xi32, #tpu.memory_space<smem>>
    } {sc.loop_unroll_factor = 4 : i64, sc.parallel_access}
    %scan3A_111 = arith.constant 0 : i32
    %scan3A_112 = arith.constant 0 : i32
    %scan3A_113 = arith.constant 0 : i32
    %scan3A_114 = arith.constant false
    %scan3A_115 = arith.constant 0 : i32
    %scan3A_116 = arith.constant 64 : i32
    %scan3A_117 = arith.addi %scan3A_115, %scan3A_116 : i32
    %scan3A_118 = arith.constant 1 : i32
    %scan3A_119:4 = scf.for %scan3A_273 = %scan3A_115 to %scan3A_117 step %scan3A_118 iter_args(%scan3A_274 = %scan3A_111, %scan3A_275 = %scan3A_112, %scan3A_276 = %scan3A_113, %scan3A_277 = %scan3A_114) -> (i32, i32, i32, i1)  : i32 {
      %sub3A_278 = arith.constant 63 : i32
      %sub3A_279 = arith.subi %sub3A_278, %scan3A_273 : i32
      %get3A_280 = arith.index_cast %sub3A_279 : i32 to index
      %get3A_281 = memref.load %arg13[%get3A_280] : memref<128xi32, #tpu.memory_space<smem>>
      %add3A_282 = arith.addi %scan3A_274, %get3A_281 : i32
      %not3A = arith.constant true
      %not3A_283 = arith.xori %scan3A_277, %not3A : i1
      %ge3A_284 = arith.cmpi sge, %add3A_282, %sub3A_79 : i32
      %and3A_285 = arith.andi %not3A_283, %ge3A_284 : i1
      %select_n3A_286 = arith.select %and3A_285, %sub3A_279, %scan3A_275 : i32
      %select_n3A_287 = arith.select %and3A_285, %scan3A_274, %scan3A_276 : i32
      %or3A_288 = arith.ori %scan3A_277, %and3A_285 : i1
      scf.yield %add3A_282, %select_n3A_286, %select_n3A_287, %or3A_288 : i32, i32, i32, i1
    }
    %scan3A_120 = arith.constant 64 : i32
    %get3A_121 = arith.index_cast %scan3A_119#1 : i32 to index
    %get3A_122 = arith.constant 0 : index
    %get3A_123 = tpu.vector_load %arg8[%get3A_121, %get3A_122] {strides = array<i32>} : memref<128x16xi32, #tpu.memory_space<vmem>>, vector<16xi32>,
    %rev3A_124 = arith.constant 15 : i32
    %rev3A_125 = vector.broadcast %rev3A_124 : i32 to vector<16xi32>
    %rev3A_126 = tpu.iota {dimensions = array<i32: 0>} : vector<16xi32>
    %rev3A_127 = arith.subi %rev3A_125, %rev3A_126 : vector<16xi32>
    %rev3A_128 = tpu.dynamic_gather %get3A_123[%rev3A_127] in [0] : vector<16xi32>, vector<16xi32> -> vector<16xi32>
    %broadcast_in_dim3A_129 = arith.constant true
    %broadcast_in_dim3A_130 = vector.broadcast %broadcast_in_dim3A_129 : i1 to vector<16xi1>
    %masked_cumsum3A_131 = tpu.scan <sum>, %rev3A_128 masked %broadcast_in_dim3A_130 : vector<16xi32>, vector<16xi1> -> vector<16xi32>
    %rev3A_132 = arith.constant 15 : i32
    %rev3A_133 = vector.broadcast %rev3A_132 : i32 to vector<16xi32>
    %rev3A_134 = tpu.iota {dimensions = array<i32: 0>} : vector<16xi32>
    %rev3A_135 = arith.subi %rev3A_133, %rev3A_134 : vector<16xi32>
    %rev3A_136 = tpu.dynamic_gather %masked_cumsum3A_131[%rev3A_135] in [0] : vector<16xi32>, vector<16xi32> -> vector<16xi32>
    %add3A_137 = vector.broadcast %scan3A_119#2 : i32 to vector<16xi32>
    %add3A_138 = arith.addi %rev3A_136, %add3A_137 : vector<16xi32>
    %ge3A_139 = vector.broadcast %sub3A_79 : i32 to vector<16xi32>
    %ge3A_140 = arith.cmpi sge, %add3A_138, %ge3A_139 : vector<16xi32>
    %mul3A_141 = arith.constant 16 : i32
    %mul3A_142 = arith.muli %scan3A_119#1, %mul3A_141 : i32
    %convert_element_type3A_143 = arith.extui %ge3A_140 : vector<16xi1> to vector<16xi32>
    %reduce_sum3A_144 = arith.constant true
    %reduce_sum3A_145 = vector.broadcast %reduce_sum3A_144 : i1 to vector<16xi1>
    %reduce_sum3A_146 = tpu.scan <sum>, %convert_element_type3A_143 masked %reduce_sum3A_145 : vector<16xi32>, vector<16xi1> -> vector<16xi32>
    %reduce_sum3A_147 = vector.extract %reduce_sum3A_146[15] : i32 from vector<16xi32>
    %add3A_148 = arith.addi %mul3A_142, %reduce_sum3A_147 : i32
    %sub3A_149 = arith.constant 1 : i32
    %sub3A_150 = arith.subi %add3A_148, %sub3A_149 : i32
    %jit3A_151 = arith.constant 0 : i32
    %broadcast_in_dim3A_152 = vector.broadcast %jit3A_151 : i32 to vector<16xi32>
    %select_n3A_153 = arith.select %ge3A_140, %broadcast_in_dim3A_152, %get3A_123 : vector<16xi1>, vector<16xi32>
    %reduce_sum3A_154 = arith.constant true
    %reduce_sum3A_155 = vector.broadcast %reduce_sum3A_154 : i1 to vector<16xi1>
    %reduce_sum3A_156 = tpu.scan <sum>, %select_n3A_153 masked %reduce_sum3A_155 : vector<16xi32>, vector<16xi1> -> vector<16xi32>
    %reduce_sum3A_157 = vector.extract %reduce_sum3A_156[15] : i32 from vector<16xi32>
    %add3A_158 = arith.addi %scan3A_119#2, %reduce_sum3A_157 : i32
    %sub3A_159 = arith.subi %sub3A_79, %add3A_158 : i32
    %shift_left3A_160 = arith.constant 10 : i32
    %shift_left3A_161 = arith.shli %sub3A_72, %shift_left3A_160 : i32
    %or3A_162 = arith.ori %shift_left3A_161, %sub3A_150 : i32
    %shift_left3A_163 = arith.constant 10 : i32
    %shift_left3A_164 = arith.shli %or3A, %shift_left3A_163 : i32
    %or3A_165 = arith.ori %shift_left3A_164, %sub3A_150 : i32
    %mul3A_166 = arith.constant 2048 : i32
    %mul3A_167 = vector.broadcast %mul3A_166 : i32 to vector<16xi32>
    %mul3A_168 = arith.muli %iota3A, %mul3A_167 : vector<16xi32>
    %parallel_loop3A_169 = arith.constant 0 : i32
    %parallel_loop3A_170 = arith.constant 2048 : i32
    %parallel_loop3A_171 = arith.constant 1 : i32
    scf.for %parallel_loop3A_273 = %parallel_loop3A_169 to %parallel_loop3A_170 step %parallel_loop3A_171  : i32 {
      %parallel_loop3A_274 = arith.constant 16 : i32
      %parallel_loop3A_275 = arith.muli %parallel_loop3A_273, %parallel_loop3A_274 : i32
      %parallel_loop3A_276 = arith.index_cast %parallel_loop3A_275 : i32 to index
      %parallel_loop3A_277 = tpu.vector_load %arg6[%parallel_loop3A_276] {strides = array<i32>} : memref<32768xi32, #tpu.memory_space<vmem>>, vector<16xi32>,
      tpu.vector_store %arg6[%parallel_loop3A_276], %broadcast_in_dim3A_0 {strides = array<i32>} : memref<32768xi32, #tpu.memory_space<vmem>>, vector<16xi32>,
    } {sc.loop_unroll_factor = 8 : i64, sc.parallel_access}
    %broadcast_in_dim3A_172 = arith.constant 1 : i32
    %broadcast_in_dim3A_173 = vector.broadcast %broadcast_in_dim3A_172 : i32 to vector<16xi32>
    %parallel_loop3A_174 = arith.constant 0 : i32
    %parallel_loop3A_175 = arith.constant 4096 : i32
    %parallel_loop3A_176 = arith.constant 1 : i32
    scf.for %parallel_loop3A_273 = %parallel_loop3A_174 to %parallel_loop3A_175 step %parallel_loop3A_176  : i32 {
      %parallel_loop3A_274 = arith.constant 16 : i32
      %parallel_loop3A_275 = arith.muli %parallel_loop3A_273, %parallel_loop3A_274 : i32
      %parallel_loop3A_276 = arith.index_cast %parallel_loop3A_275 : i32 to index
      %parallel_loop3A_277 = tpu.vector_load %arg5[%parallel_loop3A_276] {strides = array<i32>} : memref<65536xi32, #tpu.memory_space<vmem>>, vector<16xi32>,
      %parallel_loop3A_278 = arith.constant 11 : i32
      %parallel_loop3A_279 = vector.broadcast %parallel_loop3A_278 : i32 to vector<16xi32>
      %parallel_loop3A_280 = arith.shrui %parallel_loop3A_277, %parallel_loop3A_279 : vector<16xi32>
      %parallel_loop3A_281 = vector.broadcast %or3A_162 : i32 to vector<16xi32>
      %parallel_loop3A_282 = arith.cmpi eq, %parallel_loop3A_280, %parallel_loop3A_281 : vector<16xi32>
      %parallel_loop3A_283 = arith.constant 0 : i32
      %parallel_loop3A_284 = vector.broadcast %parallel_loop3A_283 : i32 to vector<16xi32>
      %parallel_loop3A_285 = arith.shrui %parallel_loop3A_277, %parallel_loop3A_284 : vector<16xi32>
      %parallel_loop3A_286 = arith.constant 2047 : i32
      %parallel_loop3A_287 = vector.broadcast %parallel_loop3A_286 : i32 to vector<16xi32>
      %parallel_loop3A_288 = arith.andi %parallel_loop3A_285, %parallel_loop3A_287 : vector<16xi32>
      %parallel_loop3A_289 = arith.addi %parallel_loop3A_288, %mul3A_168 : vector<16xi32>
      tpu.vector_store_idx %arg6[%parallel_loop3A_289], %broadcast_in_dim3A_173 masked %parallel_loop3A_282 {add = true} : memref<32768xi32, #tpu.memory_space<vmem>>[vector<16xi32>], vector<16xi32>, vector<16xi1>
    } {sc.loop_unroll_factor = 16 : i64, sc.parallel_access}
    %parallel_loop3A_177 = arith.constant 0 : i32
    %parallel_loop3A_178 = arith.constant 128 : i32
    %parallel_loop3A_179 = arith.constant 1 : i32
    scf.for %parallel_loop3A_273 = %parallel_loop3A_177 to %parallel_loop3A_178 step %parallel_loop3A_179  : i32 {
      %parallel_loop3A_274 = arith.constant 16 : i32
      %parallel_loop3A_275 = arith.muli %parallel_loop3A_273, %parallel_loop3A_274 : i32
      %parallel_loop3A_276 = arith.index_cast %parallel_loop3A_275 : i32 to index
      %parallel_loop3A_277 = tpu.vector_load %arg6[%parallel_loop3A_276] {strides = array<i32>} : memref<32768xi32, #tpu.memory_space<vmem>>, vector<16xi32>,
      %parallel_loop3A_278 = arith.constant 16 : i32
      %parallel_loop3A_279 = arith.muli %parallel_loop3A_273, %parallel_loop3A_278 : i32
      %parallel_loop3A_280 = arith.constant 2048 : i32
      %parallel_loop3A_281 = arith.addi %parallel_loop3A_280, %parallel_loop3A_279 : i32
      %parallel_loop3A_282 = arith.index_cast %parallel_loop3A_281 : i32 to index
      %parallel_loop3A_283 = tpu.vector_load %arg6[%parallel_loop3A_282] {strides = array<i32>} : memref<32768xi32, #tpu.memory_space<vmem>>, vector<16xi32>,
      %parallel_loop3A_284 = arith.addi %parallel_loop3A_277, %parallel_loop3A_283 : vector<16xi32>
      %parallel_loop3A_285 = arith.constant 16 : i32
      %parallel_loop3A_286 = arith.muli %parallel_loop3A_273, %parallel_loop3A_285 : i32
      %parallel_loop3A_287 = arith.constant 4096 : i32
      %parallel_loop3A_288 = arith.addi %parallel_loop3A_287, %parallel_loop3A_286 : i32
      %parallel_loop3A_289 = arith.index_cast %parallel_loop3A_288 : i32 to index
      %parallel_loop3A_290 = tpu.vector_load %arg6[%parallel_loop3A_289] {strides = array<i32>} : memref<32768xi32, #tpu.memory_space<vmem>>, vector<16xi32>,
      %parallel_loop3A_291 = arith.addi %parallel_loop3A_284, %parallel_loop3A_290 : vector<16xi32>
      %parallel_loop3A_292 = arith.constant 16 : i32
      %parallel_loop3A_293 = arith.muli %parallel_loop3A_273, %parallel_loop3A_292 : i32
      %parallel_loop3A_294 = arith.constant 6144 : i32
      %parallel_loop3A_295 = arith.addi %parallel_loop3A_294, %parallel_loop3A_293 : i32
      %parallel_loop3A_296 = arith.index_cast %parallel_loop3A_295 : i32 to index
      %parallel_loop3A_297 = tpu.vector_load %arg6[%parallel_loop3A_296] {strides = array<i32>} : memref<32768xi32, #tpu.memory_space<vmem>>, vector<16xi32>,
      %parallel_loop3A_298 = arith.addi %parallel_loop3A_291, %parallel_loop3A_297 : vector<16xi32>
      %parallel_loop3A_299 = arith.constant 16 : i32
      %parallel_loop3A_300 = arith.muli %parallel_loop3A_273, %parallel_loop3A_299 : i32
      %parallel_loop3A_301 = arith.constant 8192 : i32
      %parallel_loop3A_302 = arith.addi %parallel_loop3A_301, %parallel_loop3A_300 : i32
      %parallel_loop3A_303 = arith.index_cast %parallel_loop3A_302 : i32 to index
      %parallel_loop3A_304 = tpu.vector_load %arg6[%parallel_loop3A_303] {strides = array<i32>} : memref<32768xi32, #tpu.memory_space<vmem>>, vector<16xi32>,
      %parallel_loop3A_305 = arith.addi %parallel_loop3A_298, %parallel_loop3A_304 : vector<16xi32>
      %parallel_loop3A_306 = arith.constant 16 : i32
      %parallel_loop3A_307 = arith.muli %parallel_loop3A_273, %parallel_loop3A_306 : i32
      %parallel_loop3A_308 = arith.constant 10240 : i32
      %parallel_loop3A_309 = arith.addi %parallel_loop3A_308, %parallel_loop3A_307 : i32
      %parallel_loop3A_310 = arith.index_cast %parallel_loop3A_309 : i32 to index
      %parallel_loop3A_311 = tpu.vector_load %arg6[%parallel_loop3A_310] {strides = array<i32>} : memref<32768xi32, #tpu.memory_space<vmem>>, vector<16xi32>,
      %parallel_loop3A_312 = arith.addi %parallel_loop3A_305, %parallel_loop3A_311 : vector<16xi32>
      %parallel_loop3A_313 = arith.constant 16 : i32
      %parallel_loop3A_314 = arith.muli %parallel_loop3A_273, %parallel_loop3A_313 : i32
      %parallel_loop3A_315 = arith.constant 12288 : i32
      %parallel_loop3A_316 = arith.addi %parallel_loop3A_315, %parallel_loop3A_314 : i32
      %parallel_loop3A_317 = arith.index_cast %parallel_loop3A_316 : i32 to index
      %parallel_loop3A_318 = tpu.vector_load %arg6[%parallel_loop3A_317] {strides = array<i32>} : memref<32768xi32, #tpu.memory_space<vmem>>, vector<16xi32>,
      %parallel_loop3A_319 = arith.addi %parallel_loop3A_312, %parallel_loop3A_318 : vector<16xi32>
      %parallel_loop3A_320 = arith.constant 16 : i32
      %parallel_loop3A_321 = arith.muli %parallel_loop3A_273, %parallel_loop3A_320 : i32
      %parallel_loop3A_322 = arith.constant 14336 : i32
      %parallel_loop3A_323 = arith.addi %parallel_loop3A_322, %parallel_loop3A_321 : i32
      %parallel_loop3A_324 = arith.index_cast %parallel_loop3A_323 : i32 to index
      %parallel_loop3A_325 = tpu.vector_load %arg6[%parallel_loop3A_324] {strides = array<i32>} : memref<32768xi32, #tpu.memory_space<vmem>>, vector<16xi32>,
      %parallel_loop3A_326 = arith.addi %parallel_loop3A_319, %parallel_loop3A_325 : vector<16xi32>
      %parallel_loop3A_327 = arith.constant 16 : i32
      %parallel_loop3A_328 = arith.muli %parallel_loop3A_273, %parallel_loop3A_327 : i32
      %parallel_loop3A_329 = arith.constant 16384 : i32
      %parallel_loop3A_330 = arith.addi %parallel_loop3A_329, %parallel_loop3A_328 : i32
      %parallel_loop3A_331 = arith.index_cast %parallel_loop3A_330 : i32 to index
      %parallel_loop3A_332 = tpu.vector_load %arg6[%parallel_loop3A_331] {strides = array<i32>} : memref<32768xi32, #tpu.memory_space<vmem>>, vector<16xi32>,
      %parallel_loop3A_333 = arith.addi %parallel_loop3A_326, %parallel_loop3A_332 : vector<16xi32>
      %parallel_loop3A_334 = arith.constant 16 : i32
      %parallel_loop3A_335 = arith.muli %parallel_loop3A_273, %parallel_loop3A_334 : i32
      %parallel_loop3A_336 = arith.constant 18432 : i32
      %parallel_loop3A_337 = arith.addi %parallel_loop3A_336, %parallel_loop3A_335 : i32
      %parallel_loop3A_338 = arith.index_cast %parallel_loop3A_337 : i32 to index
      %parallel_loop3A_339 = tpu.vector_load %arg6[%parallel_loop3A_338] {strides = array<i32>} : memref<32768xi32, #tpu.memory_space<vmem>>, vector<16xi32>,
      %parallel_loop3A_340 = arith.addi %parallel_loop3A_333, %parallel_loop3A_339 : vector<16xi32>
      %parallel_loop3A_341 = arith.constant 16 : i32
      %parallel_loop3A_342 = arith.muli %parallel_loop3A_273, %parallel_loop3A_341 : i32
      %parallel_loop3A_343 = arith.constant 20480 : i32
      %parallel_loop3A_344 = arith.addi %parallel_loop3A_343, %parallel_loop3A_342 : i32
      %parallel_loop3A_345 = arith.index_cast %parallel_loop3A_344 : i32 to index
      %parallel_loop3A_346 = tpu.vector_load %arg6[%parallel_loop3A_345] {strides = array<i32>} : memref<32768xi32, #tpu.memory_space<vmem>>, vector<16xi32>,
      %parallel_loop3A_347 = arith.addi %parallel_loop3A_340, %parallel_loop3A_346 : vector<16xi32>
      %parallel_loop3A_348 = arith.constant 16 : i32
      %parallel_loop3A_349 = arith.muli %parallel_loop3A_273, %parallel_loop3A_348 : i32
      %parallel_loop3A_350 = arith.constant 22528 : i32
      %parallel_loop3A_351 = arith.addi %parallel_loop3A_350, %parallel_loop3A_349 : i32
      %parallel_loop3A_352 = arith.index_cast %parallel_loop3A_351 : i32 to index
      %parallel_loop3A_353 = tpu.vector_load %arg6[%parallel_loop3A_352] {strides = array<i32>} : memref<32768xi32, #tpu.memory_space<vmem>>, vector<16xi32>,
      %parallel_loop3A_354 = arith.addi %parallel_loop3A_347, %parallel_loop3A_353 : vector<16xi32>
      %parallel_loop3A_355 = arith.constant 16 : i32
      %parallel_loop3A_356 = arith.muli %parallel_loop3A_273, %parallel_loop3A_355 : i32
      %parallel_loop3A_357 = arith.constant 24576 : i32
      %parallel_loop3A_358 = arith.addi %parallel_loop3A_357, %parallel_loop3A_356 : i32
      %parallel_loop3A_359 = arith.index_cast %parallel_loop3A_358 : i32 to index
      %parallel_loop3A_360 = tpu.vector_load %arg6[%parallel_loop3A_359] {strides = array<i32>} : memref<32768xi32, #tpu.memory_space<vmem>>, vector<16xi32>,
      %parallel_loop3A_361 = arith.addi %parallel_loop3A_354, %parallel_loop3A_360 : vector<16xi32>
      %parallel_loop3A_362 = arith.constant 16 : i32
      %parallel_loop3A_363 = arith.muli %parallel_loop3A_273, %parallel_loop3A_362 : i32
      %parallel_loop3A_364 = arith.constant 26624 : i32
      %parallel_loop3A_365 = arith.addi %parallel_loop3A_364, %parallel_loop3A_363 : i32
      %parallel_loop3A_366 = arith.index_cast %parallel_loop3A_365 : i32 to index
      %parallel_loop3A_367 = tpu.vector_load %arg6[%parallel_loop3A_366] {strides = array<i32>} : memref<32768xi32, #tpu.memory_space<vmem>>, vector<16xi32>,
      %parallel_loop3A_368 = arith.addi %parallel_loop3A_361, %parallel_loop3A_367 : vector<16xi32>
      %parallel_loop3A_369 = arith.constant 16 : i32
      %parallel_loop3A_370 = arith.muli %parallel_loop3A_273, %parallel_loop3A_369 : i32
      %parallel_loop3A_371 = arith.constant 28672 : i32
      %parallel_loop3A_372 = arith.addi %parallel_loop3A_371, %parallel_loop3A_370 : i32
      %parallel_loop3A_373 = arith.index_cast %parallel_loop3A_372 : i32 to index
      %parallel_loop3A_374 = tpu.vector_load %arg6[%parallel_loop3A_373] {strides = array<i32>} : memref<32768xi32, #tpu.memory_space<vmem>>, vector<16xi32>,
      %parallel_loop3A_375 = arith.addi %parallel_loop3A_368, %parallel_loop3A_374 : vector<16xi32>
      %parallel_loop3A_376 = arith.constant 16 : i32
      %parallel_loop3A_377 = arith.muli %parallel_loop3A_273, %parallel_loop3A_376 : i32
      %parallel_loop3A_378 = arith.constant 30720 : i32
      %parallel_loop3A_379 = arith.addi %parallel_loop3A_378, %parallel_loop3A_377 : i32
      %parallel_loop3A_380 = arith.index_cast %parallel_loop3A_379 : i32 to index
      %parallel_loop3A_381 = tpu.vector_load %arg6[%parallel_loop3A_380] {strides = array<i32>} : memref<32768xi32, #tpu.memory_space<vmem>>, vector<16xi32>,
      %parallel_loop3A_382 = arith.addi %parallel_loop3A_375, %parallel_loop3A_381 : vector<16xi32>
      %parallel_loop3A_383 = arith.index_cast %parallel_loop3A_273 : i32 to index
      %parallel_loop3A_384 = arith.constant 0 : index
      %parallel_loop3A_385 = tpu.vector_load %arg7[%parallel_loop3A_383, %parallel_loop3A_384] {strides = array<i32>} : memref<128x16xi32, #tpu.memory_space<vmem>>, vector<16xi32>,
      tpu.vector_store %arg7[%parallel_loop3A_383, %parallel_loop3A_384], %parallel_loop3A_382 {strides = array<i32>} : memref<128x16xi32, #tpu.memory_space<vmem>>, vector<16xi32>,
    } {sc.loop_unroll_factor = 2 : i64, sc.parallel_access}
    %eq3A_180 = arith.constant 0 : i32
    %eq3A_181 = arith.cmpi eq, %arg1, %eq3A_180 : i32
    %convert_element_type3A_182 = arith.extui %eq3A_181 : i1 to i32
    %cond3A_183 = arith.constant 0 : i32
    %cond3A_184 = arith.cmpi ne, %convert_element_type3A_182, %cond3A_183 : i32
    scf.if %cond3A_184 {
      "tpu.region"() ({
        %run_scoped3A = tpu.sem_alloc : memref<!tpu.dma_semaphore, #tpu.memory_space<semaphore_mem>>
        %dma_start3A = arith.constant 0 : i32
        %dma_start3A_273 = arith.constant 0 : i32
        %dma_start3A_274 = tpu.memref_slice %arg7[%dma_start3A, %dma_start3A_273] : memref<128x16xi32, #tpu.memory_space<vmem>> -> memref<128x16xi32, #tpu.memory_space<vmem>>
        %dma_start3A_275 = arith.constant 0 : i32
        %dma_start3A_276 = arith.constant 0 : i32
        %dma_start3A_277 = tpu.memref_slice %arg14[%dma_start3A_275, %dma_start3A_276] : memref<128x16xi32, #tpu.memory_space<vmem_shared>> -> memref<128x16xi32, #tpu.memory_space<vmem_shared>>
        tpu.enqueue_indirect_dma source(%dma_start3A_274 : memref<128x16xi32, #tpu.memory_space<vmem>>) target(%dma_start3A_277 : memref<128x16xi32, #tpu.memory_space<vmem_shared>>) offsets(%arg10 : memref<128xi32, #tpu.memory_space<vmem>>) semaphore(%run_scoped3A : memref<!tpu.dma_semaphore, #tpu.memory_space<semaphore_mem>>)
        %dma_wait3A = arith.constant 0 : i32
        %dma_wait3A_278 = arith.constant 0 : i32
        %dma_wait3A_279 = tpu.memref_slice %arg7[%dma_wait3A, %dma_wait3A_278] : memref<128x16xi32, #tpu.memory_space<vmem>> -> memref<128x16xi32, #tpu.memory_space<vmem>>
        %dma_wait3A_280 = arith.constant 0 : i32
        %dma_wait3A_281 = arith.constant 0 : i32
        %dma_wait3A_282 = tpu.memref_slice %arg14[%dma_wait3A_280, %dma_wait3A_281] : memref<128x16xi32, #tpu.memory_space<vmem_shared>> -> memref<128x16xi32, #tpu.memory_space<vmem_shared>>
        tpu.wait_indirect_dma semaphore(%run_scoped3A : memref<!tpu.dma_semaphore, #tpu.memory_space<semaphore_mem>>) src(%dma_wait3A_279 : memref<128x16xi32, #tpu.memory_space<vmem>>) dst(%dma_wait3A_282 : memref<128x16xi32, #tpu.memory_space<vmem_shared>>)
        tpu.yield
      }) : () -> ()
    } else {
    }
    %barrier3A_185 = arith.constant 0 : index
    tpu.barrier barrier_id(%barrier3A_185)
    %ne3A_186 = arith.constant 0 : i32
    %ne3A_187 = arith.cmpi ne, %arg1, %ne3A_186 : i32
    %convert_element_type3A_188 = arith.extui %ne3A_187 : i1 to i32
    %cond3A_189 = arith.constant 0 : i32
    %cond3A_190 = arith.cmpi ne, %convert_element_type3A_188, %cond3A_189 : i32
    scf.if %cond3A_190 {
      "tpu.region"() ({
        %run_scoped3A = tpu.sem_alloc : memref<!tpu.dma_semaphore, #tpu.memory_space<semaphore_mem>>
        %dma_start3A = arith.constant 0 : i32
        %dma_start3A_273 = arith.constant 0 : i32
        %dma_start3A_274 = tpu.memref_slice %arg7[%dma_start3A, %dma_start3A_273] : memref<128x16xi32, #tpu.memory_space<vmem>> -> memref<128x16xi32, #tpu.memory_space<vmem>>
        %dma_start3A_275 = arith.constant 0 : i32
        %dma_start3A_276 = arith.constant 0 : i32
        %dma_start3A_277 = tpu.memref_slice %arg14[%dma_start3A_275, %dma_start3A_276] : memref<128x16xi32, #tpu.memory_space<vmem_shared>> -> memref<128x16xi32, #tpu.memory_space<vmem_shared>>
        tpu.enqueue_indirect_dma source(%dma_start3A_274 : memref<128x16xi32, #tpu.memory_space<vmem>>) target(%dma_start3A_277 : memref<128x16xi32, #tpu.memory_space<vmem_shared>>) offsets(%arg10 : memref<128xi32, #tpu.memory_space<vmem>>) semaphore(%run_scoped3A : memref<!tpu.dma_semaphore, #tpu.memory_space<semaphore_mem>>) {add = true}
        %dma_wait3A = arith.constant 0 : i32
        %dma_wait3A_278 = arith.constant 0 : i32
        %dma_wait3A_279 = tpu.memref_slice %arg7[%dma_wait3A, %dma_wait3A_278] : memref<128x16xi32, #tpu.memory_space<vmem>> -> memref<128x16xi32, #tpu.memory_space<vmem>>
        %dma_wait3A_280 = arith.constant 0 : i32
        %dma_wait3A_281 = arith.constant 0 : i32
        %dma_wait3A_282 = tpu.memref_slice %arg14[%dma_wait3A_280, %dma_wait3A_281] : memref<128x16xi32, #tpu.memory_space<vmem_shared>> -> memref<128x16xi32, #tpu.memory_space<vmem_shared>>
        tpu.wait_indirect_dma semaphore(%run_scoped3A : memref<!tpu.dma_semaphore, #tpu.memory_space<semaphore_mem>>) src(%dma_wait3A_279 : memref<128x16xi32, #tpu.memory_space<vmem>>) dst(%dma_wait3A_282 : memref<128x16xi32, #tpu.memory_space<vmem_shared>>)
        tpu.yield
      }) : () -> ()
    } else {
    }
    %barrier3A_191 = arith.constant 0 : index
    tpu.barrier barrier_id(%barrier3A_191)
    "tpu.region"() ({
      %run_scoped3A = tpu.sem_alloc : memref<!tpu.dma_semaphore, #tpu.memory_space<semaphore_mem>>
      %dma_start3A = arith.constant 0 : i32
      %dma_start3A_273 = arith.constant 0 : i32
      %dma_start3A_274 = tpu.memref_slice %arg8[%dma_start3A, %dma_start3A_273] : memref<128x16xi32, #tpu.memory_space<vmem>> -> memref<128x16xi32, #tpu.memory_space<vmem>>
      %dma_start3A_275 = arith.constant 0 : i32
      %dma_start3A_276 = arith.constant 0 : i32
      %dma_start3A_277 = tpu.memref_slice %arg14[%dma_start3A_275, %dma_start3A_276] : memref<128x16xi32, #tpu.memory_space<vmem_shared>> -> memref<128x16xi32, #tpu.memory_space<vmem_shared>>
      %dma_start3A_278 = arith.constant 0 : i32
      %dma_start3A_279 = arith.constant 0 : i32
      %dma_start3A_280 = tpu.memref_slice %arg8[%dma_start3A_278, %dma_start3A_279] : memref<128x16xi32, #tpu.memory_space<vmem>> -> memref<128x16xi32, #tpu.memory_space<vmem>>
      %dma_start3A_281 = arith.constant 0 : i32
      %dma_start3A_282 = arith.constant 0 : i32
      %dma_start3A_283 = tpu.memref_slice %arg14[%dma_start3A_281, %dma_start3A_282] : memref<128x16xi32, #tpu.memory_space<vmem_shared>> -> memref<128x16xi32, #tpu.memory_space<vmem_shared>>
      tpu.enqueue_dma source(%dma_start3A_283 : memref<128x16xi32, #tpu.memory_space<vmem_shared>>) target(%dma_start3A_280 : memref<128x16xi32, #tpu.memory_space<vmem>>) target_semaphore(%run_scoped3A : memref<!tpu.dma_semaphore, #tpu.memory_space<semaphore_mem>>)
      %dma_wait3A = arith.constant 0 : i32
      %dma_wait3A_284 = arith.constant 0 : i32
      %dma_wait3A_285 = tpu.memref_slice %arg8[%dma_wait3A, %dma_wait3A_284] : memref<128x16xi32, #tpu.memory_space<vmem>> -> memref<128x16xi32, #tpu.memory_space<vmem>>
      %dma_wait3A_286 = arith.constant 0 : i32
      %dma_wait3A_287 = arith.constant 0 : i32
      %dma_wait3A_288 = tpu.memref_slice %arg14[%dma_wait3A_286, %dma_wait3A_287] : memref<128x16xi32, #tpu.memory_space<vmem_shared>> -> memref<128x16xi32, #tpu.memory_space<vmem_shared>>
      %dma_wait3A_289 = arith.constant 0 : i32
      %dma_wait3A_290 = arith.constant 0 : i32
      %dma_wait3A_291 = tpu.memref_slice %arg8[%dma_wait3A_289, %dma_wait3A_290] : memref<128x16xi32, #tpu.memory_space<vmem>> -> memref<128x16xi32, #tpu.memory_space<vmem>>
      %dma_wait3A_292 = arith.constant 0 : i32
      %dma_wait3A_293 = arith.constant 0 : i32
      %dma_wait3A_294 = tpu.memref_slice %arg14[%dma_wait3A_292, %dma_wait3A_293] : memref<128x16xi32, #tpu.memory_space<vmem_shared>> -> memref<128x16xi32, #tpu.memory_space<vmem_shared>>
      tpu.wait_dma2 semaphore(%run_scoped3A : memref<!tpu.dma_semaphore, #tpu.memory_space<semaphore_mem>>) src(%dma_wait3A_294 : memref<128x16xi32, #tpu.memory_space<vmem_shared>>) dst(%dma_wait3A_291 : memref<128x16xi32, #tpu.memory_space<vmem>>)
      tpu.yield
    }) : () -> ()
    %parallel_loop3A_192 = arith.constant 0 : i32
    %parallel_loop3A_193 = arith.constant 128 : i32
    %parallel_loop3A_194 = arith.constant 1 : i32
    scf.for %parallel_loop3A_273 = %parallel_loop3A_192 to %parallel_loop3A_193 step %parallel_loop3A_194  : i32 {
      %parallel_loop3A_274 = arith.index_cast %parallel_loop3A_273 : i32 to index
      %parallel_loop3A_275 = arith.constant 0 : index
      %parallel_loop3A_276 = tpu.vector_load %arg8[%parallel_loop3A_274, %parallel_loop3A_275] {strides = array<i32>} : memref<128x16xi32, #tpu.memory_space<vmem>>, vector<16xi32>,
      %parallel_loop3A_277 = arith.constant true
      %parallel_loop3A_278 = vector.broadcast %parallel_loop3A_277 : i1 to vector<16xi1>
      %parallel_loop3A_279 = tpu.scan <sum>, %parallel_loop3A_276 masked %parallel_loop3A_278 : vector<16xi32>, vector<16xi1> -> vector<16xi32>
      %parallel_loop3A_280 = vector.extract %parallel_loop3A_279[15] : i32 from vector<16xi32>
      %parallel_loop3A_281 = arith.index_cast %parallel_loop3A_273 : i32 to index
      %parallel_loop3A_282 = memref.load %arg13[%parallel_loop3A_281] : memref<128xi32, #tpu.memory_space<smem>>
      memref.store %parallel_loop3A_280, %arg13[%parallel_loop3A_281] : memref<128xi32, #tpu.memory_space<smem>>
    } {sc.loop_unroll_factor = 4 : i64, sc.parallel_access}
    %scan3A_195 = arith.constant 0 : i32
    %scan3A_196 = arith.constant 0 : i32
    %scan3A_197 = arith.constant 0 : i32
    %scan3A_198 = arith.constant false
    %scan3A_199 = arith.constant 0 : i32
    %scan3A_200 = arith.constant 128 : i32
    %scan3A_201 = arith.addi %scan3A_199, %scan3A_200 : i32
    %scan3A_202 = arith.constant 1 : i32
    %scan3A_203:4 = scf.for %scan3A_273 = %scan3A_199 to %scan3A_201 step %scan3A_202 iter_args(%scan3A_274 = %scan3A_195, %scan3A_275 = %scan3A_196, %scan3A_276 = %scan3A_197, %scan3A_277 = %scan3A_198) -> (i32, i32, i32, i1)  : i32 {
      %sub3A_278 = arith.constant 127 : i32
      %sub3A_279 = arith.subi %sub3A_278, %scan3A_273 : i32
      %get3A_280 = arith.index_cast %sub3A_279 : i32 to index
      %get3A_281 = memref.load %arg13[%get3A_280] : memref<128xi32, #tpu.memory_space<smem>>
      %add3A_282 = arith.addi %scan3A_274, %get3A_281 : i32
      %not3A = arith.constant true
      %not3A_283 = arith.xori %scan3A_277, %not3A : i1
      %ge3A_284 = arith.cmpi sge, %add3A_282, %sub3A_159 : i32
      %and3A_285 = arith.andi %not3A_283, %ge3A_284 : i1
      %select_n3A_286 = arith.select %and3A_285, %sub3A_279, %scan3A_275 : i32
      %select_n3A_287 = arith.select %and3A_285, %scan3A_274, %scan3A_276 : i32
      %or3A_288 = arith.ori %scan3A_277, %and3A_285 : i1
      scf.yield %add3A_282, %select_n3A_286, %select_n3A_287, %or3A_288 : i32, i32, i32, i1
    }
    %scan3A_204 = arith.constant 128 : i32
    %get3A_205 = arith.index_cast %scan3A_203#1 : i32 to index
    %get3A_206 = arith.constant 0 : index
    %get3A_207 = tpu.vector_load %arg8[%get3A_205, %get3A_206] {strides = array<i32>} : memref<128x16xi32, #tpu.memory_space<vmem>>, vector<16xi32>,
    %rev3A_208 = arith.constant 15 : i32
    %rev3A_209 = vector.broadcast %rev3A_208 : i32 to vector<16xi32>
    %rev3A_210 = tpu.iota {dimensions = array<i32: 0>} : vector<16xi32>
    %rev3A_211 = arith.subi %rev3A_209, %rev3A_210 : vector<16xi32>
    %rev3A_212 = tpu.dynamic_gather %get3A_207[%rev3A_211] in [0] : vector<16xi32>, vector<16xi32> -> vector<16xi32>
    %broadcast_in_dim3A_213 = arith.constant true
    %broadcast_in_dim3A_214 = vector.broadcast %broadcast_in_dim3A_213 : i1 to vector<16xi1>
    %masked_cumsum3A_215 = tpu.scan <sum>, %rev3A_212 masked %broadcast_in_dim3A_214 : vector<16xi32>, vector<16xi1> -> vector<16xi32>
    %rev3A_216 = arith.constant 15 : i32
    %rev3A_217 = vector.broadcast %rev3A_216 : i32 to vector<16xi32>
    %rev3A_218 = tpu.iota {dimensions = array<i32: 0>} : vector<16xi32>
    %rev3A_219 = arith.subi %rev3A_217, %rev3A_218 : vector<16xi32>
    %rev3A_220 = tpu.dynamic_gather %masked_cumsum3A_215[%rev3A_219] in [0] : vector<16xi32>, vector<16xi32> -> vector<16xi32>
    %add3A_221 = vector.broadcast %scan3A_203#2 : i32 to vector<16xi32>
    %add3A_222 = arith.addi %rev3A_220, %add3A_221 : vector<16xi32>
    %ge3A_223 = vector.broadcast %sub3A_159 : i32 to vector<16xi32>
    %ge3A_224 = arith.cmpi sge, %add3A_222, %ge3A_223 : vector<16xi32>
    %mul3A_225 = arith.constant 16 : i32
    %mul3A_226 = arith.muli %scan3A_203#1, %mul3A_225 : i32
    %convert_element_type3A_227 = arith.extui %ge3A_224 : vector<16xi1> to vector<16xi32>
    %reduce_sum3A_228 = arith.constant true
    %reduce_sum3A_229 = vector.broadcast %reduce_sum3A_228 : i1 to vector<16xi1>
    %reduce_sum3A_230 = tpu.scan <sum>, %convert_element_type3A_227 masked %reduce_sum3A_229 : vector<16xi32>, vector<16xi1> -> vector<16xi32>
    %reduce_sum3A_231 = vector.extract %reduce_sum3A_230[15] : i32 from vector<16xi32>
    %add3A_232 = arith.addi %mul3A_226, %reduce_sum3A_231 : i32
    %sub3A_233 = arith.constant 1 : i32
    %sub3A_234 = arith.subi %add3A_232, %sub3A_233 : i32
    %jit3A_235 = arith.constant 0 : i32
    %broadcast_in_dim3A_236 = vector.broadcast %jit3A_235 : i32 to vector<16xi32>
    %select_n3A_237 = arith.select %ge3A_224, %broadcast_in_dim3A_236, %get3A_207 : vector<16xi1>, vector<16xi32>
    %reduce_sum3A_238 = arith.constant true
    %reduce_sum3A_239 = vector.broadcast %reduce_sum3A_238 : i1 to vector<16xi1>
    %reduce_sum3A_240 = tpu.scan <sum>, %select_n3A_237 masked %reduce_sum3A_239 : vector<16xi32>, vector<16xi1> -> vector<16xi32>
    %reduce_sum3A_241 = vector.extract %reduce_sum3A_240[15] : i32 from vector<16xi32>
    %add3A_242 = arith.addi %scan3A_203#2, %reduce_sum3A_241 : i32
    %sub3A_243 = arith.subi %sub3A_159, %add3A_242 : i32
    %shift_left3A_244 = arith.constant 10 : i32
    %shift_left3A_245 = arith.shli %or3A_162, %shift_left3A_244 : i32
    %or3A_246 = arith.ori %shift_left3A_245, %sub3A_234 : i32
    %shift_left3A_247 = arith.constant 11 : i32
    %shift_left3A_248 = arith.shli %or3A_165, %shift_left3A_247 : i32
    %or3A_249 = arith.ori %shift_left3A_248, %sub3A_234 : i32
    %broadcast_in_dim3A_250 = arith.constant 0.000000e+00 : f32
    %broadcast_in_dim3A_251 = vector.broadcast %broadcast_in_dim3A_250 : f32 to vector<16xf32>
    %broadcast_in_dim3A_252 = arith.constant 0.000000e+00 : f32
    %broadcast_in_dim3A_253 = vector.broadcast %broadcast_in_dim3A_252 : f32 to vector<16xf32>
    %parallel_loop3A_254 = arith.constant 0 : i32
    %parallel_loop3A_255 = arith.constant 4096 : i32
    %parallel_loop3A_256 = arith.constant 1 : i32
    %parallel_loop3A_257:2 = scf.for %parallel_loop3A_273 = %parallel_loop3A_254 to %parallel_loop3A_255 step %parallel_loop3A_256 iter_args(%parallel_loop3A_274 = %broadcast_in_dim3A_251, %parallel_loop3A_275 = %broadcast_in_dim3A_253) -> (vector<16xf32>, vector<16xf32>)  : i32 {
      %parallel_loop3A_276 = arith.constant 16 : i32
      %parallel_loop3A_277 = arith.muli %parallel_loop3A_273, %parallel_loop3A_276 : i32
      %parallel_loop3A_278 = arith.index_cast %parallel_loop3A_277 : i32 to index
      %parallel_loop3A_279 = tpu.vector_load %arg5[%parallel_loop3A_278] {strides = array<i32>} : memref<65536xi32, #tpu.memory_space<vmem>>, vector<16xi32>,
      %parallel_loop3A_280 = vector.bitcast %parallel_loop3A_279 : vector<16xi32> to vector<16xf32>
      %parallel_loop3A_281 = vector.broadcast %or3A_249 : i32 to vector<16xi32>
      %parallel_loop3A_282 = arith.cmpi sge, %parallel_loop3A_279, %parallel_loop3A_281 : vector<16xi32>
      %parallel_loop3A_283 = arith.constant 0.000000e+00 : f32
      %parallel_loop3A_284 = vector.broadcast %parallel_loop3A_283 : f32 to vector<16xf32>
      %parallel_loop3A_285 = arith.select %parallel_loop3A_282, %parallel_loop3A_280, %parallel_loop3A_284 : vector<16xi1>, vector<16xf32>
      %parallel_loop3A_286 = arith.addf %parallel_loop3A_274, %parallel_loop3A_285 : vector<16xf32>
      scf.yield %parallel_loop3A_275, %parallel_loop3A_286 : vector<16xf32>, vector<16xf32>
    } {sc.loop_unroll_factor = 16 : i64, sc.parallel_access}
    %add3A_258 = arith.addf %parallel_loop3A_257#0, %parallel_loop3A_257#1 : vector<16xf32>
    %reduce_sum3A_259 = arith.constant true
    %reduce_sum3A_260 = vector.broadcast %reduce_sum3A_259 : i1 to vector<16xi1>
    %reduce_sum3A_261 = tpu.scan <sum>, %add3A_258 masked %reduce_sum3A_260 : vector<16xf32>, vector<16xi1> -> vector<16xf32>
    %reduce_sum3A_262 = vector.extract %reduce_sum3A_261[15] : f32 from vector<16xf32>
    %broadcast_in_dim3A_263 = vector.broadcast %reduce_sum3A_262 : f32 to vector<16xf32>
    %swap3A = arith.constant 0 : index
    %swap3A_264 = tpu.vector_load %arg12[%swap3A] {strides = array<i32>} : memref<16xf32, #tpu.memory_space<vmem>>, vector<16xf32>,
    tpu.vector_store %arg12[%swap3A], %broadcast_in_dim3A_263 {strides = array<i32>} : memref<16xf32, #tpu.memory_space<vmem>>, vector<16xf32>,
    "tpu.region"() ({
      %run_scoped3A = tpu.sem_alloc : memref<!tpu.dma_semaphore, #tpu.memory_space<semaphore_mem>>
      %dma_start3A = arith.constant 0 : i32
      %dma_start3A_273 = tpu.memref_slice %arg15[%arg1, %dma_start3A] : memref<16x16xf32, #tpu.memory_space<vmem_shared>> -> memref<1x16xf32, #tpu.memory_space<vmem_shared>>
      %dma_start3A_274 = tpu.memref_squeeze %dma_start3A_273 : memref<1x16xf32, #tpu.memory_space<vmem_shared>> -> memref<16xf32, #tpu.memory_space<vmem_shared>>
      %dma_start3A_275 = arith.constant 0 : i32
      %dma_start3A_276 = tpu.memref_slice %arg15[%arg1, %dma_start3A_275] : memref<16x16xf32, #tpu.memory_space<vmem_shared>> -> memref<1x16xf32, #tpu.memory_space<vmem_shared>>
      %dma_start3A_277 = tpu.memref_squeeze %dma_start3A_276 : memref<1x16xf32, #tpu.memory_space<vmem_shared>> -> memref<16xf32, #tpu.memory_space<vmem_shared>>
      tpu.enqueue_dma source(%arg12 : memref<16xf32, #tpu.memory_space<vmem>>) target(%dma_start3A_277 : memref<16xf32, #tpu.memory_space<vmem_shared>>) target_semaphore(%run_scoped3A : memref<!tpu.dma_semaphore, #tpu.memory_space<semaphore_mem>>)
      %dma_wait3A = arith.constant 0 : i32
      %dma_wait3A_278 = tpu.memref_slice %arg15[%arg1, %dma_wait3A] : memref<16x16xf32, #tpu.memory_space<vmem_shared>> -> memref<1x16xf32, #tpu.memory_space<vmem_shared>>
      %dma_wait3A_279 = tpu.memref_squeeze %dma_wait3A_278 : memref<1x16xf32, #tpu.memory_space<vmem_shared>> -> memref<16xf32, #tpu.memory_space<vmem_shared>>
      %dma_wait3A_280 = arith.constant 0 : i32
      %dma_wait3A_281 = tpu.memref_slice %arg15[%arg1, %dma_wait3A_280] : memref<16x16xf32, #tpu.memory_space<vmem_shared>> -> memref<1x16xf32, #tpu.memory_space<vmem_shared>>
      %dma_wait3A_282 = tpu.memref_squeeze %dma_wait3A_281 : memref<1x16xf32, #tpu.memory_space<vmem_shared>> -> memref<16xf32, #tpu.memory_space<vmem_shared>>
      tpu.wait_dma2 semaphore(%run_scoped3A : memref<!tpu.dma_semaphore, #tpu.memory_space<semaphore_mem>>) src(%arg12 : memref<16xf32, #tpu.memory_space<vmem>>) dst(%dma_wait3A_282 : memref<16xf32, #tpu.memory_space<vmem_shared>>)
      tpu.yield
    }) : () -> ()
    %barrier3A_265 = arith.constant 0 : index
    tpu.barrier barrier_id(%barrier3A_265)
    %eq3A_266 = arith.constant 0 : i32
    %eq3A_267 = arith.cmpi eq, %arg0, %eq3A_266 : i32
    %eq3A_268 = arith.constant 0 : i32
    %eq3A_269 = arith.cmpi eq, %arg1, %eq3A_268 : i32
    %and3A = arith.andi %eq3A_267, %eq3A_269 : i1
    %convert_element_type3A_270 = arith.extui %and3A : i1 to i32
    %cond3A_271 = arith.constant 0 : i32
    %cond3A_272 = arith.cmpi ne, %convert_element_type3A_270, %cond3A_271 : i32
    scf.if %cond3A_272 {
      %broadcast_in_dim3A_273 = arith.constant 0.000000e+00 : f32
      %broadcast_in_dim3A_274 = vector.broadcast %broadcast_in_dim3A_273 : f32 to vector<16xf32>
      %run_scoped3A = arith.constant 0 : i32
      "tpu.region"() ({
        %run_scoped3A_340 = tpu.sem_alloc : memref<!tpu.dma_semaphore, #tpu.memory_space<semaphore_mem>>
        %dma_start3A = arith.constant 0 : i32
        %dma_start3A_341 = tpu.memref_slice %arg15[%run_scoped3A, %dma_start3A] : memref<16x16xf32, #tpu.memory_space<vmem_shared>> -> memref<1x16xf32, #tpu.memory_space<vmem_shared>>
        %dma_start3A_342 = tpu.memref_squeeze %dma_start3A_341 : memref<1x16xf32, #tpu.memory_space<vmem_shared>> -> memref<16xf32, #tpu.memory_space<vmem_shared>>
        %dma_start3A_343 = arith.constant 0 : i32
        %dma_start3A_344 = tpu.memref_slice %arg15[%run_scoped3A, %dma_start3A_343] : memref<16x16xf32, #tpu.memory_space<vmem_shared>> -> memref<1x16xf32, #tpu.memory_space<vmem_shared>>
        %dma_start3A_345 = tpu.memref_squeeze %dma_start3A_344 : memref<1x16xf32, #tpu.memory_space<vmem_shared>> -> memref<16xf32, #tpu.memory_space<vmem_shared>>
        tpu.enqueue_dma source(%dma_start3A_345 : memref<16xf32, #tpu.memory_space<vmem_shared>>) target(%arg12 : memref<16xf32, #tpu.memory_space<vmem>>) target_semaphore(%run_scoped3A_340 : memref<!tpu.dma_semaphore, #tpu.memory_space<semaphore_mem>>)
        %dma_wait3A = arith.constant 0 : i32
        %dma_wait3A_346 = tpu.memref_slice %arg15[%run_scoped3A, %dma_wait3A] : memref<16x16xf32, #tpu.memory_space<vmem_shared>> -> memref<1x16xf32, #tpu.memory_space<vmem_shared>>
        %dma_wait3A_347 = tpu.memref_squeeze %dma_wait3A_346 : memref<1x16xf32, #tpu.memory_space<vmem_shared>> -> memref<16xf32, #tpu.memory_space<vmem_shared>>
        %dma_wait3A_348 = arith.constant 0 : i32
        %dma_wait3A_349 = tpu.memref_slice %arg15[%run_scoped3A, %dma_wait3A_348] : memref<16x16xf32, #tpu.memory_space<vmem_shared>> -> memref<1x16xf32, #tpu.memory_space<vmem_shared>>
        %dma_wait3A_350 = tpu.memref_squeeze %dma_wait3A_349 : memref<1x16xf32, #tpu.memory_space<vmem_shared>> -> memref<16xf32, #tpu.memory_space<vmem_shared>>
        tpu.wait_dma2 semaphore(%run_scoped3A_340 : memref<!tpu.dma_semaphore, #tpu.memory_space<semaphore_mem>>) src(%dma_wait3A_350 : memref<16xf32, #tpu.memory_space<vmem_shared>>) dst(%arg12 : memref<16xf32, #tpu.memory_space<vmem>>)
        tpu.yield
      }) : () -> ()
      %get3A_275 = arith.constant 0 : index
      %get3A_276 = tpu.vector_load %arg12[%get3A_275] {strides = array<i32>} : memref<16xf32, #tpu.memory_space<vmem>>, vector<16xf32>,
      %add3A_277 = arith.addf %broadcast_in_dim3A_274, %get3A_276 : vector<16xf32>
      %run_scoped3A_278 = arith.constant 1 : i32
      "tpu.region"() ({
        %run_scoped3A_340 = tpu.sem_alloc : memref<!tpu.dma_semaphore, #tpu.memory_space<semaphore_mem>>
        %dma_start3A = arith.constant 0 : i32
        %dma_start3A_341 = tpu.memref_slice %arg15[%run_scoped3A_278, %dma_start3A] : memref<16x16xf32, #tpu.memory_space<vmem_shared>> -> memref<1x16xf32, #tpu.memory_space<vmem_shared>>
        %dma_start3A_342 = tpu.memref_squeeze %dma_start3A_341 : memref<1x16xf32, #tpu.memory_space<vmem_shared>> -> memref<16xf32, #tpu.memory_space<vmem_shared>>
        %dma_start3A_343 = arith.constant 0 : i32
        %dma_start3A_344 = tpu.memref_slice %arg15[%run_scoped3A_278, %dma_start3A_343] : memref<16x16xf32, #tpu.memory_space<vmem_shared>> -> memref<1x16xf32, #tpu.memory_space<vmem_shared>>
        %dma_start3A_345 = tpu.memref_squeeze %dma_start3A_344 : memref<1x16xf32, #tpu.memory_space<vmem_shared>> -> memref<16xf32, #tpu.memory_space<vmem_shared>>
        tpu.enqueue_dma source(%dma_start3A_345 : memref<16xf32, #tpu.memory_space<vmem_shared>>) target(%arg12 : memref<16xf32, #tpu.memory_space<vmem>>) target_semaphore(%run_scoped3A_340 : memref<!tpu.dma_semaphore, #tpu.memory_space<semaphore_mem>>)
        %dma_wait3A = arith.constant 0 : i32
        %dma_wait3A_346 = tpu.memref_slice %arg15[%run_scoped3A_278, %dma_wait3A] : memref<16x16xf32, #tpu.memory_space<vmem_shared>> -> memref<1x16xf32, #tpu.memory_space<vmem_shared>>
        %dma_wait3A_347 = tpu.memref_squeeze %dma_wait3A_346 : memref<1x16xf32, #tpu.memory_space<vmem_shared>> -> memref<16xf32, #tpu.memory_space<vmem_shared>>
        %dma_wait3A_348 = arith.constant 0 : i32
        %dma_wait3A_349 = tpu.memref_slice %arg15[%run_scoped3A_278, %dma_wait3A_348] : memref<16x16xf32, #tpu.memory_space<vmem_shared>> -> memref<1x16xf32, #tpu.memory_space<vmem_shared>>
        %dma_wait3A_350 = tpu.memref_squeeze %dma_wait3A_349 : memref<1x16xf32, #tpu.memory_space<vmem_shared>> -> memref<16xf32, #tpu.memory_space<vmem_shared>>
        tpu.wait_dma2 semaphore(%run_scoped3A_340 : memref<!tpu.dma_semaphore, #tpu.memory_space<semaphore_mem>>) src(%dma_wait3A_350 : memref<16xf32, #tpu.memory_space<vmem_shared>>) dst(%arg12 : memref<16xf32, #tpu.memory_space<vmem>>)
        tpu.yield
      }) : () -> ()
      %get3A_279 = arith.constant 0 : index
      %get3A_280 = tpu.vector_load %arg12[%get3A_279] {strides = array<i32>} : memref<16xf32, #tpu.memory_space<vmem>>, vector<16xf32>,
      %add3A_281 = arith.addf %add3A_277, %get3A_280 : vector<16xf32>
      %run_scoped3A_282 = arith.constant 2 : i32
      "tpu.region"() ({
        %run_scoped3A_340 = tpu.sem_alloc : memref<!tpu.dma_semaphore, #tpu.memory_space<semaphore_mem>>
        %dma_start3A = arith.constant 0 : i32
        %dma_start3A_341 = tpu.memref_slice %arg15[%run_scoped3A_282, %dma_start3A] : memref<16x16xf32, #tpu.memory_space<vmem_shared>> -> memref<1x16xf32, #tpu.memory_space<vmem_shared>>
        %dma_start3A_342 = tpu.memref_squeeze %dma_start3A_341 : memref<1x16xf32, #tpu.memory_space<vmem_shared>> -> memref<16xf32, #tpu.memory_space<vmem_shared>>
        %dma_start3A_343 = arith.constant 0 : i32
        %dma_start3A_344 = tpu.memref_slice %arg15[%run_scoped3A_282, %dma_start3A_343] : memref<16x16xf32, #tpu.memory_space<vmem_shared>> -> memref<1x16xf32, #tpu.memory_space<vmem_shared>>
        %dma_start3A_345 = tpu.memref_squeeze %dma_start3A_344 : memref<1x16xf32, #tpu.memory_space<vmem_shared>> -> memref<16xf32, #tpu.memory_space<vmem_shared>>
        tpu.enqueue_dma source(%dma_start3A_345 : memref<16xf32, #tpu.memory_space<vmem_shared>>) target(%arg12 : memref<16xf32, #tpu.memory_space<vmem>>) target_semaphore(%run_scoped3A_340 : memref<!tpu.dma_semaphore, #tpu.memory_space<semaphore_mem>>)
        %dma_wait3A = arith.constant 0 : i32
        %dma_wait3A_346 = tpu.memref_slice %arg15[%run_scoped3A_282, %dma_wait3A] : memref<16x16xf32, #tpu.memory_space<vmem_shared>> -> memref<1x16xf32, #tpu.memory_space<vmem_shared>>
        %dma_wait3A_347 = tpu.memref_squeeze %dma_wait3A_346 : memref<1x16xf32, #tpu.memory_space<vmem_shared>> -> memref<16xf32, #tpu.memory_space<vmem_shared>>
        %dma_wait3A_348 = arith.constant 0 : i32
        %dma_wait3A_349 = tpu.memref_slice %arg15[%run_scoped3A_282, %dma_wait3A_348] : memref<16x16xf32, #tpu.memory_space<vmem_shared>> -> memref<1x16xf32, #tpu.memory_space<vmem_shared>>
        %dma_wait3A_350 = tpu.memref_squeeze %dma_wait3A_349 : memref<1x16xf32, #tpu.memory_space<vmem_shared>> -> memref<16xf32, #tpu.memory_space<vmem_shared>>
        tpu.wait_dma2 semaphore(%run_scoped3A_340 : memref<!tpu.dma_semaphore, #tpu.memory_space<semaphore_mem>>) src(%dma_wait3A_350 : memref<16xf32, #tpu.memory_space<vmem_shared>>) dst(%arg12 : memref<16xf32, #tpu.memory_space<vmem>>)
        tpu.yield
      }) : () -> ()
      %get3A_283 = arith.constant 0 : index
      %get3A_284 = tpu.vector_load %arg12[%get3A_283] {strides = array<i32>} : memref<16xf32, #tpu.memory_space<vmem>>, vector<16xf32>,
      %add3A_285 = arith.addf %add3A_281, %get3A_284 : vector<16xf32>
      %run_scoped3A_286 = arith.constant 3 : i32
      "tpu.region"() ({
        %run_scoped3A_340 = tpu.sem_alloc : memref<!tpu.dma_semaphore, #tpu.memory_space<semaphore_mem>>
        %dma_start3A = arith.constant 0 : i32
        %dma_start3A_341 = tpu.memref_slice %arg15[%run_scoped3A_286, %dma_start3A] : memref<16x16xf32, #tpu.memory_space<vmem_shared>> -> memref<1x16xf32, #tpu.memory_space<vmem_shared>>
        %dma_start3A_342 = tpu.memref_squeeze %dma_start3A_341 : memref<1x16xf32, #tpu.memory_space<vmem_shared>> -> memref<16xf32, #tpu.memory_space<vmem_shared>>
        %dma_start3A_343 = arith.constant 0 : i32
        %dma_start3A_344 = tpu.memref_slice %arg15[%run_scoped3A_286, %dma_start3A_343] : memref<16x16xf32, #tpu.memory_space<vmem_shared>> -> memref<1x16xf32, #tpu.memory_space<vmem_shared>>
        %dma_start3A_345 = tpu.memref_squeeze %dma_start3A_344 : memref<1x16xf32, #tpu.memory_space<vmem_shared>> -> memref<16xf32, #tpu.memory_space<vmem_shared>>
        tpu.enqueue_dma source(%dma_start3A_345 : memref<16xf32, #tpu.memory_space<vmem_shared>>) target(%arg12 : memref<16xf32, #tpu.memory_space<vmem>>) target_semaphore(%run_scoped3A_340 : memref<!tpu.dma_semaphore, #tpu.memory_space<semaphore_mem>>)
        %dma_wait3A = arith.constant 0 : i32
        %dma_wait3A_346 = tpu.memref_slice %arg15[%run_scoped3A_286, %dma_wait3A] : memref<16x16xf32, #tpu.memory_space<vmem_shared>> -> memref<1x16xf32, #tpu.memory_space<vmem_shared>>
        %dma_wait3A_347 = tpu.memref_squeeze %dma_wait3A_346 : memref<1x16xf32, #tpu.memory_space<vmem_shared>> -> memref<16xf32, #tpu.memory_space<vmem_shared>>
        %dma_wait3A_348 = arith.constant 0 : i32
        %dma_wait3A_349 = tpu.memref_slice %arg15[%run_scoped3A_286, %dma_wait3A_348] : memref<16x16xf32, #tpu.memory_space<vmem_shared>> -> memref<1x16xf32, #tpu.memory_space<vmem_shared>>
        %dma_wait3A_350 = tpu.memref_squeeze %dma_wait3A_349 : memref<1x16xf32, #tpu.memory_space<vmem_shared>> -> memref<16xf32, #tpu.memory_space<vmem_shared>>
        tpu.wait_dma2 semaphore(%run_scoped3A_340 : memref<!tpu.dma_semaphore, #tpu.memory_space<semaphore_mem>>) src(%dma_wait3A_350 : memref<16xf32, #tpu.memory_space<vmem_shared>>) dst(%arg12 : memref<16xf32, #tpu.memory_space<vmem>>)
        tpu.yield
      }) : () -> ()
      %get3A_287 = arith.constant 0 : index
      %get3A_288 = tpu.vector_load %arg12[%get3A_287] {strides = array<i32>} : memref<16xf32, #tpu.memory_space<vmem>>, vector<16xf32>,
      %add3A_289 = arith.addf %add3A_285, %get3A_288 : vector<16xf32>
      %run_scoped3A_290 = arith.constant 4 : i32
      "tpu.region"() ({
        %run_scoped3A_340 = tpu.sem_alloc : memref<!tpu.dma_semaphore, #tpu.memory_space<semaphore_mem>>
        %dma_start3A = arith.constant 0 : i32
        %dma_start3A_341 = tpu.memref_slice %arg15[%run_scoped3A_290, %dma_start3A] : memref<16x16xf32, #tpu.memory_space<vmem_shared>> -> memref<1x16xf32, #tpu.memory_space<vmem_shared>>
        %dma_start3A_342 = tpu.memref_squeeze %dma_start3A_341 : memref<1x16xf32, #tpu.memory_space<vmem_shared>> -> memref<16xf32, #tpu.memory_space<vmem_shared>>
        %dma_start3A_343 = arith.constant 0 : i32
        %dma_start3A_344 = tpu.memref_slice %arg15[%run_scoped3A_290, %dma_start3A_343] : memref<16x16xf32, #tpu.memory_space<vmem_shared>> -> memref<1x16xf32, #tpu.memory_space<vmem_shared>>
        %dma_start3A_345 = tpu.memref_squeeze %dma_start3A_344 : memref<1x16xf32, #tpu.memory_space<vmem_shared>> -> memref<16xf32, #tpu.memory_space<vmem_shared>>
        tpu.enqueue_dma source(%dma_start3A_345 : memref<16xf32, #tpu.memory_space<vmem_shared>>) target(%arg12 : memref<16xf32, #tpu.memory_space<vmem>>) target_semaphore(%run_scoped3A_340 : memref<!tpu.dma_semaphore, #tpu.memory_space<semaphore_mem>>)
        %dma_wait3A = arith.constant 0 : i32
        %dma_wait3A_346 = tpu.memref_slice %arg15[%run_scoped3A_290, %dma_wait3A] : memref<16x16xf32, #tpu.memory_space<vmem_shared>> -> memref<1x16xf32, #tpu.memory_space<vmem_shared>>
        %dma_wait3A_347 = tpu.memref_squeeze %dma_wait3A_346 : memref<1x16xf32, #tpu.memory_space<vmem_shared>> -> memref<16xf32, #tpu.memory_space<vmem_shared>>
        %dma_wait3A_348 = arith.constant 0 : i32
        %dma_wait3A_349 = tpu.memref_slice %arg15[%run_scoped3A_290, %dma_wait3A_348] : memref<16x16xf32, #tpu.memory_space<vmem_shared>> -> memref<1x16xf32, #tpu.memory_space<vmem_shared>>
        %dma_wait3A_350 = tpu.memref_squeeze %dma_wait3A_349 : memref<1x16xf32, #tpu.memory_space<vmem_shared>> -> memref<16xf32, #tpu.memory_space<vmem_shared>>
        tpu.wait_dma2 semaphore(%run_scoped3A_340 : memref<!tpu.dma_semaphore, #tpu.memory_space<semaphore_mem>>) src(%dma_wait3A_350 : memref<16xf32, #tpu.memory_space<vmem_shared>>) dst(%arg12 : memref<16xf32, #tpu.memory_space<vmem>>)
        tpu.yield
      }) : () -> ()
      %get3A_291 = arith.constant 0 : index
      %get3A_292 = tpu.vector_load %arg12[%get3A_291] {strides = array<i32>} : memref<16xf32, #tpu.memory_space<vmem>>, vector<16xf32>,
      %add3A_293 = arith.addf %add3A_289, %get3A_292 : vector<16xf32>
      %run_scoped3A_294 = arith.constant 5 : i32
      "tpu.region"() ({
        %run_scoped3A_340 = tpu.sem_alloc : memref<!tpu.dma_semaphore, #tpu.memory_space<semaphore_mem>>
        %dma_start3A = arith.constant 0 : i32
        %dma_start3A_341 = tpu.memref_slice %arg15[%run_scoped3A_294, %dma_start3A] : memref<16x16xf32, #tpu.memory_space<vmem_shared>> -> memref<1x16xf32, #tpu.memory_space<vmem_shared>>
        %dma_start3A_342 = tpu.memref_squeeze %dma_start3A_341 : memref<1x16xf32, #tpu.memory_space<vmem_shared>> -> memref<16xf32, #tpu.memory_space<vmem_shared>>
        %dma_start3A_343 = arith.constant 0 : i32
        %dma_start3A_344 = tpu.memref_slice %arg15[%run_scoped3A_294, %dma_start3A_343] : memref<16x16xf32, #tpu.memory_space<vmem_shared>> -> memref<1x16xf32, #tpu.memory_space<vmem_shared>>
        %dma_start3A_345 = tpu.memref_squeeze %dma_start3A_344 : memref<1x16xf32, #tpu.memory_space<vmem_shared>> -> memref<16xf32, #tpu.memory_space<vmem_shared>>
        tpu.enqueue_dma source(%dma_start3A_345 : memref<16xf32, #tpu.memory_space<vmem_shared>>) target(%arg12 : memref<16xf32, #tpu.memory_space<vmem>>) target_semaphore(%run_scoped3A_340 : memref<!tpu.dma_semaphore, #tpu.memory_space<semaphore_mem>>)
        %dma_wait3A = arith.constant 0 : i32
        %dma_wait3A_346 = tpu.memref_slice %arg15[%run_scoped3A_294, %dma_wait3A] : memref<16x16xf32, #tpu.memory_space<vmem_shared>> -> memref<1x16xf32, #tpu.memory_space<vmem_shared>>
        %dma_wait3A_347 = tpu.memref_squeeze %dma_wait3A_346 : memref<1x16xf32, #tpu.memory_space<vmem_shared>> -> memref<16xf32, #tpu.memory_space<vmem_shared>>
        %dma_wait3A_348 = arith.constant 0 : i32
        %dma_wait3A_349 = tpu.memref_slice %arg15[%run_scoped3A_294, %dma_wait3A_348] : memref<16x16xf32, #tpu.memory_space<vmem_shared>> -> memref<1x16xf32, #tpu.memory_space<vmem_shared>>
        %dma_wait3A_350 = tpu.memref_squeeze %dma_wait3A_349 : memref<1x16xf32, #tpu.memory_space<vmem_shared>> -> memref<16xf32, #tpu.memory_space<vmem_shared>>
        tpu.wait_dma2 semaphore(%run_scoped3A_340 : memref<!tpu.dma_semaphore, #tpu.memory_space<semaphore_mem>>) src(%dma_wait3A_350 : memref<16xf32, #tpu.memory_space<vmem_shared>>) dst(%arg12 : memref<16xf32, #tpu.memory_space<vmem>>)
        tpu.yield
      }) : () -> ()
      %get3A_295 = arith.constant 0 : index
      %get3A_296 = tpu.vector_load %arg12[%get3A_295] {strides = array<i32>} : memref<16xf32, #tpu.memory_space<vmem>>, vector<16xf32>,
      %add3A_297 = arith.addf %add3A_293, %get3A_296 : vector<16xf32>
      %run_scoped3A_298 = arith.constant 6 : i32
      "tpu.region"() ({
        %run_scoped3A_340 = tpu.sem_alloc : memref<!tpu.dma_semaphore, #tpu.memory_space<semaphore_mem>>
        %dma_start3A = arith.constant 0 : i32
        %dma_start3A_341 = tpu.memref_slice %arg15[%run_scoped3A_298, %dma_start3A] : memref<16x16xf32, #tpu.memory_space<vmem_shared>> -> memref<1x16xf32, #tpu.memory_space<vmem_shared>>
        %dma_start3A_342 = tpu.memref_squeeze %dma_start3A_341 : memref<1x16xf32, #tpu.memory_space<vmem_shared>> -> memref<16xf32, #tpu.memory_space<vmem_shared>>
        %dma_start3A_343 = arith.constant 0 : i32
        %dma_start3A_344 = tpu.memref_slice %arg15[%run_scoped3A_298, %dma_start3A_343] : memref<16x16xf32, #tpu.memory_space<vmem_shared>> -> memref<1x16xf32, #tpu.memory_space<vmem_shared>>
        %dma_start3A_345 = tpu.memref_squeeze %dma_start3A_344 : memref<1x16xf32, #tpu.memory_space<vmem_shared>> -> memref<16xf32, #tpu.memory_space<vmem_shared>>
        tpu.enqueue_dma source(%dma_start3A_345 : memref<16xf32, #tpu.memory_space<vmem_shared>>) target(%arg12 : memref<16xf32, #tpu.memory_space<vmem>>) target_semaphore(%run_scoped3A_340 : memref<!tpu.dma_semaphore, #tpu.memory_space<semaphore_mem>>)
        %dma_wait3A = arith.constant 0 : i32
        %dma_wait3A_346 = tpu.memref_slice %arg15[%run_scoped3A_298, %dma_wait3A] : memref<16x16xf32, #tpu.memory_space<vmem_shared>> -> memref<1x16xf32, #tpu.memory_space<vmem_shared>>
        %dma_wait3A_347 = tpu.memref_squeeze %dma_wait3A_346 : memref<1x16xf32, #tpu.memory_space<vmem_shared>> -> memref<16xf32, #tpu.memory_space<vmem_shared>>
        %dma_wait3A_348 = arith.constant 0 : i32
        %dma_wait3A_349 = tpu.memref_slice %arg15[%run_scoped3A_298, %dma_wait3A_348] : memref<16x16xf32, #tpu.memory_space<vmem_shared>> -> memref<1x16xf32, #tpu.memory_space<vmem_shared>>
        %dma_wait3A_350 = tpu.memref_squeeze %dma_wait3A_349 : memref<1x16xf32, #tpu.memory_space<vmem_shared>> -> memref<16xf32, #tpu.memory_space<vmem_shared>>
        tpu.wait_dma2 semaphore(%run_scoped3A_340 : memref<!tpu.dma_semaphore, #tpu.memory_space<semaphore_mem>>) src(%dma_wait3A_350 : memref<16xf32, #tpu.memory_space<vmem_shared>>) dst(%arg12 : memref<16xf32, #tpu.memory_space<vmem>>)
        tpu.yield
      }) : () -> ()
      %get3A_299 = arith.constant 0 : index
      %get3A_300 = tpu.vector_load %arg12[%get3A_299] {strides = array<i32>} : memref<16xf32, #tpu.memory_space<vmem>>, vector<16xf32>,
      %add3A_301 = arith.addf %add3A_297, %get3A_300 : vector<16xf32>
      %run_scoped3A_302 = arith.constant 7 : i32
      "tpu.region"() ({
        %run_scoped3A_340 = tpu.sem_alloc : memref<!tpu.dma_semaphore, #tpu.memory_space<semaphore_mem>>
        %dma_start3A = arith.constant 0 : i32
        %dma_start3A_341 = tpu.memref_slice %arg15[%run_scoped3A_302, %dma_start3A] : memref<16x16xf32, #tpu.memory_space<vmem_shared>> -> memref<1x16xf32, #tpu.memory_space<vmem_shared>>
        %dma_start3A_342 = tpu.memref_squeeze %dma_start3A_341 : memref<1x16xf32, #tpu.memory_space<vmem_shared>> -> memref<16xf32, #tpu.memory_space<vmem_shared>>
        %dma_start3A_343 = arith.constant 0 : i32
        %dma_start3A_344 = tpu.memref_slice %arg15[%run_scoped3A_302, %dma_start3A_343] : memref<16x16xf32, #tpu.memory_space<vmem_shared>> -> memref<1x16xf32, #tpu.memory_space<vmem_shared>>
        %dma_start3A_345 = tpu.memref_squeeze %dma_start3A_344 : memref<1x16xf32, #tpu.memory_space<vmem_shared>> -> memref<16xf32, #tpu.memory_space<vmem_shared>>
        tpu.enqueue_dma source(%dma_start3A_345 : memref<16xf32, #tpu.memory_space<vmem_shared>>) target(%arg12 : memref<16xf32, #tpu.memory_space<vmem>>) target_semaphore(%run_scoped3A_340 : memref<!tpu.dma_semaphore, #tpu.memory_space<semaphore_mem>>)
        %dma_wait3A = arith.constant 0 : i32
        %dma_wait3A_346 = tpu.memref_slice %arg15[%run_scoped3A_302, %dma_wait3A] : memref<16x16xf32, #tpu.memory_space<vmem_shared>> -> memref<1x16xf32, #tpu.memory_space<vmem_shared>>
        %dma_wait3A_347 = tpu.memref_squeeze %dma_wait3A_346 : memref<1x16xf32, #tpu.memory_space<vmem_shared>> -> memref<16xf32, #tpu.memory_space<vmem_shared>>
        %dma_wait3A_348 = arith.constant 0 : i32
        %dma_wait3A_349 = tpu.memref_slice %arg15[%run_scoped3A_302, %dma_wait3A_348] : memref<16x16xf32, #tpu.memory_space<vmem_shared>> -> memref<1x16xf32, #tpu.memory_space<vmem_shared>>
        %dma_wait3A_350 = tpu.memref_squeeze %dma_wait3A_349 : memref<1x16xf32, #tpu.memory_space<vmem_shared>> -> memref<16xf32, #tpu.memory_space<vmem_shared>>
        tpu.wait_dma2 semaphore(%run_scoped3A_340 : memref<!tpu.dma_semaphore, #tpu.memory_space<semaphore_mem>>) src(%dma_wait3A_350 : memref<16xf32, #tpu.memory_space<vmem_shared>>) dst(%arg12 : memref<16xf32, #tpu.memory_space<vmem>>)
        tpu.yield
      }) : () -> ()
      %get3A_303 = arith.constant 0 : index
      %get3A_304 = tpu.vector_load %arg12[%get3A_303] {strides = array<i32>} : memref<16xf32, #tpu.memory_space<vmem>>, vector<16xf32>,
      %add3A_305 = arith.addf %add3A_301, %get3A_304 : vector<16xf32>
      %run_scoped3A_306 = arith.constant 8 : i32
      "tpu.region"() ({
        %run_scoped3A_340 = tpu.sem_alloc : memref<!tpu.dma_semaphore, #tpu.memory_space<semaphore_mem>>
        %dma_start3A = arith.constant 0 : i32
        %dma_start3A_341 = tpu.memref_slice %arg15[%run_scoped3A_306, %dma_start3A] : memref<16x16xf32, #tpu.memory_space<vmem_shared>> -> memref<1x16xf32, #tpu.memory_space<vmem_shared>>
        %dma_start3A_342 = tpu.memref_squeeze %dma_start3A_341 : memref<1x16xf32, #tpu.memory_space<vmem_shared>> -> memref<16xf32, #tpu.memory_space<vmem_shared>>
        %dma_start3A_343 = arith.constant 0 : i32
        %dma_start3A_344 = tpu.memref_slice %arg15[%run_scoped3A_306, %dma_start3A_343] : memref<16x16xf32, #tpu.memory_space<vmem_shared>> -> memref<1x16xf32, #tpu.memory_space<vmem_shared>>
        %dma_start3A_345 = tpu.memref_squeeze %dma_start3A_344 : memref<1x16xf32, #tpu.memory_space<vmem_shared>> -> memref<16xf32, #tpu.memory_space<vmem_shared>>
        tpu.enqueue_dma source(%dma_start3A_345 : memref<16xf32, #tpu.memory_space<vmem_shared>>) target(%arg12 : memref<16xf32, #tpu.memory_space<vmem>>) target_semaphore(%run_scoped3A_340 : memref<!tpu.dma_semaphore, #tpu.memory_space<semaphore_mem>>)
        %dma_wait3A = arith.constant 0 : i32
        %dma_wait3A_346 = tpu.memref_slice %arg15[%run_scoped3A_306, %dma_wait3A] : memref<16x16xf32, #tpu.memory_space<vmem_shared>> -> memref<1x16xf32, #tpu.memory_space<vmem_shared>>
        %dma_wait3A_347 = tpu.memref_squeeze %dma_wait3A_346 : memref<1x16xf32, #tpu.memory_space<vmem_shared>> -> memref<16xf32, #tpu.memory_space<vmem_shared>>
        %dma_wait3A_348 = arith.constant 0 : i32
        %dma_wait3A_349 = tpu.memref_slice %arg15[%run_scoped3A_306, %dma_wait3A_348] : memref<16x16xf32, #tpu.memory_space<vmem_shared>> -> memref<1x16xf32, #tpu.memory_space<vmem_shared>>
        %dma_wait3A_350 = tpu.memref_squeeze %dma_wait3A_349 : memref<1x16xf32, #tpu.memory_space<vmem_shared>> -> memref<16xf32, #tpu.memory_space<vmem_shared>>
        tpu.wait_dma2 semaphore(%run_scoped3A_340 : memref<!tpu.dma_semaphore, #tpu.memory_space<semaphore_mem>>) src(%dma_wait3A_350 : memref<16xf32, #tpu.memory_space<vmem_shared>>) dst(%arg12 : memref<16xf32, #tpu.memory_space<vmem>>)
        tpu.yield
      }) : () -> ()
      %get3A_307 = arith.constant 0 : index
      %get3A_308 = tpu.vector_load %arg12[%get3A_307] {strides = array<i32>} : memref<16xf32, #tpu.memory_space<vmem>>, vector<16xf32>,
      %add3A_309 = arith.addf %add3A_305, %get3A_308 : vector<16xf32>
      %run_scoped3A_310 = arith.constant 9 : i32
      "tpu.region"() ({
        %run_scoped3A_340 = tpu.sem_alloc : memref<!tpu.dma_semaphore, #tpu.memory_space<semaphore_mem>>
        %dma_start3A = arith.constant 0 : i32
        %dma_start3A_341 = tpu.memref_slice %arg15[%run_scoped3A_310, %dma_start3A] : memref<16x16xf32, #tpu.memory_space<vmem_shared>> -> memref<1x16xf32, #tpu.memory_space<vmem_shared>>
        %dma_start3A_342 = tpu.memref_squeeze %dma_start3A_341 : memref<1x16xf32, #tpu.memory_space<vmem_shared>> -> memref<16xf32, #tpu.memory_space<vmem_shared>>
        %dma_start3A_343 = arith.constant 0 : i32
        %dma_start3A_344 = tpu.memref_slice %arg15[%run_scoped3A_310, %dma_start3A_343] : memref<16x16xf32, #tpu.memory_space<vmem_shared>> -> memref<1x16xf32, #tpu.memory_space<vmem_shared>>
        %dma_start3A_345 = tpu.memref_squeeze %dma_start3A_344 : memref<1x16xf32, #tpu.memory_space<vmem_shared>> -> memref<16xf32, #tpu.memory_space<vmem_shared>>
        tpu.enqueue_dma source(%dma_start3A_345 : memref<16xf32, #tpu.memory_space<vmem_shared>>) target(%arg12 : memref<16xf32, #tpu.memory_space<vmem>>) target_semaphore(%run_scoped3A_340 : memref<!tpu.dma_semaphore, #tpu.memory_space<semaphore_mem>>)
        %dma_wait3A = arith.constant 0 : i32
        %dma_wait3A_346 = tpu.memref_slice %arg15[%run_scoped3A_310, %dma_wait3A] : memref<16x16xf32, #tpu.memory_space<vmem_shared>> -> memref<1x16xf32, #tpu.memory_space<vmem_shared>>
        %dma_wait3A_347 = tpu.memref_squeeze %dma_wait3A_346 : memref<1x16xf32, #tpu.memory_space<vmem_shared>> -> memref<16xf32, #tpu.memory_space<vmem_shared>>
        %dma_wait3A_348 = arith.constant 0 : i32
        %dma_wait3A_349 = tpu.memref_slice %arg15[%run_scoped3A_310, %dma_wait3A_348] : memref<16x16xf32, #tpu.memory_space<vmem_shared>> -> memref<1x16xf32, #tpu.memory_space<vmem_shared>>
        %dma_wait3A_350 = tpu.memref_squeeze %dma_wait3A_349 : memref<1x16xf32, #tpu.memory_space<vmem_shared>> -> memref<16xf32, #tpu.memory_space<vmem_shared>>
        tpu.wait_dma2 semaphore(%run_scoped3A_340 : memref<!tpu.dma_semaphore, #tpu.memory_space<semaphore_mem>>) src(%dma_wait3A_350 : memref<16xf32, #tpu.memory_space<vmem_shared>>) dst(%arg12 : memref<16xf32, #tpu.memory_space<vmem>>)
        tpu.yield
      }) : () -> ()
      %get3A_311 = arith.constant 0 : index
      %get3A_312 = tpu.vector_load %arg12[%get3A_311] {strides = array<i32>} : memref<16xf32, #tpu.memory_space<vmem>>, vector<16xf32>,
      %add3A_313 = arith.addf %add3A_309, %get3A_312 : vector<16xf32>
      %run_scoped3A_314 = arith.constant 10 : i32
      "tpu.region"() ({
        %run_scoped3A_340 = tpu.sem_alloc : memref<!tpu.dma_semaphore, #tpu.memory_space<semaphore_mem>>
        %dma_start3A = arith.constant 0 : i32
        %dma_start3A_341 = tpu.memref_slice %arg15[%run_scoped3A_314, %dma_start3A] : memref<16x16xf32, #tpu.memory_space<vmem_shared>> -> memref<1x16xf32, #tpu.memory_space<vmem_shared>>
        %dma_start3A_342 = tpu.memref_squeeze %dma_start3A_341 : memref<1x16xf32, #tpu.memory_space<vmem_shared>> -> memref<16xf32, #tpu.memory_space<vmem_shared>>
        %dma_start3A_343 = arith.constant 0 : i32
        %dma_start3A_344 = tpu.memref_slice %arg15[%run_scoped3A_314, %dma_start3A_343] : memref<16x16xf32, #tpu.memory_space<vmem_shared>> -> memref<1x16xf32, #tpu.memory_space<vmem_shared>>
        %dma_start3A_345 = tpu.memref_squeeze %dma_start3A_344 : memref<1x16xf32, #tpu.memory_space<vmem_shared>> -> memref<16xf32, #tpu.memory_space<vmem_shared>>
        tpu.enqueue_dma source(%dma_start3A_345 : memref<16xf32, #tpu.memory_space<vmem_shared>>) target(%arg12 : memref<16xf32, #tpu.memory_space<vmem>>) target_semaphore(%run_scoped3A_340 : memref<!tpu.dma_semaphore, #tpu.memory_space<semaphore_mem>>)
        %dma_wait3A = arith.constant 0 : i32
        %dma_wait3A_346 = tpu.memref_slice %arg15[%run_scoped3A_314, %dma_wait3A] : memref<16x16xf32, #tpu.memory_space<vmem_shared>> -> memref<1x16xf32, #tpu.memory_space<vmem_shared>>
        %dma_wait3A_347 = tpu.memref_squeeze %dma_wait3A_346 : memref<1x16xf32, #tpu.memory_space<vmem_shared>> -> memref<16xf32, #tpu.memory_space<vmem_shared>>
        %dma_wait3A_348 = arith.constant 0 : i32
        %dma_wait3A_349 = tpu.memref_slice %arg15[%run_scoped3A_314, %dma_wait3A_348] : memref<16x16xf32, #tpu.memory_space<vmem_shared>> -> memref<1x16xf32, #tpu.memory_space<vmem_shared>>
        %dma_wait3A_350 = tpu.memref_squeeze %dma_wait3A_349 : memref<1x16xf32, #tpu.memory_space<vmem_shared>> -> memref<16xf32, #tpu.memory_space<vmem_shared>>
        tpu.wait_dma2 semaphore(%run_scoped3A_340 : memref<!tpu.dma_semaphore, #tpu.memory_space<semaphore_mem>>) src(%dma_wait3A_350 : memref<16xf32, #tpu.memory_space<vmem_shared>>) dst(%arg12 : memref<16xf32, #tpu.memory_space<vmem>>)
        tpu.yield
      }) : () -> ()
      %get3A_315 = arith.constant 0 : index
      %get3A_316 = tpu.vector_load %arg12[%get3A_315] {strides = array<i32>} : memref<16xf32, #tpu.memory_space<vmem>>, vector<16xf32>,
      %add3A_317 = arith.addf %add3A_313, %get3A_316 : vector<16xf32>
      %run_scoped3A_318 = arith.constant 11 : i32
      "tpu.region"() ({
        %run_scoped3A_340 = tpu.sem_alloc : memref<!tpu.dma_semaphore, #tpu.memory_space<semaphore_mem>>
        %dma_start3A = arith.constant 0 : i32
        %dma_start3A_341 = tpu.memref_slice %arg15[%run_scoped3A_318, %dma_start3A] : memref<16x16xf32, #tpu.memory_space<vmem_shared>> -> memref<1x16xf32, #tpu.memory_space<vmem_shared>>
        %dma_start3A_342 = tpu.memref_squeeze %dma_start3A_341 : memref<1x16xf32, #tpu.memory_space<vmem_shared>> -> memref<16xf32, #tpu.memory_space<vmem_shared>>
        %dma_start3A_343 = arith.constant 0 : i32
        %dma_start3A_344 = tpu.memref_slice %arg15[%run_scoped3A_318, %dma_start3A_343] : memref<16x16xf32, #tpu.memory_space<vmem_shared>> -> memref<1x16xf32, #tpu.memory_space<vmem_shared>>
        %dma_start3A_345 = tpu.memref_squeeze %dma_start3A_344 : memref<1x16xf32, #tpu.memory_space<vmem_shared>> -> memref<16xf32, #tpu.memory_space<vmem_shared>>
        tpu.enqueue_dma source(%dma_start3A_345 : memref<16xf32, #tpu.memory_space<vmem_shared>>) target(%arg12 : memref<16xf32, #tpu.memory_space<vmem>>) target_semaphore(%run_scoped3A_340 : memref<!tpu.dma_semaphore, #tpu.memory_space<semaphore_mem>>)
        %dma_wait3A = arith.constant 0 : i32
        %dma_wait3A_346 = tpu.memref_slice %arg15[%run_scoped3A_318, %dma_wait3A] : memref<16x16xf32, #tpu.memory_space<vmem_shared>> -> memref<1x16xf32, #tpu.memory_space<vmem_shared>>
        %dma_wait3A_347 = tpu.memref_squeeze %dma_wait3A_346 : memref<1x16xf32, #tpu.memory_space<vmem_shared>> -> memref<16xf32, #tpu.memory_space<vmem_shared>>
        %dma_wait3A_348 = arith.constant 0 : i32
        %dma_wait3A_349 = tpu.memref_slice %arg15[%run_scoped3A_318, %dma_wait3A_348] : memref<16x16xf32, #tpu.memory_space<vmem_shared>> -> memref<1x16xf32, #tpu.memory_space<vmem_shared>>
        %dma_wait3A_350 = tpu.memref_squeeze %dma_wait3A_349 : memref<1x16xf32, #tpu.memory_space<vmem_shared>> -> memref<16xf32, #tpu.memory_space<vmem_shared>>
        tpu.wait_dma2 semaphore(%run_scoped3A_340 : memref<!tpu.dma_semaphore, #tpu.memory_space<semaphore_mem>>) src(%dma_wait3A_350 : memref<16xf32, #tpu.memory_space<vmem_shared>>) dst(%arg12 : memref<16xf32, #tpu.memory_space<vmem>>)
        tpu.yield
      }) : () -> ()
      %get3A_319 = arith.constant 0 : index
      %get3A_320 = tpu.vector_load %arg12[%get3A_319] {strides = array<i32>} : memref<16xf32, #tpu.memory_space<vmem>>, vector<16xf32>,
      %add3A_321 = arith.addf %add3A_317, %get3A_320 : vector<16xf32>
      %run_scoped3A_322 = arith.constant 12 : i32
      "tpu.region"() ({
        %run_scoped3A_340 = tpu.sem_alloc : memref<!tpu.dma_semaphore, #tpu.memory_space<semaphore_mem>>
        %dma_start3A = arith.constant 0 : i32
        %dma_start3A_341 = tpu.memref_slice %arg15[%run_scoped3A_322, %dma_start3A] : memref<16x16xf32, #tpu.memory_space<vmem_shared>> -> memref<1x16xf32, #tpu.memory_space<vmem_shared>>
        %dma_start3A_342 = tpu.memref_squeeze %dma_start3A_341 : memref<1x16xf32, #tpu.memory_space<vmem_shared>> -> memref<16xf32, #tpu.memory_space<vmem_shared>>
        %dma_start3A_343 = arith.constant 0 : i32
        %dma_start3A_344 = tpu.memref_slice %arg15[%run_scoped3A_322, %dma_start3A_343] : memref<16x16xf32, #tpu.memory_space<vmem_shared>> -> memref<1x16xf32, #tpu.memory_space<vmem_shared>>
        %dma_start3A_345 = tpu.memref_squeeze %dma_start3A_344 : memref<1x16xf32, #tpu.memory_space<vmem_shared>> -> memref<16xf32, #tpu.memory_space<vmem_shared>>
        tpu.enqueue_dma source(%dma_start3A_345 : memref<16xf32, #tpu.memory_space<vmem_shared>>) target(%arg12 : memref<16xf32, #tpu.memory_space<vmem>>) target_semaphore(%run_scoped3A_340 : memref<!tpu.dma_semaphore, #tpu.memory_space<semaphore_mem>>)
        %dma_wait3A = arith.constant 0 : i32
        %dma_wait3A_346 = tpu.memref_slice %arg15[%run_scoped3A_322, %dma_wait3A] : memref<16x16xf32, #tpu.memory_space<vmem_shared>> -> memref<1x16xf32, #tpu.memory_space<vmem_shared>>
        %dma_wait3A_347 = tpu.memref_squeeze %dma_wait3A_346 : memref<1x16xf32, #tpu.memory_space<vmem_shared>> -> memref<16xf32, #tpu.memory_space<vmem_shared>>
        %dma_wait3A_348 = arith.constant 0 : i32
        %dma_wait3A_349 = tpu.memref_slice %arg15[%run_scoped3A_322, %dma_wait3A_348] : memref<16x16xf32, #tpu.memory_space<vmem_shared>> -> memref<1x16xf32, #tpu.memory_space<vmem_shared>>
        %dma_wait3A_350 = tpu.memref_squeeze %dma_wait3A_349 : memref<1x16xf32, #tpu.memory_space<vmem_shared>> -> memref<16xf32, #tpu.memory_space<vmem_shared>>
        tpu.wait_dma2 semaphore(%run_scoped3A_340 : memref<!tpu.dma_semaphore, #tpu.memory_space<semaphore_mem>>) src(%dma_wait3A_350 : memref<16xf32, #tpu.memory_space<vmem_shared>>) dst(%arg12 : memref<16xf32, #tpu.memory_space<vmem>>)
        tpu.yield
      }) : () -> ()
      %get3A_323 = arith.constant 0 : index
      %get3A_324 = tpu.vector_load %arg12[%get3A_323] {strides = array<i32>} : memref<16xf32, #tpu.memory_space<vmem>>, vector<16xf32>,
      %add3A_325 = arith.addf %add3A_321, %get3A_324 : vector<16xf32>
      %run_scoped3A_326 = arith.constant 13 : i32
      "tpu.region"() ({
        %run_scoped3A_340 = tpu.sem_alloc : memref<!tpu.dma_semaphore, #tpu.memory_space<semaphore_mem>>
        %dma_start3A = arith.constant 0 : i32
        %dma_start3A_341 = tpu.memref_slice %arg15[%run_scoped3A_326, %dma_start3A] : memref<16x16xf32, #tpu.memory_space<vmem_shared>> -> memref<1x16xf32, #tpu.memory_space<vmem_shared>>
        %dma_start3A_342 = tpu.memref_squeeze %dma_start3A_341 : memref<1x16xf32, #tpu.memory_space<vmem_shared>> -> memref<16xf32, #tpu.memory_space<vmem_shared>>
        %dma_start3A_343 = arith.constant 0 : i32
        %dma_start3A_344 = tpu.memref_slice %arg15[%run_scoped3A_326, %dma_start3A_343] : memref<16x16xf32, #tpu.memory_space<vmem_shared>> -> memref<1x16xf32, #tpu.memory_space<vmem_shared>>
        %dma_start3A_345 = tpu.memref_squeeze %dma_start3A_344 : memref<1x16xf32, #tpu.memory_space<vmem_shared>> -> memref<16xf32, #tpu.memory_space<vmem_shared>>
        tpu.enqueue_dma source(%dma_start3A_345 : memref<16xf32, #tpu.memory_space<vmem_shared>>) target(%arg12 : memref<16xf32, #tpu.memory_space<vmem>>) target_semaphore(%run_scoped3A_340 : memref<!tpu.dma_semaphore, #tpu.memory_space<semaphore_mem>>)
        %dma_wait3A = arith.constant 0 : i32
        %dma_wait3A_346 = tpu.memref_slice %arg15[%run_scoped3A_326, %dma_wait3A] : memref<16x16xf32, #tpu.memory_space<vmem_shared>> -> memref<1x16xf32, #tpu.memory_space<vmem_shared>>
        %dma_wait3A_347 = tpu.memref_squeeze %dma_wait3A_346 : memref<1x16xf32, #tpu.memory_space<vmem_shared>> -> memref<16xf32, #tpu.memory_space<vmem_shared>>
        %dma_wait3A_348 = arith.constant 0 : i32
        %dma_wait3A_349 = tpu.memref_slice %arg15[%run_scoped3A_326, %dma_wait3A_348] : memref<16x16xf32, #tpu.memory_space<vmem_shared>> -> memref<1x16xf32, #tpu.memory_space<vmem_shared>>
        %dma_wait3A_350 = tpu.memref_squeeze %dma_wait3A_349 : memref<1x16xf32, #tpu.memory_space<vmem_shared>> -> memref<16xf32, #tpu.memory_space<vmem_shared>>
        tpu.wait_dma2 semaphore(%run_scoped3A_340 : memref<!tpu.dma_semaphore, #tpu.memory_space<semaphore_mem>>) src(%dma_wait3A_350 : memref<16xf32, #tpu.memory_space<vmem_shared>>) dst(%arg12 : memref<16xf32, #tpu.memory_space<vmem>>)
        tpu.yield
      }) : () -> ()
      %get3A_327 = arith.constant 0 : index
      %get3A_328 = tpu.vector_load %arg12[%get3A_327] {strides = array<i32>} : memref<16xf32, #tpu.memory_space<vmem>>, vector<16xf32>,
      %add3A_329 = arith.addf %add3A_325, %get3A_328 : vector<16xf32>
      %run_scoped3A_330 = arith.constant 14 : i32
      "tpu.region"() ({
        %run_scoped3A_340 = tpu.sem_alloc : memref<!tpu.dma_semaphore, #tpu.memory_space<semaphore_mem>>
        %dma_start3A = arith.constant 0 : i32
        %dma_start3A_341 = tpu.memref_slice %arg15[%run_scoped3A_330, %dma_start3A] : memref<16x16xf32, #tpu.memory_space<vmem_shared>> -> memref<1x16xf32, #tpu.memory_space<vmem_shared>>
        %dma_start3A_342 = tpu.memref_squeeze %dma_start3A_341 : memref<1x16xf32, #tpu.memory_space<vmem_shared>> -> memref<16xf32, #tpu.memory_space<vmem_shared>>
        %dma_start3A_343 = arith.constant 0 : i32
        %dma_start3A_344 = tpu.memref_slice %arg15[%run_scoped3A_330, %dma_start3A_343] : memref<16x16xf32, #tpu.memory_space<vmem_shared>> -> memref<1x16xf32, #tpu.memory_space<vmem_shared>>
        %dma_start3A_345 = tpu.memref_squeeze %dma_start3A_344 : memref<1x16xf32, #tpu.memory_space<vmem_shared>> -> memref<16xf32, #tpu.memory_space<vmem_shared>>
        tpu.enqueue_dma source(%dma_start3A_345 : memref<16xf32, #tpu.memory_space<vmem_shared>>) target(%arg12 : memref<16xf32, #tpu.memory_space<vmem>>) target_semaphore(%run_scoped3A_340 : memref<!tpu.dma_semaphore, #tpu.memory_space<semaphore_mem>>)
        %dma_wait3A = arith.constant 0 : i32
        %dma_wait3A_346 = tpu.memref_slice %arg15[%run_scoped3A_330, %dma_wait3A] : memref<16x16xf32, #tpu.memory_space<vmem_shared>> -> memref<1x16xf32, #tpu.memory_space<vmem_shared>>
        %dma_wait3A_347 = tpu.memref_squeeze %dma_wait3A_346 : memref<1x16xf32, #tpu.memory_space<vmem_shared>> -> memref<16xf32, #tpu.memory_space<vmem_shared>>
        %dma_wait3A_348 = arith.constant 0 : i32
        %dma_wait3A_349 = tpu.memref_slice %arg15[%run_scoped3A_330, %dma_wait3A_348] : memref<16x16xf32, #tpu.memory_space<vmem_shared>> -> memref<1x16xf32, #tpu.memory_space<vmem_shared>>
        %dma_wait3A_350 = tpu.memref_squeeze %dma_wait3A_349 : memref<1x16xf32, #tpu.memory_space<vmem_shared>> -> memref<16xf32, #tpu.memory_space<vmem_shared>>
        tpu.wait_dma2 semaphore(%run_scoped3A_340 : memref<!tpu.dma_semaphore, #tpu.memory_space<semaphore_mem>>) src(%dma_wait3A_350 : memref<16xf32, #tpu.memory_space<vmem_shared>>) dst(%arg12 : memref<16xf32, #tpu.memory_space<vmem>>)
        tpu.yield
      }) : () -> ()
      %get3A_331 = arith.constant 0 : index
      %get3A_332 = tpu.vector_load %arg12[%get3A_331] {strides = array<i32>} : memref<16xf32, #tpu.memory_space<vmem>>, vector<16xf32>,
      %add3A_333 = arith.addf %add3A_329, %get3A_332 : vector<16xf32>
      %run_scoped3A_334 = arith.constant 15 : i32
      "tpu.region"() ({
        %run_scoped3A_340 = tpu.sem_alloc : memref<!tpu.dma_semaphore, #tpu.memory_space<semaphore_mem>>
        %dma_start3A = arith.constant 0 : i32
        %dma_start3A_341 = tpu.memref_slice %arg15[%run_scoped3A_334, %dma_start3A] : memref<16x16xf32, #tpu.memory_space<vmem_shared>> -> memref<1x16xf32, #tpu.memory_space<vmem_shared>>
        %dma_start3A_342 = tpu.memref_squeeze %dma_start3A_341 : memref<1x16xf32, #tpu.memory_space<vmem_shared>> -> memref<16xf32, #tpu.memory_space<vmem_shared>>
        %dma_start3A_343 = arith.constant 0 : i32
        %dma_start3A_344 = tpu.memref_slice %arg15[%run_scoped3A_334, %dma_start3A_343] : memref<16x16xf32, #tpu.memory_space<vmem_shared>> -> memref<1x16xf32, #tpu.memory_space<vmem_shared>>
        %dma_start3A_345 = tpu.memref_squeeze %dma_start3A_344 : memref<1x16xf32, #tpu.memory_space<vmem_shared>> -> memref<16xf32, #tpu.memory_space<vmem_shared>>
        tpu.enqueue_dma source(%dma_start3A_345 : memref<16xf32, #tpu.memory_space<vmem_shared>>) target(%arg12 : memref<16xf32, #tpu.memory_space<vmem>>) target_semaphore(%run_scoped3A_340 : memref<!tpu.dma_semaphore, #tpu.memory_space<semaphore_mem>>)
        %dma_wait3A = arith.constant 0 : i32
        %dma_wait3A_346 = tpu.memref_slice %arg15[%run_scoped3A_334, %dma_wait3A] : memref<16x16xf32, #tpu.memory_space<vmem_shared>> -> memref<1x16xf32, #tpu.memory_space<vmem_shared>>
        %dma_wait3A_347 = tpu.memref_squeeze %dma_wait3A_346 : memref<1x16xf32, #tpu.memory_space<vmem_shared>> -> memref<16xf32, #tpu.memory_space<vmem_shared>>
        %dma_wait3A_348 = arith.constant 0 : i32
        %dma_wait3A_349 = tpu.memref_slice %arg15[%run_scoped3A_334, %dma_wait3A_348] : memref<16x16xf32, #tpu.memory_space<vmem_shared>> -> memref<1x16xf32, #tpu.memory_space<vmem_shared>>
        %dma_wait3A_350 = tpu.memref_squeeze %dma_wait3A_349 : memref<1x16xf32, #tpu.memory_space<vmem_shared>> -> memref<16xf32, #tpu.memory_space<vmem_shared>>
        tpu.wait_dma2 semaphore(%run_scoped3A_340 : memref<!tpu.dma_semaphore, #tpu.memory_space<semaphore_mem>>) src(%dma_wait3A_350 : memref<16xf32, #tpu.memory_space<vmem_shared>>) dst(%arg12 : memref<16xf32, #tpu.memory_space<vmem>>)
        tpu.yield
      }) : () -> ()
      %get3A_335 = arith.constant 0 : index
      %get3A_336 = tpu.vector_load %arg12[%get3A_335] {strides = array<i32>} : memref<16xf32, #tpu.memory_space<vmem>>, vector<16xf32>,
      %add3A_337 = arith.addf %add3A_333, %get3A_336 : vector<16xf32>
      %swap3A_338 = arith.constant 0 : index
      %swap3A_339 = tpu.vector_load %arg12[%swap3A_338] {strides = array<i32>} : memref<16xf32, #tpu.memory_space<vmem>>, vector<16xf32>,
      tpu.vector_store %arg12[%swap3A_338], %add3A_337 {strides = array<i32>} : memref<16xf32, #tpu.memory_space<vmem>>, vector<16xf32>,
      "tpu.region"() ({
        %run_scoped3A_340 = tpu.sem_alloc : memref<!tpu.dma_semaphore, #tpu.memory_space<semaphore_mem>>
        tpu.enqueue_dma source(%arg12 : memref<16xf32, #tpu.memory_space<vmem>>) target(%arg4 : memref<16xf32, #tpu.memory_space<hbm>>) target_semaphore(%run_scoped3A_340 : memref<!tpu.dma_semaphore, #tpu.memory_space<semaphore_mem>>)
        tpu.wait_dma2 semaphore(%run_scoped3A_340 : memref<!tpu.dma_semaphore, #tpu.memory_space<semaphore_mem>>) src(%arg12 : memref<16xf32, #tpu.memory_space<vmem>>) dst(%arg4 : memref<16xf32, #tpu.memory_space<hbm>>)
        tpu.yield
      }) : () -> ()
    } else {
    }
    return
  }
}

module attributes {stable_mosaic.version = 14 : i64} {
  func.func @_bce_body(%arg0: memref<128x8192xf32, #tpu.memory_space<vmem>>, %arg1: memref<128x8192xf32, #tpu.memory_space<vmem>>, %arg2: memref<128x8192xi32, #tpu.memory_space<vmem>>, %arg3: memref<1x1xf32, #tpu.memory_space<smem>>, %arg4: memref<1x1xi32, #tpu.memory_space<smem>>) attributes {dimension_semantics = [], scalar_prefetch = 0 : i64, scratch_operands = 0 : i64, tpu.core_type = #tpu.core_type<tc>} {
    %get3A = arith.constant 0 : index
    %get3A_0 = arith.constant 0 : index
    %get3A_1 = vector.load %arg0[%get3A, %get3A_0] : memref<128x8192xf32, #tpu.memory_space<vmem>>, vector<128x8192xf32>
    %get3A_2 = arith.constant 0 : index
    %get3A_3 = arith.constant 0 : index
    %get3A_4 = vector.load %arg1[%get3A_2, %get3A_3] : memref<128x8192xf32, #tpu.memory_space<vmem>>, vector<128x8192xf32>
    %max3A = arith.constant 0.000000e+00 : f32
    %max3A_5 = vector.broadcast %max3A : f32 to vector<128x8192xf32>
    %max3A_6 = arith.maximumf %get3A_1, %max3A_5 : vector<128x8192xf32>
    %mul3A = arith.mulf %get3A_1, %get3A_4 : vector<128x8192xf32>
    %sub3A = arith.subf %max3A_6, %mul3A : vector<128x8192xf32>
    %abs3A = math.absf %get3A_1 : vector<128x8192xf32>
    %neg3A = arith.constant 0.000000e+00 : f32
    %neg3A_7 = vector.broadcast %neg3A : f32 to vector<128x8192xf32>
    %neg3A_8 = arith.subf %neg3A_7, %abs3A : vector<128x8192xf32>
    %exp3A = math.exp %neg3A_8 : vector<128x8192xf32>
    %log1p3A = math.log1p %exp3A : vector<128x8192xf32>
    %add3A = arith.addf %sub3A, %log1p3A : vector<128x8192xf32>
    %lt3A = arith.constant 5.000000e-01 : f32
    %lt3A_9 = vector.broadcast %lt3A : f32 to vector<128x8192xf32>
    %lt3A_10 = arith.cmpf olt, %get3A_4, %lt3A_9 : vector<128x8192xf32>
    %jit3A = arith.constant 0.000000e+00 : f32
    %broadcast_in_dim3A = vector.broadcast %jit3A : f32 to vector<128x8192xf32>
    %select_n3A = arith.select %lt3A_10, %add3A, %broadcast_in_dim3A : vector<128x8192xi1>, vector<128x8192xf32>
    %bitcast_convert_type3A = tpu.bitcast %select_n3A : vector<128x8192xf32> -> vector<128x8192xi32>
    %swap3A = arith.constant 0 : index
    %swap3A_11 = arith.constant 0 : index
    %swap3A_12 = vector.load %arg2[%swap3A, %swap3A_11] : memref<128x8192xi32, #tpu.memory_space<vmem>>, vector<128x8192xi32>
    tpu.vector_store %arg2[%swap3A, %swap3A_11], %bitcast_convert_type3A {strides = array<i32>} : memref<128x8192xi32, #tpu.memory_space<vmem>>, vector<128x8192xi32>,
    %gt3A = arith.constant 0 : i32
    %gt3A_13 = vector.broadcast %gt3A : i32 to vector<128x8192xi32>
    %gt3A_14 = arith.cmpi sgt, %bitcast_convert_type3A, %gt3A_13 : vector<128x8192xi32>
    %convert_element_type3A = arith.extui %gt3A_14 : vector<128x8192xi1> to vector<128x8192xi32>
    %reduce_sum3A = vector.shape_cast %convert_element_type3A : vector<128x8192xi32> to vector<1x128x8192xi32>
    %reduce_sum3A_15 = arith.constant dense<0> : vector<1xi32>
    %reduce_sum3A_16 = vector.multi_reduction <add>, %reduce_sum3A, %reduce_sum3A_15 [1, 2] : vector<1x128x8192xi32> to vector<1xi32>
    %reduce_sum3A_17 = vector.shape_cast %reduce_sum3A_16 : vector<1xi32> to vector<1x1x1xi32>
    %reduce_sum3A_18 = vector.extract %reduce_sum3A_17[0, 0, 0] : i32 from vector<1x1x1xi32>
    %add3A_19 = arith.constant 9 : i32
    %add3A_20 = arith.addi %reduce_sum3A_18, %add3A_19 : i32
    %jit3A_21 = arith.constant 10 : i32
    %div3A = arith.divsi %add3A_20, %jit3A_21 : i32
    %sign3A = arith.constant 0 : i32
    %sign3A_22 = arith.cmpi sgt, %add3A_20, %sign3A : i32
    %sign3A_23 = arith.extui %sign3A_22 : i1 to i32
    %sign3A_24 = arith.constant 0 : i32
    %sign3A_25 = arith.cmpi slt, %add3A_20, %sign3A_24 : i32
    %sign3A_26 = arith.extui %sign3A_25 : i1 to i32
    %sign3A_27 = arith.subi %sign3A_23, %sign3A_26 : i32
    %sign3A_28 = arith.constant 0 : i32
    %sign3A_29 = arith.cmpi sgt, %jit3A_21, %sign3A_28 : i32
    %sign3A_30 = arith.extui %sign3A_29 : i1 to i32
    %sign3A_31 = arith.constant 0 : i32
    %sign3A_32 = arith.cmpi slt, %jit3A_21, %sign3A_31 : i32
    %sign3A_33 = arith.extui %sign3A_32 : i1 to i32
    %sign3A_34 = arith.subi %sign3A_30, %sign3A_33 : i32
    %ne3A = arith.cmpi ne, %sign3A_27, %sign3A_34 : i32
    %rem3A = arith.remsi %add3A_20, %jit3A_21 : i32
    %ne3A_35 = arith.constant 0 : i32
    %ne3A_36 = arith.cmpi ne, %rem3A, %ne3A_35 : i32
    %and3A = arith.andi %ne3A, %ne3A_36 : i1
    %sub3A_37 = arith.constant 1 : i32
    %sub3A_38 = arith.subi %div3A, %sub3A_37 : i32
    %select_n3A_39 = arith.select %and3A, %sub3A_38, %div3A : i32
    %swap3A_40 = arith.constant 0 : index
    %swap3A_41 = arith.constant 0 : index
    %swap3A_42 = memref.load %arg4[%swap3A_40, %swap3A_41] : memref<1x1xi32, #tpu.memory_space<smem>>
    memref.store %select_n3A_39, %arg4[%swap3A_40, %swap3A_41] : memref<1x1xi32, #tpu.memory_space<smem>>
    %reduce_sum3A_43 = vector.shape_cast %add3A : vector<128x8192xf32> to vector<1x128x8192xf32>
    %reduce_sum3A_44 = arith.constant dense<0.000000e+00> : vector<1xf32>
    %reduce_sum3A_45 = vector.multi_reduction <add>, %reduce_sum3A_43, %reduce_sum3A_44 [1, 2] : vector<1x128x8192xf32> to vector<1xf32>
    %reduce_sum3A_46 = vector.shape_cast %reduce_sum3A_45 : vector<1xf32> to vector<1x1x1xf32>
    %reduce_sum3A_47 = vector.extract %reduce_sum3A_46[0, 0, 0] : f32 from vector<1x1x1xf32>
    %swap3A_48 = arith.constant 0 : index
    %swap3A_49 = arith.constant 0 : index
    %swap3A_50 = memref.load %arg3[%swap3A_48, %swap3A_49] : memref<1x1xf32, #tpu.memory_space<smem>>
    memref.store %reduce_sum3A_47, %arg3[%swap3A_48, %swap3A_49] : memref<1x1xf32, #tpu.memory_space<smem>>
    return
  }
}

</mosaic_0001>

<sc_bundles>
// kernel: kernel.4.cloned.1.call-start
scs
__scs_entry_jumppad:
0x0: {  	(pc) =	sbr.rel $0x88, $3  }
0x1: {  	(tag) =	ssettag $0x0;
	lr =	simm.s32 $0x1  }
0x2: {  	[smem:$0x3F9F] =	sst lr;
	_ =	strace $0xD0000000  }
0x3: {  	_ = 	snop  }
0x4: {  	_ = 	snop  }
0x5: {  	_ = 	snop  }
0x6: {  	_ = 	snop  }
0x7: {  	_ = 	snop  }
__scs_overlays_trampoline_lowered:
0x8: {  	[smem:$0x3FAE] =	sst s0  }
0x9: {  	[smem:$0x3FAF] =	sst s1  }
0xa: {  	[smem:$0x3FB0] =	sst s2  }
0xb: {  	[smem:$0x3FB1] =	sst s3  }
0xc: {  	[smem:$0x3FB2] =	sst s4  }
0xd: {  	[smem:$0x3FB3] =	sst s5  }
0xe: {  	[smem:$0x3FB4] =	sst s6  }
0xf: {  	[smem:$0x3FB5] =	sst s7  }
0x10: {  	[smem:$0x3FB6] =	sst s8  }
0x11: {  	[smem:$0x3FB7] =	sst s9;
	s0 =	simm.s32 @!p0 $0x0  }
0x12: {  	s1 =	sld [smem:$0x3F9D];
	s0 =	simm.s32 @p0 $0x1  }
0x13: {  	[smem:$0x3FB8] =	sst s0;
	s0 =	simm.s32 @!p1 $0x0  }
0x14: {  	s2 =	sld [smem:$0x3F9C];
	s0 =	simm.s32 @p1 $0x1  }
0x15: {  	[smem:$0x3FB9] =	sst s0;
	s0 =	simm.s32 @!p2 $0x0  }
0x16: {  	s3 =	sld [smem:$0x3FDB];
	s0 =	simm.s32 @p2 $0x1  }
0x17: {  	s4 =	simm.s32 $0x1BF5;
	[smem:$0x3FBB] =	sst s0  }
0x18: {  	s0 =	sld [smem:$0x3F9E];
	_ =	swait.ge [sflag:s4], $0x0  }
0x19: {  	s7 =	sld [smem:$0x3F9F]  }
0x1a: {  	s8 =	sadd.s32 $0xFFFFE003, lr  }
0x1b: {  	s9 =	sadd.s32 $0xFFFFFEF7, lr;
	s5 =	simm.s32 $0xFFFFFFFF;
	p2 =	slt.u32 s8, $0xFFFFF086  }
0x1c: {  	p1 =	slt.u32 s9, $0xF7A;
	s5 =	simm.s32 @!p2 $0x0  }
0x1d: {  	s5 =	simm.s32 @p1 $0x1;
	p0 =	seq.s32 s7, s2  }
0x1e: {  	s7 =	smul.u32 @!p0 $0xF7A, s2;
	p2 =	seq.s32 @!p0 s5, $0x0  }
0x1f: {  	s9 =	smul.u32 $0xF7A, s1;
	s8 =	simm.s32 @!p0 $0x1BF5;
	p2 =	por !p2, p0  }
0x20: {  	[sflag:s8] =	ssyncset.s32 @!p0 $0xFFFFF086;
	s6 =	sadd.s32 @!p0 s3, s7;
	s7 =	simm.s32 @!p0 $0x108  }
0x21: {  	s3 =	sadd.s32 s3, s9;
	s6 =	sadd.s32 @!p0 $0x88, s6;
	s7 =	simm.s32 @p2 $0x1082  }
0x22: {  	[simem:s7], [sflag:s8] =	dma.local @!p0 [hbm:s6], $0xF7A  }
0x23: {  	s9 =	sor.u32 $0xD0000000, s2;
	s6 =	simm.s32 $0x108;
	_ =	swait.ge @!p0 [sflag:s8], $0x0  }
0x24: {  	s3 =	sadd.s32 $0x88, s3;
	s6 =	simm.s32 @!p1 $0x1082;
	[sflag:s4] =	ssyncset.s32 $0xFFFFF086  }
0x25: {  	[simem:s6], [sflag:s4] =	dma.local [hbm:s3], $0xF7A  }
0x26: {  	[smem:$0x3F9F] =	sst s1;
	(tag) =	ssettag s2;
	_ =	strace s9  }
0x27: {  	s1 =	sld [smem:$0x3FAF]  }
0x28: {  	s2 =	sld [smem:$0x3FB0]  }
0x29: {  	s4 =	sld [smem:$0x3FB2]  }
0x2a: {  	p0 =	seq.s32 s5, $0x0;
	s5 =	sld [smem:$0x3FB3]  }
0x2b: {  	s6 =	sld [smem:$0x3FB4]  }
0x2c: {  	s7 =	sld [smem:$0x3FB5]  }
0x2d: {  	s3 =	simm.s32 $0x108;
	s8 =	sld [smem:$0x3FB6]  }
0x2e: {  	s3 =	simm.s32 @!p0 $0x1082;
	s9 =	sld [smem:$0x3FB7]  }
0x2f: {  	lr =	sadd.s32 s0, s3;
	s0 =	sld [smem:$0x3FAE]  }
0x30: {  	s3 =	sld [smem:$0x3FB1]  }
0x31: {  	[smem:$0x3FBA] =	sst s10  }
0x32: {  	s10 =	sld [smem:$0x3FB8];
	_ =	sdelay $0x3  }
0x33: {  	p0 =	seq.s32 s10, $0x1;
	s10 =	sld [smem:$0x3FBA];
	_ =	sdelay $0x3  }
0x34: {  	[smem:$0x3FBA] =	sst s10  }
0x35: {  	s10 =	sld [smem:$0x3FB9];
	_ =	sdelay $0x3  }
0x36: {  	p1 =	seq.s32 s10, $0x1;
	s10 =	sld [smem:$0x3FBA];
	_ =	sdelay $0x3  }
0x37: {  	[smem:$0x3FBA] =	sst s10  }
0x38: {  	s10 =	sld [smem:$0x3FBB]  }
0x39: {  	_ = 	snop;
	(pc) =	sbr.ind lr, $3  }
0x3a: {  	_ = 	snop  }
0x3b: {  	_ = 	snop  }
0x3c: {  	p2 =	seq.s32 s10, $0x1;
	s10 =	sld [smem:$0x3FBA]  }
0x3d: {  	_ =	shalt  }
0x3e: {  	_ =	shalt  }
0x3f: {  	_ =	shalt  }
0x40: {  	_ =	shalt  }
0x41: {  	_ =	shalt  }
0x42: {  	_ =	shalt  }
0x43: {  	_ =	shalt  }
0x44: {  	_ =	shalt  }
0x45: {  	_ =	shalt  }
0x46: {  	_ =	shalt  }
0x47: {  	_ =	shalt  }
0x48: {  	_ =	shalt  }
0x49: {  	_ =	shalt  }
0x4a: {  	_ =	shalt  }
0x4b: {  	_ =	shalt  }
0x4c: {  	_ =	shalt  }
0x4d: {  	_ =	shalt  }
0x4e: {  	_ =	shalt  }
0x4f: {  	_ =	shalt  }
0x50: {  	_ =	shalt  }
0x51: {  	_ =	shalt  }
0x52: {  	_ =	shalt  }
0x53: {  	_ =	shalt  }
0x54: {  	_ =	shalt  }
0x55: {  	_ =	shalt  }
0x56: {  	_ =	shalt  }
0x57: {  	_ =	shalt  }
0x58: {  	_ =	shalt  }
0x59: {  	_ =	shalt  }
0x5a: {  	_ =	shalt  }
0x5b: {  	_ =	shalt  }
0x5c: {  	_ =	shalt  }
0x5d: {  	_ =	shalt  }
0x5e: {  	_ =	shalt  }
0x5f: {  	_ =	shalt  }
0x60: {  	_ =	shalt  }
0x61: {  	_ =	shalt  }
0x62: {  	_ =	shalt  }
0x63: {  	_ =	shalt  }
0x64: {  	_ =	shalt  }
0x65: {  	_ =	shalt  }
0x66: {  	_ =	shalt  }
0x67: {  	_ =	shalt  }
0x68: {  	_ =	shalt  }
0x69: {  	_ =	shalt  }
0x6a: {  	_ =	shalt  }
0x6b: {  	_ =	shalt  }
0x6c: {  	_ =	shalt  }
0x6d: {  	_ =	shalt  }
0x6e: {  	_ =	shalt  }
0x6f: {  	_ =	shalt  }
0x70: {  	_ =	shalt  }
0x71: {  	_ =	shalt  }
0x72: {  	_ =	shalt  }
0x73: {  	_ =	shalt  }
0x74: {  	_ =	shalt  }
0x75: {  	_ =	shalt  }
0x76: {  	_ =	shalt  }
0x77: {  	_ =	shalt  }
0x78: {  	_ =	shalt  }
0x79: {  	_ =	shalt  }
0x7a: {  	_ =	shalt  }
0x7b: {  	_ =	shalt  }
0x7c: {  	_ =	shalt  }
0x7d: {  	_ =	shalt  }
0x7e: {  	_ =	shalt  }
0x7f: {  	_ =	shalt  }
0x80: {  	_ =	shalt  }
0x81: {  	_ =	shalt  }
0x82: {  	_ =	shalt  }
0x83: {  	_ =	shalt  }
0x84: {  	_ =	shalt  }
0x85: {  	_ =	shalt  }
0x86: {  	_ =	shalt  }
0x87: {  	_ =	shalt  }
.Lfunc_end0:
.L_simem_size_0:
called_computation_lowered:
.L_overlay_start_0:
0x88: {  	s0 =	sld [smem:$0x3FD9]  }
0x89: {  	s1 =	sld [smem:$0x3FFE];
	_ =	sdelay $0x3  }
0x8a: {  	s0 =	sadd.s32 s1, s0  }
0x8b: {  	[smem:$0x3FC6] =	sst s0  }
0x8c: {  	_ = 	snop  }
0x8d: {  	(tm) =	ssettm $0x1  }
0x8e: {  	s15 =	sld [smem:$0x3FFB];
	_ =	sdelay $0x3  }
0x8f: {  	_ =	strace s15  }
0x90: {  	s0 =	sld [smem:$0x3FFC];
	_ =	sdelay $0x3  }
0x91: {  	_ =	strace s0  }
0x92: {  	s0 =	sld [smem:$0x3FFD];
	_ =	sdelay $0x3  }
0x93: {  	_ =	strace s0  }
0x94: {  	_ =	strace $0x8FFFFFFF  }
0x95: {  	s16 =	sld [smem:$0x3FDB];
	_ =	sdelay $0x1  }
0x96: {  	s17 =	simm.s32 $_scs_section_size  }
0x97: {  	s2 =	simm.s32 $_size__tile_overlayer_lowered;
	s3 =	simm.s32 $_tile_overlayer_lowered  }
0x98: {  	s20 =	simm.s32 $0x1BFF;
	s19 =	sshll.u32 s3, $0x1;
	s0 =	sadd.s32 s17, s16  }
0x99: {  	s4 =	simm.s32 $0x0;
	s18 =	sshll.u32 s2, $0x1;
	s2 =	sadd.s32 s19, s0  }
0x9a: {  	[timem:s4], [sflag:s20] =	dma.local [hbm:s2], s18  }
0x9b: {  	_ =	swait.ge [sflag:s20], s18  }
0x9c: {  	s1 =	ssub.s32 $0x0, s18;
	[sflag:s20] =	ssyncset.done $0x0  }
0x9d: {  	[sflag:s20] =	ssyncadd.s32 s1;
	_ =	sdelay $0x1  }
0x9e: {  	s21 =	simm.s32 $0x1B8B  }
0x9f: {  	_ =	swait.ge [sflag:s21], $0x1  }
0xa0: {  	[sflag:s21] =	ssyncset.done $0x0  }
0xa1: {  	s23 =	simm.s32 $0x1B8E;
	s22 =	sld [smem:$0x3FFE];
	[sflag:s21] =	ssyncadd.s32 $0xFFFFFFFF  }
0xa2: {  	s24 =	simm.s32 $execute0_lowered;
	[smem:$0x3FD2] =	sst s23  }
0xa3: {  	s2 =	sshll.u32 s24, $0x1;
	_ =	strace $0x80000046;
	[dreg:$0x1] =	wrdreg $0xFFFFFFFF  }
0xa4: {  	s25 =	simm.s32 $_size_execute0_lowered;
	s0 =	sadd.s32 s0, s2;
	[dreg:$0x0] =	wrdreg $0x0  }
0xa5: {  	s2 =	sshll.u32 s25, $0x1;
	[dreg:$0x2] =	wrdreg s0  }
0xa6: {  	[dreg:$0x3] =	wrdreg s2  }
0xa7: {  	[dreg:$0x4] =	wrdreg $0xC0  }
0xa8: {  	_ =	task [dreg:s4], $0x5FFFF  }
0xa9: {  	[dreg:$0x1] =	wrdreg $0xFFFFFFFF  }
0xaa: {  	[dreg:$0x0] =	wrdreg $0x60  }
0xab: {  	[dreg:$0x2] =	wrdreg s22  }
0xac: {  	[dreg:$0x3] =	wrdreg $0x190E00  }
0xad: {  	[dreg:$0x4] =	wrdreg $0x191600  }
0xae: {  	[dreg:$0x5] =	wrdreg $0x9  }
0xaf: {  	_ =	task.clear_ibuf [dreg:s4], $0x6FFFF;
	_ =	strace $0x90000046  }
0xb0: {  	s26 =	simm.s32 $0x9;
	_ =	strace $0x80000048  }
0xb1: {  	_ =	swait.ge [sflag:s26], $0x1  }
0xb2: {  	[sflag:s26] =	ssyncadd.s32 $0xFFFFFFFF  }
0xb3: {  	_ =	strace $0x90000048  }
0xb4: {  	_ =	sfence  }
0xb5: {  	s28 =	sld [smem:$0x0];
	_ =	sdelay $0x1  }
0xb6: {  	s29 =	srdreg.scid  }
0xb7: {  	s30 =	sshll.u32 s29, $0xD;
	s31 =	sshrl.u32 s29, $0x2  }
0xb8: {  	s1 =	sand.u32 $0x1, s29;
	s2 =	sand.u32 $0x4000, s30;
	s0 =	sadd.s32 s31, s28  }
0xb9: {  	s1 =	sor.u32 s2, s1;
	s0 =	sshll.u32 s0, $0x11  }
0xba: {  	s0 =	sor.u32 s0, s1  }
0xbb: {  	s0 =	sadd.s32 $0x8F2B, s0  }
0xbc: {  	[sflag:s0] =	ssyncadd.remote.s32 $0x1  }
0xbd: {  	_ =	sfence.sel $0xFFFF  }
0xbe: {  	[dreg:$0x0] =	wrdreg $0xFFFFFFFF;
	(pc) =	sbr.abs _section_cstart, $3  }
0xbf: {  	[dreg:$0x1] =	wrdreg $0xFFFFFFFF  }
0xc0: {  	_ =	task.clear_ibuf [dreg:s4], $0x2FFFF;
	_ =	strace $0x9FFFFFFF  }
0xc1: {  	(tm) =	ssettm $0x7FFFFFFF  }
tec
execute0_lowered:
.L_overlay_start_1:
0x0: {  	(tag) =	ssettag $0x1  }
0x1: {  	s1 =	rddreg [dreg:$0x0]  }
0x2: {  	s3 =	rddreg [dreg:$0x1]  }
0x3: {  	s2 =	rddreg [dreg:$0x2];
	s4 =	stileid.u32  }
0x4: {  	s0 =	rddreg [dreg:$0x3];
	s5 =	simm.s32 $0x0;
	s6 =	sshll.u32 s4, $0xD  }
0x5: {  	[smem:$0x7FF] =	sst s5;
	s6 =	sadd.s32 s6, s1  }
0x6: {  	s31 =	simm.s32 $0x1;
	_ =	strace $0x80000047;
	s6 =	sadd.s32 $0xC00, s6  }
0x7: {  	[tilespmem:s5], [sflag:$0x1] =	stream.linear.gather [hbm4b:s6+s5], $0x10000, $0x38;
	[tilespmem:$0x19170] =	vst v63  }
0x8: {  	_ =	swait.ge [sflag:s31], $0x10000  }
0x9: {  	[sflag:s31] =	ssyncset.done $0x0  }
0xa: {  	s8 =	simm.s32 $0x190C0;
	s7 =	sadd.s32 $0x20C00, s1;
	[sflag:s31] =	ssyncadd.s32 $0xFFFF0000  }
0xb: {  	[tilespmem:s8], [sflag:$0x1] =	stream.linear.gather [hbm4b:s7+s5], $0x10, $0x38;
	[tilespmem:$0x19170] =	vst v63  }
0xc: {  	_ =	swait.ge [sflag:s31], $0x10  }
0xd: {  	[sflag:s31] =	ssyncset.done $0x0  }
0xe: {  	[sflag:s31] =	ssyncadd.s32 $0xFFFFFFF0  }
0xf: {  	v1 =	vlaneseq.u32;
	s1 =	sadd.s32 $0xA00, s1;
	s6 =	simm.s32 $0x19040;
	s7 =	simm.s32 $0x0;
	v0 =	vld [tilespmem:$0x190C0]  }
.LBB2_1:
0x10: {  	p0 =	sne.s32 s7, $0x70  }
.Ltmp0:
0x11: {  	_ = 	snop;
	(pc) =	sbr.rel @p0 .LBB2_1-.Ltmp0, $3  }
0x12: {  	_ =	sdelay $0x1  }
0x13: {  	v2 =	vor.u32 s7, v1  }
0x14: {  	s7 =	sadd.s32 $0x10, s7;
	[tilespmem:s6+$0x0] =	vst v2;
	s6 =	sadd.s32 $0x10, s6  }
0x15: {  	v1 =	vlaneseq.u32  }
0x16: {  	s6 =	simm.s32 $0x19000;
	v2 =	vor.u32 s5, v1  }
0x17: {  	s5 =	simm.s32 $0x10;
	[tilespmem:s6+$0x0] =	vst v2  }
.LBB2_3:
0x18: {  	p0 =	sne.s32 s5, $0x30  }
.Ltmp1:
0x19: {  	_ = 	snop;
	(pc) =	sbr.rel @p0 .LBB2_3-.Ltmp1, $3  }
0x1a: {  	_ =	sdelay $0x1  }
0x1b: {  	v2 =	vor.u32 s5, v1;
	s5 =	sadd.s32 $0x10, s5;
	s6 =	sadd.s32 $0x10, s6  }
0x1c: {  	[tilespmem:s6+$0x0] =	vst v2  }
0x1d: {  	s5 =	simm.s32 $0x10040;
	v1 =	vimm.s32 $0x0  }
0x1e: {  	[tilespmem:s5+$0xFFFFFFC0] =	vst v1  }
0x1f: {  	[tilespmem:s5+$0x30] =	vst v1  }
0x20: {  	[tilespmem:s5+$0x20] =	vst v1  }
0x21: {  	[tilespmem:s5+$0x10] =	vst v1  }
0x22: {  	[tilespmem:s5+$0x0] =	vst v1  }
0x23: {  	[tilespmem:s5+$0xFFFFFFF0] =	vst v1  }
0x24: {  	s6 =	simm.s32 $0x0;
	[tilespmem:s5+$0xFFFFFFE0] =	vst v1  }
.LBB2_5:
0x25: {  	s6 =	sadd.s32 $0x8, s6;
	[tilespmem:s5+$0xFFFFFFD0] =	vst v1;
	s5 =	sadd.s32 $0x80, s5  }
0x26: {  	[tilespmem:s5+$0xFFFFFFC0] =	vst v1;
	p0 =	slt.u32 s6, $0x3F8  }
0x27: {  	[tilespmem:s5+$0x30] =	vst v1  }
.Ltmp2:
0x28: {  	[tilespmem:s5+$0x20] =	vst v1;
	(pc) =	sbr.rel @p0 .LBB2_5-.Ltmp2, $4  }
0x29: {  	[tilespmem:s5+$0x10] =	vst v1  }
0x2a: {  	[tilespmem:s5+$0x0] =	vst v1  }
0x2b: {  	[tilespmem:s5+$0xFFFFFFF0] =	vst v1  }
0x2c: {  	[tilespmem:s5+$0xFFFFFFE0] =	vst v1  }
0x2d: {  	[tilespmem:s5+$0xFFFFFFD0] =	vst v1;
	s31 =	simm.s32 $0x80  }
0x2e: {  	v3 =	vld [tilespmem:s31+$0x70]  }
0x2f: {  	v5 =	vld [tilespmem:s31+$0xFFFFFF90]  }
0x30: {  	v6 =	vld [tilespmem:s31+$0xFFFFFFA0]  }
0x31: {  	v7 =	vld [tilespmem:s31+$0xFFFFFFB0]  }
0x32: {  	v8 =	vld [tilespmem:s31+$0xFFFFFFC0]  }
0x33: {  	v9 =	vld [tilespmem:s31+$0xFFFFFFD0]  }
0x34: {  	v11 =	vld [tilespmem:s31+$0xFFFFFFE0]  }
0x35: {  	v15 =	vld [tilespmem:s31+$0x0]  }
0x36: {  	v16 =	vld [tilespmem:s31+$0x10]  }
0x37: {  	v19 =	vld [tilespmem:s31+$0x20]  }
0x38: {  	v1 =	vlaneseq.u32;
	v21 =	vld [tilespmem:s31+$0xFFFFFF80]  }
0x39: {  	v2 =	vmul.u32 $0x400, v1;
	v23 =	vld [tilespmem:s31+$0x30]  }
0x3a: {  	v1 =	vimm.s32 $0x1;
	v12 =	vld [tilespmem:s31+$0xFFFFFFF0];
	v4 =	vshrl.u32 v3, $0x15;
	v10 =	vshrl.u32 v5, $0x15  }
0x3b: {  	vm0 =	vgt.s32 v3, $0xFFFFFFFF;
	v17 =	vshrl.u32 v9, $0x15;
	v22 =	vshrl.u32 v15, $0x15  }
0x3c: {  	v25 =	vshrl.u32 v16, $0x15;
	vm1 =	vgt.s32 v5, $0xFFFFFFFF;
	v61 =	vshrl.u32 v19, $0x15  }
0x3d: {  	vm2 =	vgt.s32 v6, $0xFFFFFFFF;
	vm3 =	vgt.s32 v7, $0xFFFFFFFF;
	vm4 =	vgt.s32 v21, $0xFFFFFFFF  }
0x3e: {  	v62 =	vshrl.u32 v23, $0x15;
	vm8 =	vgt.s32 v8, $0xFFFFFFFF;
	vm9 =	vgt.s32 v11, $0xFFFFFFFF  }
0x3f: {  	vm7 =	vgt.s32 v12, $0xFFFFFFFF;
	vm6 =	vgt.s32 v15, $0xFFFFFFFF;
	vm5 =	vgt.s32 v16, $0xFFFFFFFF  }
0x40: {  	v3 =	vand.u32 $0x3FF, v4;
	v4 =	vand.u32 $0x3FF, v10;
	v10 =	vshrl.u32 v6, $0x15  }
0x41: {  	v60 =	vld [tilespmem:s31+$0x40];
	v5 =	vand.u32 $0x3FF, v25;
	v6 =	vshrl.u32 v21, $0x15;
	v13 =	vor.u32 v2, v3  }
0x42: {  	v14 =	vor.u32 v2, v4;
	v3 =	vand.u32 $0x3FF, v10;
	v4 =	vshrl.u32 v7, $0x15  }
0x43: {  	v27 =	vld [tilespmem:s31+$0x60];
	v5 =	vor.u32 v2, v5;
	v7 =	vand.u32 $0x3FF, v61;
	v6 =	vand.u32 $0x3FF, v6  }
0x44: {  	v10 =	vor.u32 v2, v3;
	v3 =	vshrl.u32 v8, $0x15;
	v4 =	vand.u32 $0x3FF, v4  }
0x45: {  	v63 =	vor.u32 v2, v6;
	v6 =	vor.u32 v2, v7;
	v7 =	vand.u32 $0x3FF, v62  }
0x46: {  	v8 =	vshrl.u32 v60, $0x15;
	v3 =	vand.u32 $0x3FF, v3;
	v18 =	vor.u32 v2, v4  }
0x47: {  	s5 =	simm.s32 $0x10000;
	v26 =	vld [tilespmem:s31+$0x50];
	v4 =	vshrl.u32 v11, $0x15;
	v7 =	vor.u32 v2, v7;
	v8 =	vand.u32 $0x3FF, v8  }
0x48: {  	v11 =	vshrl.u32 v27, $0x15;
	v20 =	vor.u32 v2, v3;
	v4 =	vand.u32 $0x3FF, v4;
	[tilespmem:v13+s5+$0x0] =	vst.idx.add.s32.msk vm0, v1  }
0x49: {  	v3 =	vand.u32 $0x3FF, v17;
	v24 =	vor.u32 v2, v4;
	vm0 =	vgt.s32 v9, $0xFFFFFFFF;
	[tilespmem:v14+s5+$0x0] =	vst.idx.add.s32.msk vm1, v1  }
0x4a: {  	v8 =	vor.u32 v2, v8;
	v17 =	vor.u32 v2, v3;
	v3 =	vshrl.u32 v12, $0x15;
	[tilespmem:v10+s5+$0x0] =	vst.idx.add.s32.msk vm2, v1  }
0x4b: {  	v11 =	vand.u32 $0x3FF, v11;
	v4 =	vand.u32 $0x3FF, v22;
	v3 =	vand.u32 $0x3FF, v3;
	[tilespmem:v63+s5+$0x0] =	vst.idx.add.s32.msk vm4, v1  }
0x4c: {  	v4 =	vor.u32 v2, v4;
	v9 =	vshrl.u32 v26, $0x15;
	vm1 =	vgt.s32 v27, $0xFFFFFFFF;
	[tilespmem:v18+s5+$0x0] =	vst.idx.add.s32.msk vm3, v1  }
0x4d: {  	v3 =	vor.u32 v2, v3;
	v9 =	vand.u32 $0x3FF, v9;
	vm4 =	vgt.s32 v19, $0xFFFFFFFF;
	[tilespmem:v20+s5+$0x0] =	vst.idx.add.s32.msk vm8, v1  }
0x4e: {  	vm2 =	vgt.s32 v60, $0xFFFFFFFF;
	vm1 =	vmmov vm1;
	v10 =	vor.u32 v2, v9;
	[tilespmem:v24+s5+$0x0] =	vst.idx.add.s32.msk vm9, v1  }
0x4f: {  	s6 =	simm.s32 $0x0;
	s7 =	simm.s32 $0x180;
	v9 =	vor.u32 v2, v11;
	vm3 =	vgt.s32 v23, $0xFFFFFFFF;
	[tilespmem:v17+s5+$0x0] =	vst.idx.add.s32.msk vm0, v1;
	vm0 =	vgt.s32 v26, $0xFFFFFFFF  }
.LBB2_7:
0x50: {  	v11 =	vld [tilespmem:s7+$0x70];
	s6 =	sadd.s32 $0x10, s6  }
0x51: {  	v12 =	vld [tilespmem:s7+$0xFFFFFF90];
	p0 =	slt.u32 s6, $0xFF0  }
0x52: {  	v13 =	vld [tilespmem:s7+$0xFFFFFFA0]  }
0x53: {  	v14 =	vld [tilespmem:s7+$0xFFFFFFB0]  }
0x54: {  	v15 =	vld [tilespmem:s7+$0xFFFFFFC0]  }
0x55: {  	v16 =	vld [tilespmem:s7+$0xFFFFFFD0];
	v17 =	vshrl.u32 v11, $0x15  }
0x56: {  	vm8 =	vgt.s32 v11, $0xFFFFFFFF;
	v18 =	vshrl.u32 v12, $0x15;
	v19 =	vld [tilespmem:s7+$0xFFFFFFE0];
	v11 =	vand.u32 $0x3FF, v17  }
0x57: {  	v17 =	vand.u32 $0x3FF, v18;
	v18 =	vshrl.u32 v13, $0x15;
	v20 =	vld [tilespmem:s7+$0xFFFFFFF0];
	v11 =	vor.u32 v2, v11  }
0x58: {  	v17 =	vor.u32 v2, v17;
	v18 =	vand.u32 $0x3FF, v18;
	v21 =	vshrl.u32 v14, $0x15;
	v22 =	vld [tilespmem:s7+$0x0]  }
0x59: {  	v18 =	vor.u32 v2, v18;
	v21 =	vand.u32 $0x3FF, v21;
	v23 =	vshrl.u32 v15, $0x15;
	v24 =	vld [tilespmem:s7+$0x10]  }
0x5a: {  	v21 =	vor.u32 v2, v21;
	v23 =	vand.u32 $0x3FF, v23;
	v25 =	vshrl.u32 v16, $0x15;
	v26 =	vld [tilespmem:s7+$0x20]  }
0x5b: {  	v23 =	vor.u32 v2, v23;
	v25 =	vand.u32 $0x3FF, v25;
	v27 =	vshrl.u32 v19, $0x15;
	v28 =	vld [tilespmem:s7+$0x30]  }
0x5c: {  	v25 =	vor.u32 v2, v25;
	v27 =	vand.u32 $0x3FF, v27;
	v29 =	vshrl.u32 v20, $0x15;
	[tilespmem:v11+s5+$0x0] =	vst.idx.add.s32.msk vm8, v1  }
0x5d: {  	v11 =	vor.u32 v2, v27;
	v27 =	vand.u32 $0x3FF, v29;
	v29 =	vshrl.u32 v22, $0x15;
	v30 =	vld [tilespmem:s7+$0x40]  }
0x5e: {  	v27 =	vor.u32 v2, v27;
	v29 =	vand.u32 $0x3FF, v29;
	v31 =	vshrl.u32 v24, $0x15;
	v32 =	vld [tilespmem:s7+$0x50]  }
0x5f: {  	v29 =	vor.u32 v2, v29;
	v31 =	vand.u32 $0x3FF, v31;
	v33 =	vshrl.u32 v26, $0x15;
	v34 =	vld [tilespmem:s7+$0x60]  }
0x60: {  	v35 =	vld [tilespmem:s7+$0xFFFFFF80];
	v31 =	vor.u32 v2, v31;
	v33 =	vand.u32 $0x3FF, v33;
	v36 =	vshrl.u32 v28, $0x15  }
0x61: {  	vm8 =	vgt.s32 v12, $0xFFFFFFFF;
	v12 =	vor.u32 v2, v33;
	v33 =	vand.u32 $0x3FF, v36;
	[tilespmem:v3+s5+$0x0] =	vst.idx.add.s32.msk vm7, v1;
	v3 =	vmovc v27  }
0x62: {  	vm7 =	vgt.s32 v13, $0xFFFFFFFF;
	v13 =	vor.u32 v2, v33;
	v27 =	vshrl.u32 v30, $0x15;
	[tilespmem:v4+s5+$0x0] =	vst.idx.add.s32.msk vm6, v1;
	v4 =	vmovc v29  }
0x63: {  	vm9 =	vgt.s32 v14, $0xFFFFFFFF;
	v14 =	vand.u32 $0x3FF, v27;
	v27 =	vshrl.u32 v32, $0x15;
	[tilespmem:v5+s5+$0x0] =	vst.idx.add.s32.msk vm5, v1;
	v5 =	vmovc v31  }
0x64: {  	v14 =	vor.u32 v2, v14;
	v27 =	vand.u32 $0x3FF, v27;
	v29 =	vshrl.u32 v34, $0x15;
	[tilespmem:v6+s5+$0x0] =	vst.idx.add.s32.msk vm4, v1;
	v6 =	vmovc v12  }
0x65: {  	v12 =	vshrl.u32 v35, $0x15;
	v27 =	vor.u32 v2, v27;
	v29 =	vand.u32 $0x3FF, v29;
	[tilespmem:v7+s5+$0x0] =	vst.idx.add.s32.msk vm3, v1;
	v7 =	vmovc v13  }
0x66: {  	vm10 =	vgt.s32 v35, $0xFFFFFFFF;
	v12 =	vand.u32 $0x3FF, v12;
	v13 =	vor.u32 v2, v29;
	[tilespmem:v8+s5+$0x0] =	vst.idx.add.s32.msk vm2, v1;
	v8 =	vmovc v14  }
0x67: {  	vm11 =	vgt.s32 v16, $0xFFFFFFFF;
	v12 =	vor.u32 v2, v12;
	[tilespmem:v17+s5+$0x0] =	vst.idx.add.s32.msk vm8, v1;
	vm8 =	vgt.s32 v15, $0xFFFFFFFF  }
0x68: {  	vm12 =	vgt.s32 v19, $0xFFFFFFFF;
	vm6 =	vgt.s32 v22, $0xFFFFFFFF;
	[tilespmem:v18+s5+$0x0] =	vst.idx.add.s32.msk vm7, v1;
	vm7 =	vgt.s32 v20, $0xFFFFFFFF  }
0x69: {  	vm5 =	vgt.s32 v24, $0xFFFFFFFF;
	vm4 =	vgt.s32 v26, $0xFFFFFFFF;
	vm3 =	vgt.s32 v28, $0xFFFFFFFF;
	[tilespmem:v21+s5+$0x0] =	vst.idx.add.s32.msk vm9, v1  }
0x6a: {  	vm2 =	vgt.s32 v30, $0xFFFFFFFF;
	vm9 =	vgt.s32 v34, $0xFFFFFFFF;
	[tilespmem:v10+s5+$0x0] =	vst.idx.add.s32.msk vm0, v1;
	vm0 =	vgt.s32 v32, $0xFFFFFFFF;
	v10 =	vmovc v27  }
.Ltmp3:
0x6b: {  	[tilespmem:v9+s5+$0x0] =	vst.idx.add.s32.msk vm1, v1;
	v9 =	vmov v13;
	vm1 =	vmmov vm9;
	(pc) =	sbr.rel @p0 .LBB2_7-.Ltmp3, $4  }
0x6c: {  	[tilespmem:v12+s5+$0x0] =	vst.idx.add.s32.msk vm10, v1  }
0x6d: {  	[tilespmem:v23+s5+$0x0] =	vst.idx.add.s32.msk vm8, v1  }
0x6e: {  	[tilespmem:v25+s5+$0x0] =	vst.idx.add.s32.msk vm11, v1  }
0x6f: {  	s7 =	sadd.s32 $0x100, s7;
	[tilespmem:v11+s5+$0x0] =	vst.idx.add.s32.msk vm12, v1  }
0x70: {  	_ =	sdelay $0x4  }
0x71: {  	[tilespmem:v3+s5+$0x0] =	vst.idx.add.s32.msk vm7, v1  }
0x72: {  	[tilespmem:v4+s5+$0x0] =	vst.idx.add.s32.msk vm6, v1  }
0x73: {  	[tilespmem:v5+s5+$0x0] =	vst.idx.add.s32.msk vm5, v1  }
0x74: {  	[tilespmem:v6+s5+$0x0] =	vst.idx.add.s32.msk vm4, v1  }
0x75: {  	[tilespmem:v7+s5+$0x0] =	vst.idx.add.s32.msk vm3, v1  }
0x76: {  	[tilespmem:v8+s5+$0x0] =	vst.idx.add.s32.msk vm2, v1  }
0x77: {  	[tilespmem:v10+s5+$0x0] =	vst.idx.add.s32.msk vm0, v1  }
0x78: {  	[tilespmem:v9+s5+$0x0] =	vst.idx.add.s32.msk vm1, v1;
	s7 =	simm.s32 $0x12000  }
0x79: {  	v1 =	vld [tilespmem:s7+$0xFFFFE010]  }
0x7a: {  	v2 =	vld [tilespmem:s7+$0xFFFFE410]  }
0x7b: {  	v3 =	vld [tilespmem:s7+$0xFFFFE810]  }
0x7c: {  	v4 =	vld [tilespmem:s7+$0xFFFFEC10]  }
0x7d: {  	v5 =	vld [tilespmem:s7+$0xFFFFF010]  }
0x7e: {  	v6 =	vld [tilespmem:s7+$0xFFFFF410]  }
0x7f: {  	v7 =	vld [tilespmem:s7+$0xFFFFF810]  }
0x80: {  	v8 =	vld [tilespmem:s7+$0xFFFFFC10]  }
0x81: {  	v9 =	vld [tilespmem:s7+$0x10]  }
0x82: {  	v10 =	vld [tilespmem:s7+$0x410]  }
0x83: {  	v11 =	vld [tilespmem:s7+$0x810]  }
0x84: {  	v12 =	vld [tilespmem:s7+$0xC10]  }
0x85: {  	v13 =	vld [tilespmem:s7+$0x1010]  }
0x86: {  	v14 =	vld [tilespmem:s7+$0x1410]  }
0x87: {  	v15 =	vld [tilespmem:s7+$0x1810]  }
0x88: {  	v16 =	vld [tilespmem:s7+$0x1C10]  }
0x89: {  	v1 =	vadd.s32 v1, v2;
	v2 =	vld [tilespmem:s7+$0xFFFFE400]  }
0x8a: {  	v1 =	vadd.s32 v3, v1;
	v3 =	vld [tilespmem:s7+$0xFFFFE000]  }
0x8b: {  	v1 =	vadd.s32 v4, v1;
	v4 =	vld [tilespmem:s7+$0xFFFFE800]  }
0x8c: {  	v1 =	vadd.s32 v5, v1;
	v5 =	vld [tilespmem:s7+$0xFFFFEC00]  }
0x8d: {  	v1 =	vadd.s32 v6, v1;
	v6 =	vld [tilespmem:s7+$0xFFFFF000]  }
0x8e: {  	v1 =	vadd.s32 v7, v1;
	v7 =	vld [tilespmem:s7+$0xFFFFF400]  }
0x8f: {  	v1 =	vadd.s32 v8, v1;
	v2 =	vadd.s32 v3, v2;
	v3 =	vld [tilespmem:s7+$0xFFFFF800]  }
0x90: {  	v1 =	vadd.s32 v9, v1;
	v2 =	vadd.s32 v4, v2;
	v4 =	vld [tilespmem:s7+$0xFFFFFC00]  }
0x91: {  	v1 =	vadd.s32 v10, v1;
	v2 =	vadd.s32 v5, v2;
	v5 =	vld [tilespmem:s7+$0x0]  }
0x92: {  	v1 =	vadd.s32 v11, v1;
	v2 =	vadd.s32 v6, v2;
	v6 =	vld [tilespmem:s7+$0x400]  }
0x93: {  	v1 =	vadd.s32 v12, v1;
	v2 =	vadd.s32 v7, v2;
	v7 =	vld [tilespmem:s7+$0x800]  }
0x94: {  	v8 =	vadd.s32 v13, v1;
	v2 =	vadd.s32 v3, v2;
	v1 =	vld [tilespmem:s7+$0xC00]  }
0x95: {  	v3 =	vadd.s32 v14, v8;
	v4 =	vadd.s32 v4, v2;
	v2 =	vld [tilespmem:s7+$0x1000]  }
0x96: {  	v8 =	vadd.s32 v15, v3;
	v4 =	vadd.s32 v5, v4;
	v3 =	vld [tilespmem:s7+$0x1400]  }
0x97: {  	s5 =	simm.s32 $0x18010;
	v5 =	vadd.s32 v16, v8;
	v6 =	vadd.s32 v6, v4;
	v4 =	vld [tilespmem:s7+$0x1800]  }
0x98: {  	s6 =	simm.s32 $0x0;
	[tilespmem:s5+$0x0] =	vst v5;
	v6 =	vadd.s32 v7, v6;
	v5 =	vld [tilespmem:s7+$0x1C00];
	s7 =	simm.s32 $0x12020  }
.LBB2_9:
0x99: {  	v7 =	vld [tilespmem:s7+$0xFFFFE010];
	v1 =	vadd.s32 v1, v6  }
0x9a: {  	s6 =	sadd.s32 $0x2, s6;
	v6 =	vld [tilespmem:s7+$0xFFFFE410];
	v1 =	vadd.s32 v2, v1  }
0x9b: {  	p0 =	slt.u32 s6, $0x3E;
	v2 =	vld [tilespmem:s7+$0xFFFFE810];
	v1 =	vadd.s32 v3, v1  }
0x9c: {  	v3 =	vld [tilespmem:s7+$0xFFFFEC10];
	v1 =	vadd.s32 v4, v1  }
0x9d: {  	v4 =	vld [tilespmem:s7+$0xFFFFF010];
	v1 =	vadd.s32 v5, v1  }
0x9e: {  	v5 =	vld [tilespmem:s7+$0xFFFFF410];
	[tilespmem:s5+$0xFFFFFFF0] =	vst v1  }
0x9f: {  	v1 =	vadd.s32 v7, v6;
	v6 =	vld [tilespmem:s7+$0xFFFFF810]  }
0xa0: {  	v1 =	vadd.s32 v2, v1;
	v2 =	vld [tilespmem:s7+$0xFFFFFC10]  }
0xa1: {  	v1 =	vadd.s32 v3, v1;
	v3 =	vld [tilespmem:s7+$0x10]  }
0xa2: {  	v1 =	vadd.s32 v4, v1;
	v4 =	vld [tilespmem:s7+$0x410]  }
0xa3: {  	v1 =	vadd.s32 v5, v1;
	v5 =	vld [tilespmem:s7+$0x810]  }
0xa4: {  	v1 =	vadd.s32 v6, v1;
	v6 =	vld [tilespmem:s7+$0xC10]  }
0xa5: {  	v1 =	vadd.s32 v2, v1;
	v2 =	vld [tilespmem:s7+$0x1010]  }
0xa6: {  	v1 =	vadd.s32 v3, v1;
	v3 =	vld [tilespmem:s7+$0x1410]  }
0xa7: {  	v1 =	vadd.s32 v4, v1;
	v4 =	vld [tilespmem:s7+$0x1810]  }
0xa8: {  	v1 =	vadd.s32 v5, v1;
	v5 =	vld [tilespmem:s7+$0x1C10]  }
0xa9: {  	v7 =	vld [tilespmem:s7+$0xFFFFE400];
	v1 =	vadd.s32 v6, v1  }
0xaa: {  	v6 =	vld [tilespmem:s7+$0xFFFFE000];
	v1 =	vadd.s32 v2, v1  }
0xab: {  	v2 =	vld [tilespmem:s7+$0xFFFFE800];
	v1 =	vadd.s32 v3, v1  }
0xac: {  	v3 =	vld [tilespmem:s7+$0xFFFFEC00];
	v1 =	vadd.s32 v4, v1  }
0xad: {  	s5 =	sadd.s32 $0x20, s5;
	v4 =	vld [tilespmem:s7+$0xFFFFF000];
	v1 =	vadd.s32 v5, v1  }
0xae: {  	v5 =	vld [tilespmem:s7+$0xFFFFF400];
	[tilespmem:s5+$0x0] =	vst v1  }
0xaf: {  	v1 =	vadd.s32 v6, v7;
	v6 =	vld [tilespmem:s7+$0xFFFFF800]  }
0xb0: {  	v1 =	vadd.s32 v2, v1;
	v2 =	vld [tilespmem:s7+$0xFFFFFC00]  }
0xb1: {  	v1 =	vadd.s32 v3, v1;
	v3 =	vld [tilespmem:s7+$0x0]  }
0xb2: {  	v1 =	vadd.s32 v4, v1;
	v4 =	vld [tilespmem:s7+$0x400]  }
0xb3: {  	v1 =	vadd.s32 v5, v1;
	v5 =	vld [tilespmem:s7+$0x800]  }
.Ltmp4:
0xb4: {  	v6 =	vadd.s32 v6, v1;
	v1 =	vld [tilespmem:s7+$0xC00];
	(pc) =	sbr.rel @p0 .LBB2_9-.Ltmp4, $4  }
0xb5: {  	v6 =	vadd.s32 v2, v6;
	v2 =	vld [tilespmem:s7+$0x1000]  }
0xb6: {  	v6 =	vadd.s32 v3, v6;
	v3 =	vld [tilespmem:s7+$0x1400]  }
0xb7: {  	v6 =	vadd.s32 v4, v6;
	v4 =	vld [tilespmem:s7+$0x1800]  }
0xb8: {  	v6 =	vadd.s32 v5, v6;
	v5 =	vld [tilespmem:s7+$0x1C00];
	s7 =	sadd.s32 $0x20, s7  }
0xb9: {  	v0 =	vxor.u32 $0x80000000, v0  }
0xba: {  	(xrf0) =	vmax.scan.msk.u32 $0xffff, v0;
	_ =	sdelay $0x5  }
0xbb: {  	v0, _, _ =	vpop (xrf0)  }
0xbc: {  	(v2sf) =	vpush v0, $0xF;
	_ =	sdelay $0x9  }
0xbd: {  	v0 =	vadd.s32 v1, v6  }
0xbe: {  	v0 =	vadd.s32 v2, v0  }
0xbf: {  	v0 =	vadd.s32 v3, v0  }
0xc0: {  	v0 =	vadd.s32 v4, v0  }
0xc1: {  	p0 =	sne.s32 s4, $0x0;
	v0 =	vadd.s32 v5, v0  }
0xc2: {  	s6 =	simm.s32 @p0 $0x19000;
	[tilespmem:s5+$0xFFFFFFF0] =	vst v0;
	s20 =	spop (v2sf)  }
0xc3: {  	s7 =	simm.s32 @p0 $0x18000;
	s5 =	simm.s32 @p0 $0x40;
	[bflag:$0x0] =	sbarrier.arrive @p0 $0xFFFF  }
0xc4: {  	[spmem:s3] =	stream.indirect.scatter.add.s32 @p0 [tilespmem:s7], [sflag:$0x1], $0x10, s6, s5, $0xb8;
	[tilespmem:$0x19170] =	vst v63  }
0xc5: {  	s5 =	simm.s32 @p0 $0x1  }
0xc6: {  	_ =	swait.ge @p0 [sflag:s5], $0x400  }
0xc7: {  	s6 =	simm.s32 @!p0 $0x19000;
	[sflag:s5] =	ssyncset.done @p0 $0x0  }
0xc8: {  	s7 =	simm.s32 @!p0 $0x18000;
	[sflag:s5] =	ssyncadd.s32 @p0 $0xFFFFFC00;
	s5 =	simm.s32 @!p0 $0x40  }
0xc9: {  	[spmem:s3] =	stream.indirect.scatter @!p0 [tilespmem:s7], [sflag:$0x1], $0x10, s6, s5, $0xb8;
	[tilespmem:$0x19170] =	vst v63  }
0xca: {  	s5 =	simm.s32 @!p0 $0x1  }
0xcb: {  	_ =	swait.ge @!p0 [sflag:s5], $0x400  }
0xcc: {  	[sflag:s5] =	ssyncset.done @!p0 $0x0  }
0xcd: {  	[sflag:s5] =	ssyncadd.s32 @!p0 $0xFFFFFC00  }
0xce: {  	[bflag:$0x0] =	sbarrier.arrive @!p0 $0xFFFF  }
0xcf: {  	s22 =	simm.s32 $0x18800;
	s23 =	simm.s32 $0x1;
	[bflag:$0x0] =	sbarrier.arrive $0xFFFF  }
0xd0: {  	[tilespmem:s22], [sflag:$0x1] =	stream.linear.gather [spmem:s3], $0x400, $0x38;
	[tilespmem:$0x19170] =	vst v63  }
0xd1: {  	_ =	swait.ge [sflag:s23], $0x400  }
0xd2: {  	[sflag:s23] =	ssyncset.done $0x0  }
0xd3: {  	s24 =	simm.s32 $0x18820;
	[sflag:s23] =	ssyncadd.s32 $0xFFFFFC00  }
0xd4: {  	v0 =	vld [tilespmem:s24+$0xFFFFFFE0];
	_ =	sdelay $0x1  }
0xd5: {  	v1 =	vld [tilespmem:s24+$0xFFFFFFF0];
	_ =	sdelay $0x2  }
0xd6: {  	(xrf0) =	vadd.scan.msk.s32 $0xffff, v0  }
0xd7: {  	v2 =	vld [tilespmem:s24+$0x0]  }
0xd8: {  	s25 =	simm.s32 $0x18860;
	v3 =	vld [tilespmem:s24+$0x10];
	(xrf0) =	vadd.scan.msk.s32 $0xffff, v1  }
0xd9: {  	v0 =	vld [tilespmem:s25+$0xFFFFFFE0];
	_ =	sdelay $0x1  }
0xda: {  	v1 =	vld [tilespmem:s25+$0xFFFFFFF0]  }
0xdb: {  	(xrf0) =	vadd.scan.msk.s32 $0xffff, v2;
	v2 =	vld [tilespmem:s25+$0x0];
	v4, _, _ =	vpop (xrf0)  }
0xdc: {  	s26 =	simm.s32 $0x188A0;
	(xrf0) =	vadd.scan.msk.s32 $0xffff, v3;
	v3 =	vld [tilespmem:s25+$0x10];
	(v2sf) =	vpush v4, $0xF  }
0xdd: {  	v5 =	vld [tilespmem:s26+$0xFFFFFFE0];
	(xrf0) =	vadd.scan.msk.s32 $0xffff, v0;
	v0, _, _ =	vpop (xrf0)  }
0xde: {  	v4 =	vld [tilespmem:s26+$0xFFFFFFF0];
	(v2sf) =	vpush v0, $0xF  }
0xdf: {  	(xrf0) =	vadd.scan.msk.s32 $0xffff, v1;
	v0 =	vld [tilespmem:s26+$0x0]  }
0xe0: {  	(xrf0) =	vadd.scan.msk.s32 $0xffff, v2;
	v2 =	vld [tilespmem:s26+$0x10]  }
0xe1: {  	v1, _, _ =	vpop (xrf0);
	(xrf0) =	vadd.scan.msk.s32 $0xffff, v3  }
0xe2: {  	s28 =	simm.s32 $0x188E0;
	(v2sf) =	vpush v1, $0xF;
	v1, _, _ =	vpop (xrf0);
	(xrf0) =	vadd.scan.msk.s32 $0xffff, v5  }
0xe3: {  	(v2sf) =	vpush v1, $0xF;
	v1 =	vld [tilespmem:s28+$0xFFFFFFE0];
	(xrf0) =	vadd.scan.msk.s32 $0xffff, v4  }
0xe4: {  	v3, _, _ =	vpop (xrf0);
	(xrf0) =	vadd.scan.msk.s32 $0xffff, v0  }
0xe5: {  	(v2sf) =	vpush v3, $0xF;
	v3 =	vld [tilespmem:s28+$0xFFFFFFF0];
	v0, _, _ =	vpop (xrf0);
	(xrf0) =	vadd.scan.msk.s32 $0xffff, v2  }
0xe6: {  	v2, _, _ =	vpop (xrf0);
	(v2sf) =	vpush v0, $0xF;
	v0 =	vld [tilespmem:s28+$0x0]  }
0xe7: {  	v4 =	vld [tilespmem:s28+$0x10];
	(v2sf) =	vpush v2, $0xF;
	v2, _, _ =	vpop (xrf0)  }
0xe8: {  	s30 =	simm.s32 $0x18920;
	(xrf0) =	vadd.scan.msk.s32 $0xffff, v1;
	(v2sf) =	vpush v2, $0xF;
	v1, _, _ =	vpop (xrf0)  }
0xe9: {  	v2 =	vld [tilespmem:s30+$0xFFFFFFE0];
	(v2sf) =	vpush v1, $0xF;
	v1, _, _ =	vpop (xrf0)  }
0xea: {  	(xrf0) =	vadd.scan.msk.s32 $0xffff, v3;
	v3 =	vld [tilespmem:s30+$0xFFFFFFF0];
	(v2sf) =	vpush v1, $0xF;
	v1, _, _ =	vpop (xrf0)  }
0xeb: {  	(xrf0) =	vadd.scan.msk.s32 $0xffff, v0;
	v0 =	vld [tilespmem:s30+$0x0];
	(v2sf) =	vpush v1, $0xF;
	v5, _, _ =	vpop (xrf0);
	s31 =	spop (v2sf)  }
0xec: {  	(xrf0) =	vadd.scan.msk.s32 $0xffff, v4;
	v1 =	vld [tilespmem:s30+$0x10];
	(v2sf) =	vpush v5, $0xF;
	[smem:$0x0] =	sst s31  }
0xed: {  	s21 =	spop (v2sf)  }
0xee: {  	(xrf0) =	vadd.scan.msk.s32 $0xffff, v2;
	v4, _, _ =	vpop (xrf0);
	[smem:$0x1] =	sst s21  }
0xef: {  	(v2sf) =	vpush v4, $0xF  }
0xf0: {  	s29 =	sshll.u32 s4, $0x4;
	s18 =	sadd.s32 $0x10, s2;
	s17 =	sadd.s32 $0x20, s2  }
0xf1: {  	s16 =	sadd.s32 $0x30, s2;
	s15 =	sadd.s32 $0x40, s2;
	s13 =	sadd.s32 $0x50, s2  }
0xf2: {  	s14 =	sadd.s32 $0x60, s2;
	s12 =	sadd.s32 $0x70, s2;
	s10 =	sadd.s32 $0x80, s2  }
0xf3: {  	s11 =	sadd.s32 $0x90, s2;
	s9 =	sadd.s32 $0xA0, s2;
	s8 =	sadd.s32 $0xB0, s2  }
0xf4: {  	s4 =	sadd.s32 $0xF0, s2;
	s19 =	sadd.s32 s29, s2;
	s20 =	sxor.u32 $0x80000000, s20  }
0xf5: {  	s7 =	sadd.s32 $0xC0, s2;
	s6 =	sadd.s32 $0xD0, s2;
	s5 =	sadd.s32 $0xE0, s2  }
0xf6: {  	s22 =	simm.s32 $0x18960;
	s21 =	simm.s32 $0x2;
	s24 =	spop (v2sf)  }
0xf7: {  	s23 =	simm.s32 $0x14;
	v2 =	vld [tilespmem:s22+$0xFFFFFFE0];
	(xrf0) =	vadd.scan.msk.s32 $0xffff, v3;
	v3, _, _ =	vpop (xrf0);
	[smem:s21] =	sst s24;
	s24 =	spop (v2sf)  }
.LBB2_11:
0xf8: {  	s23 =	sadd.s32 $0x4, s23  }
0xf9: {  	v4 =	vld [tilespmem:s22+$0xFFFFFFF0];
	(xrf0) =	vadd.scan.msk.s32 $0xffff, v0;
	(v2sf) =	vpush v3, $0xF;
	v3, _, _ =	vpop (xrf0);
	[smem:s21+$0x1] =	sst s24;
	s21 =	sadd.s32 $0x4, s21;
	p1 =	slt.u32 s23, $0x3C  }
.Ltmp5:
0xfa: {  	v0 =	vld [tilespmem:s22+$0x0];
	(xrf0) =	vadd.scan.msk.s32 $0xffff, v1;
	(v2sf) =	vpush v3, $0xF;
	v3, _, _ =	vpop (xrf0);
	(pc) =	sbr.rel @p1 .LBB2_11-.Ltmp5, $4  }
0xfb: {  	v1 =	vld [tilespmem:s22+$0x10];
	(v2sf) =	vpush v3, $0xF;
	s24 =	spop (v2sf)  }
0xfc: {  	[smem:s21+$0xFFFFFFFE] =	sst s24;
	s24 =	spop (v2sf)  }
0xfd: {  	s22 =	sadd.s32 $0x40, s22;
	(xrf0) =	vadd.scan.msk.s32 $0xffff, v2;
	v3, _, _ =	vpop (xrf0);
	[smem:s21+$0xFFFFFFFF] =	sst s24;
	s24 =	spop (v2sf)  }
0xfe: {  	v2 =	vld [tilespmem:s22+$0xFFFFFFE0];
	(xrf0) =	vadd.scan.msk.s32 $0xffff, v4;
	(v2sf) =	vpush v3, $0xF;
	v3, _, _ =	vpop (xrf0);
	[smem:s21] =	sst s24;
	s24 =	spop (v2sf)  }
0xff: {  	v4 =	vld [tilespmem:s22+$0xFFFFFFF0]  }
0x100: {  	v5 =	vld [tilespmem:s22+$0x0]  }
0x101: {  	(xrf0) =	vadd.scan.msk.s32 $0xffff, v0;
	v53 =	vld [tilespmem:s22+$0x10]  }
0x102: {  	(xrf0) =	vadd.scan.msk.s32 $0xffff, v1  }
0x103: {  	(v2sf) =	vpush v3, $0xF;
	v54, _, _ =	vpop (xrf0);
	(xrf0) =	vadd.scan.msk.s32 $0xffff, v2  }
0x104: {  	(v2sf) =	vpush v54, $0xF;
	v55, _, _ =	vpop (xrf0);
	(xrf0) =	vadd.scan.msk.s32 $0xffff, v4  }
0x105: {  	(v2sf) =	vpush v55, $0xF;
	v56, _, _ =	vpop (xrf0);
	(xrf0) =	vadd.scan.msk.s32 $0xffff, v5  }
0x106: {  	(v2sf) =	vpush v56, $0xF;
	v57, _, _ =	vpop (xrf0);
	(xrf0) =	vadd.scan.msk.s32 $0xffff, v53  }
0x107: {  	v58, _, _ =	vpop (xrf0);
	(v2sf) =	vpush v57, $0xF  }
0x108: {  	(v2sf) =	vpush v58, $0xF;
	v59, _, _ =	vpop (xrf0)  }
0x109: {  	[smem:s21+$0x1] =	sst s24;
	s23 =	sadd.s32 $0x4, s21;
	s24 =	spop (v2sf);
	(v2sf) =	vpush v59, $0xF;
	v60, _, _ =	vpop (xrf0)  }
0x10a: {  	[smem:s23+$0xFFFFFFFE] =	sst s24;
	s25 =	spop (v2sf);
	(v2sf) =	vpush v60, $0xF;
	v61, _, _ =	vpop (xrf0)  }
0x10b: {  	[smem:s23+$0xFFFFFFFF] =	sst s25;
	s26 =	spop (v2sf);
	(v2sf) =	vpush v61, $0xF;
	v62, _, _ =	vpop (xrf0)  }
0x10c: {  	[smem:s23] =	sst s26;
	s29 =	spop (v2sf);
	(v2sf) =	vpush v62, $0xF;
	v63, _, _ =	vpop (xrf0)  }
0x10d: {  	s21 =	sadd.s32 $0x4, s23;
	[smem:s23+$0x1] =	sst s29;
	s30 =	spop (v2sf);
	(v2sf) =	vpush v63, $0xF  }
0x10e: {  	[smem:s21+$0xFFFFFFFE] =	sst s30;
	s23 =	spop (v2sf)  }
0x10f: {  	s31 =	spop (v2sf);
	[smem:s21+$0xFFFFFFFF] =	sst s23  }
0x110: {  	s24 =	spop (v2sf);
	[smem:s21] =	sst s31  }
0x111: {  	[smem:s21+$0x1] =	sst s24;
	s21 =	sadd.s32 $0x4, s21;
	s25 =	spop (v2sf)  }
0x112: {  	[smem:s21+$0xFFFFFFFE] =	sst s25;
	s26 =	spop (v2sf)  }
0x113: {  	[smem:s21+$0xFFFFFFFF] =	sst s26;
	s29 =	spop (v2sf)  }
0x114: {  	[smem:s21] =	sst s29;
	s30 =	spop (v2sf)  }
0x115: {  	[smem:s21+$0x1] =	sst s30;
	s21 =	sadd.s32 $0x4, s21;
	s31 =	spop (v2sf)  }
0x116: {  	[smem:s21+$0xFFFFFFFE] =	sst s31;
	s23 =	spop (v2sf)  }
0x117: {  	[smem:s21+$0xFFFFFFFF] =	sst s23;
	s24 =	spop (v2sf)  }
0x118: {  	[smem:s21] =	sst s24;
	s25 =	spop (v2sf)  }
0x119: {  	[smem:s21+$0x1] =	sst s25;
	s21 =	sadd.s32 $0x4, s21;
	s26 =	spop (v2sf)  }
0x11a: {  	[smem:s21+$0xFFFFFFFE] =	sst s26;
	s29 =	spop (v2sf)  }
0x11b: {  	[smem:s21+$0xFFFFFFFF] =	sst s29;
	s30 =	spop (v2sf)  }
0x11c: {  	[smem:s21] =	sst s30;
	s31 =	spop (v2sf)  }
0x11d: {  	[smem:s21+$0x1] =	sst s31  }
0x11e: {  	s22 =	sld [smem:$0x3F]  }
0x11f: {  	p1 =	por $0x0, $0x0  }
0x120: {  	s28 =	simm.s32 $0x3E;
	p4 =	por !p1, !p1;
	s23 =	simm.s32 $0x0  }
0x121: {  	s24 =	simm.s32 $0x3F;
	s26 =	simm.s32 $0x3E;
	s25 =	sadd.s32 $0x0, s22  }
0x122: {  	s21 =	simm.s32 $0x0;
	s22 =	simm.s32 $0x0;
	p2 =	sge.s32 s25, s20  }
.LBB2_13:
0x123: {  	s29 =	sld [smem:s28+$0x0]  }
0x124: {  	p4 =	por !p2, !p4;
	s30 =	smov.u32 s26;
	p3 =	sne.s32 s26, $0x0  }
.Ltmp6:
0x125: {  	s26 =	sadd.s32 $0xFFFFFFFF, s26;
	p4 =	por !p4, !p4;
	(pc) =	sbr.rel @p3 .LBB2_13-.Ltmp6, $4  }
0x126: {  	s21 =	smov.u32 @p4 s24;
	s22 =	smov.u32 @p4 s23;
	s24 =	smov.u32 s30  }
0x127: {  	s23 =	smov.u32 s25  }
0x128: {  	p1 =	por p1, p2;
	s25 =	sadd.s32 s25, s29  }
0x129: {  	s28 =	sadd.s32 $0xFFFFFFFF, s28;
	p4 =	por !p1, !p1;
	p2 =	sge.s32 s25, s20  }
0x12a: {  	p1 =	por !p2, !p4  }
0x12b: {  	p1 =	por !p1, !p1  }
0x12c: {  	s21 =	smov.u32 @p1 s24  }
0x12d: {  	s21 =	sshll.u32 s21, $0x4  }
0x12e: {  	v0 =	vld [tilespmem:s21+$0x18800]  }
0x12f: {  	v1 =	vlaneseq.u32  }
0x130: {  	v1 =	vmul.u32 $0xFFFFFFFF, v1;
	_ =	sdelay $0x1  }
0x131: {  	v1 =	vadd.s32 $0xF, v1  }
0x132: {  	v2 =	vperm.xlane v0, v1;
	_ =	sdelay $0x1  }
0x133: {  	(xrf0) =	vadd.scan.msk.s32 $0xffff, v2;
	_ =	sdelay $0x5  }
0x134: {  	v2, _, _ =	vpop (xrf0)  }
0x135: {  	s22 =	smov.u32 @p1 s23;
	s23 =	simm.s32 $0x10040;
	v1 =	vperm.xlane v2, v1;
	v2 =	vimm.s32 $0x0  }
0x136: {  	[tilespmem:s23+$0xFFFFFFC0] =	vst v2  }
0x137: {  	[tilespmem:s23+$0x30] =	vst v2  }
0x138: {  	[tilespmem:s23+$0x20] =	vst v2  }
0x139: {  	[tilespmem:s23+$0x10] =	vst v2  }
0x13a: {  	[tilespmem:s23+$0x0] =	vst v2  }
0x13b: {  	[tilespmem:s23+$0xFFFFFFF0] =	vst v2  }
0x13c: {  	s24 =	simm.s32 $0x0;
	[tilespmem:s23+$0xFFFFFFE0] =	vst v2  }
.LBB2_15:
0x13d: {  	s24 =	sadd.s32 $0x8, s24;
	[tilespmem:s23+$0xFFFFFFD0] =	vst v2;
	s23 =	sadd.s32 $0x80, s23  }
0x13e: {  	[tilespmem:s23+$0xFFFFFFC0] =	vst v2;
	p1 =	slt.u32 s24, $0x3F8  }
0x13f: {  	[tilespmem:s23+$0x30] =	vst v2  }
.Ltmp7:
0x140: {  	[tilespmem:s23+$0x20] =	vst v2;
	(pc) =	sbr.rel @p1 .LBB2_15-.Ltmp7, $4  }
0x141: {  	[tilespmem:s23+$0x10] =	vst v2  }
0x142: {  	[tilespmem:s23+$0x0] =	vst v2  }
0x143: {  	[tilespmem:s23+$0xFFFFFFF0] =	vst v2  }
0x144: {  	[tilespmem:s23+$0xFFFFFFE0] =	vst v2  }
0x145: {  	v1 =	vadd.s32 s22, v1  }
0x146: {  	[tilespmem:s23+$0xFFFFFFD0] =	vst v2;
	v2 =	vimm.s32 $0x0;
	vm0 =	vge.s32 v1, s20  }
0x147: {  	v2 =	vsel vm0, $0x1, v2  }
0x148: {  	(xrf0) =	vadd.scan.msk.s32 $0xffff, v2;
	_ =	sdelay $0x5  }
0x149: {  	s25 =	simm.s32 $0x80;
	v2, _, _ =	vpop (xrf0)  }
0x14a: {  	v10 =	vld [tilespmem:s25+$0xFFFFFFA0];
	(v2sf) =	vpush v2, $0xF  }
0x14b: {  	v11 =	vld [tilespmem:s25+$0xFFFFFFE0]  }
0x14c: {  	v8 =	vld [tilespmem:s25+$0x60]  }
0x14d: {  	v13 =	vld [tilespmem:s25+$0x30]  }
0x14e: {  	v9 =	vld [tilespmem:s25+$0x70]  }
0x14f: {  	v12 =	vld [tilespmem:s25+$0x20]  }
0x150: {  	v14 =	vld [tilespmem:s25+$0xFFFFFFC0]  }
0x151: {  	v3 =	vlaneseq.u32;
	v15 =	vld [tilespmem:s25+$0xFFFFFFD0]  }
0x152: {  	v4 =	vmul.u32 $0x400, v3;
	v17 =	vld [tilespmem:s25+$0x40]  }
0x153: {  	v3 =	vimm.s32 $0x1;
	v19 =	vld [tilespmem:s25+$0xFFFFFFB0];
	v7 =	vshrl.u32 v11, $0xB;
	v16 =	vshrl.u32 v8, $0xB  }
0x154: {  	v21 =	vld [tilespmem:s25+$0xFFFFFF90];
	v6 =	vshrl.u32 v13, $0xB;
	v20 =	vshrl.u32 v9, $0xB;
	v29 =	vshrl.u32 v8, $0x15  }
0x155: {  	v24 =	vshrl.u32 v9, $0x15;
	v18 =	vshrl.u32 v12, $0x15;
	v12 =	vshrl.u32 v12, $0xB  }
0x156: {  	v27 =	vshrl.u32 v14, $0xB;
	v9 =	vshrl.u32 v14, $0x15;
	v8 =	vshrl.u32 v15, $0x15  }
0x157: {  	v14 =	vshrl.u32 v15, $0xB;
	v22 =	vshrl.u32 v17, $0x15;
	v15 =	vshrl.u32 v17, $0xB  }
0x158: {  	v17 =	vshrl.u32 v10, $0xB;
	v26 =	vshrl.u32 v19, $0x15;
	v31 =	vshrl.u32 v19, $0xB  }
0x159: {  	v19 =	vshrl.u32 v21, $0xB;
	v6 =	vand.u32 $0x3FF, v6;
	v16 =	vand.u32 $0x3FF, v16;
	s31 =	spop (v2sf)  }
0x15a: {  	v30 =	vand.u32 $0x3FF, v20;
	v23 =	vand.u32 $0x3FF, v12;
	v25 =	vand.u32 $0x3FF, v15;
	s21 =	sadd.s32 s31, s21  }
0x15b: {  	v17 =	vand.u32 $0x3FF, v17;
	v15 =	vshrl.u32 v11, $0x15;
	v20 =	vshrl.u32 v13, $0x15;
	s21 =	sadd.s32 $0xFFFFFFFF, s21  }
0x15c: {  	v11 =	vand.u32 $0x3FF, v19;
	v13 =	vand.u32 $0x3FF, v27;
	v5 =	vmov s21  }
0x15d: {  	v28 =	vld [tilespmem:s25+$0xFFFFFF80];
	vm2 =	veq.s32 v9, v5;
	v9 =	vand.u32 $0x3FF, v14;
	v14 =	vshrl.u32 v21, $0x15  }
0x15e: {  	v11 =	vor.u32 v4, v11;
	v19 =	vor.u32 v4, v16;
	vm0 =	veq.s32 v14, v5;
	v14 =	vld [tilespmem:s25+$0x10]  }
0x15f: {  	v12 =	vld [tilespmem:s25+$0x0];
	v13 =	vor.u32 v4, v13;
	v2 =	vmov s20;
	vm1 =	veq.s32 v26, v5  }
0x160: {  	v27 =	vld [tilespmem:s25+$0xFFFFFFF0];
	vm5 =	veq.s32 v24, v5;
	v24 =	vshrl.u32 v10, $0x15;
	v10 =	vor.u32 v4, v17  }
0x161: {  	s23 =	simm.s32 $0x10000;
	s24 =	simm.s32 $0x0;
	v26 =	vld [tilespmem:s25+$0x50];
	v21 =	vor.u32 v4, v30;
	v17 =	vand.u32 $0x3FF, v31;
	vm6 =	veq.s32 v29, v5;
	s25 =	simm.s32 $0x180  }
.LBB2_17:
0x162: {  	v16 =	vld [tilespmem:s25+$0xFFFFFFA0];
	s24 =	sadd.s32 $0x10, s24;
	vm3 =	veq.s32 v24, v5;
	vm9 =	veq.s32 v22, v5;
	vm4 =	vmmov vm2  }
0x163: {  	v22 =	vand.u32 $0x3FF, v7;
	v7 =	vshrl.u32 v14, $0x15;
	vm8 =	veq.s32 v18, v5;
	v24 =	vld [tilespmem:s25+$0xFFFFFF90];
	p1 =	slt.u32 s24, $0xFF0  }
0x164: {  	v18 =	vor.u32 v4, v23;
	v23 =	vor.u32 v4, v25;
	vm7 =	veq.s32 v7, v5;
	v29 =	vld [tilespmem:s25+$0xFFFFFFE0]  }
0x165: {  	v14 =	vshrl.u32 v14, $0xB;
	v25 =	vld [tilespmem:s25+$0x70];
	v30 =	vshrl.u32 v28, $0x15;
	v7 =	vshrl.u32 v28, $0xB  }
0x166: {  	v14 =	vand.u32 $0x3FF, v14;
	v31 =	vshrl.u32 v26, $0x15;
	v26 =	vshrl.u32 v26, $0xB;
	v28 =	vld [tilespmem:s25+$0x20]  }
0x167: {  	v33 =	vor.u32 v4, v14;
	vm2 =	veq.s32 v31, v5;
	v14 =	vand.u32 $0x3FF, v26;
	v32 =	vld [tilespmem:s25+$0x60]  }
0x168: {  	v31 =	vand.u32 $0x3FF, v7;
	v34 =	vshrl.u32 v27, $0x15;
	v35 =	vor.u32 v4, v14;
	v26 =	vld [tilespmem:s25+$0x0]  }
0x169: {  	v37 =	vshrl.u32 v12, $0xB;
	v27 =	vshrl.u32 v27, $0xB;
	v7 =	vshrl.u32 v29, $0xB;
	v36 =	vld [tilespmem:s25+$0x30]  }
0x16a: {  	v38 =	vor.u32 v4, v22;
	v22 =	vand.u32 $0x3FF, v27;
	v27 =	vand.u32 $0x3FF, v37;
	v14 =	vld [tilespmem:s25+$0x10]  }
0x16b: {  	vm11 =	veq.s32 v20, v5;
	vm10 =	veq.s32 v34, v5;
	[tilespmem:v23+s23+$0x0] =	vst.idx.add.s32.msk vm9, v3  }
0x16c: {  	v22 =	vor.u32 v4, v22;
	v20 =	vshrl.u32 v32, $0xB;
	[tilespmem:v21+s23+$0x0] =	vst.idx.add.s32.msk vm5, v3  }
0x16d: {  	v23 =	vor.u32 v4, v6;
	v21 =	vshrl.u32 v12, $0x15;
	[tilespmem:v19+s23+$0x0] =	vst.idx.add.s32.msk vm6, v3;
	v12 =	vmov v26  }
0x16e: {  	vm5 =	veq.s32 v15, v5;
	vm6 =	veq.s32 v21, v5;
	v6 =	vshrl.u32 v36, $0xB;
	[tilespmem:v18+s23+$0x0] =	vst.idx.add.s32.msk vm8, v3  }
0x16f: {  	v17 =	vor.u32 v4, v17;
	vm8 =	veq.s32 v30, v5;
	v15 =	vld [tilespmem:s25+$0xFFFFFFC0];
	v6 =	vand.u32 $0x3FF, v6  }
0x170: {  	v21 =	vor.u32 v4, v31;
	v19 =	vld [tilespmem:s25+$0xFFFFFFB0]  }
0x171: {  	v26 =	vor.u32 v4, v27;
	[tilespmem:v33+s23+$0x0] =	vst.idx.add.s32.msk vm7, v3  }
0x172: {  	[tilespmem:v23+s23+$0x0] =	vst.idx.add.s32.msk vm11, v3  }
0x173: {  	v27 =	vshrl.u32 v25, $0xB;
	vm7 =	veq.s32 v8, v5;
	v23 =	vld [tilespmem:s25+$0xFFFFFFD0]  }
0x174: {  	v31 =	vshrl.u32 v32, $0x15;
	v32 =	vand.u32 $0x3FF, v20;
	v33 =	vshrl.u32 v25, $0x15;
	v30 =	vld [tilespmem:s25+$0x40]  }
0x175: {  	v20 =	vshrl.u32 v28, $0xB;
	v18 =	vshrl.u32 v28, $0x15;
	v25 =	vor.u32 v4, v9;
	[tilespmem:v22+s23+$0x0] =	vst.idx.add.s32.msk vm10, v3  }
0x176: {  	v27 =	vand.u32 $0x3FF, v27;
	v34 =	vshrl.u32 v15, $0xB;
	[tilespmem:v26+s23+$0x0] =	vst.idx.add.s32.msk vm6, v3  }
0x177: {  	[tilespmem:v21+s23+$0x0] =	vst.idx.add.s32.msk vm8, v3  }
0x178: {  	v9 =	vshrl.u32 v15, $0x15;
	v8 =	vshrl.u32 v23, $0x15;
	v15 =	vshrl.u32 v23, $0xB;
	[tilespmem:v35+s23+$0x0] =	vst.idx.add.s32.msk vm2, v3  }
0x179: {  	vm2 =	veq.s32 v9, v5;
	v22 =	vshrl.u32 v30, $0x15;
	v21 =	vshrl.u32 v30, $0xB;
	[tilespmem:v38+s23+$0x0] =	vst.idx.add.s32.msk vm5, v3  }
0x17a: {  	v28 =	vshrl.u32 v19, $0x15;
	v26 =	vshrl.u32 v16, $0xB;
	v9 =	vand.u32 $0x3FF, v15;
	[tilespmem:v25+s23+$0x0] =	vst.idx.add.s32.msk vm7, v3  }
0x17b: {  	v23 =	vand.u32 $0x3FF, v20;
	v15 =	vshrl.u32 v24, $0x15;
	v30 =	vshrl.u32 v19, $0xB;
	[tilespmem:v11+s23+$0x0] =	vst.idx.add.s32.msk vm0, v3  }
0x17c: {  	v25 =	vand.u32 $0x3FF, v21;
	vm0 =	veq.s32 v15, v5;
	v11 =	vshrl.u32 v24, $0xB;
	[tilespmem:v13+s23+$0x0] =	vst.idx.add.s32.msk vm4, v3  }
.Ltmp8:
0x17d: {  	v20 =	vshrl.u32 v36, $0x15;
	v15 =	vshrl.u32 v29, $0x15;
	v13 =	vand.u32 $0x3FF, v26;
	[tilespmem:v10+s23+$0x0] =	vst.idx.add.s32.msk vm3, v3;
	(pc) =	sbr.rel @p1 .LBB2_17-.Ltmp8, $4  }
0x17e: {  	vm5 =	veq.s32 v33, v5;
	v10 =	vand.u32 $0x3FF, v11;
	[tilespmem:v17+s23+$0x0] =	vst.idx.add.s32.msk vm1, v3;
	vm1 =	veq.s32 v28, v5  }
0x17f: {  	v19 =	vor.u32 v4, v32;
	v24 =	vshrl.u32 v16, $0x15;
	v11 =	vor.u32 v4, v10;
	v26 =	vld [tilespmem:s25+$0x50]  }
0x180: {  	v21 =	vor.u32 v4, v27;
	v10 =	vor.u32 v4, v13;
	v13 =	vand.u32 $0x3FF, v34;
	v28 =	vld [tilespmem:s25+$0xFFFFFF80]  }
0x181: {  	vm6 =	veq.s32 v31, v5;
	v17 =	vand.u32 $0x3FF, v30;
	v13 =	vor.u32 v4, v13;
	v27 =	vld [tilespmem:s25+$0xFFFFFFF0];
	s25 =	sadd.s32 $0x100, s25  }
0x182: {  	_ = 	snop  }
0x183: {  	vm4 =	veq.s32 v22, v5;
	v16 =	vshrl.u32 v14, $0x15  }
0x184: {  	vm7 =	veq.s32 v18, v5;
	v46 =	vor.u32 v4, v23;
	v47 =	vor.u32 v4, v25  }
0x185: {  	v49 =	vshrl.u32 v14, $0xB;
	vm9 =	veq.s32 v20, v5;
	v55 =	vshrl.u32 v12, $0xB  }
0x186: {  	v56 =	vshrl.u32 v12, $0x15;
	v6 =	vor.u32 v4, v6;
	v7 =	vand.u32 $0x3FF, v7  }
0x187: {  	[tilespmem:v21+s23+$0x0] =	vst.idx.add.s32.msk vm5, v3;
	vm13 =	veq.s32 v15, v5;
	vm2 =	vmmov vm2;
	vm15 =	veq.s32 v24, v5  }
0x188: {  	[tilespmem:v19+s23+$0x0] =	vst.idx.add.s32.msk vm6, v3;
	vm3 =	veq.s32 v16, v5;
	v14 =	vand.u32 $0x3FF, v49;
	v7 =	vor.u32 v4, v7  }
0x189: {  	[tilespmem:v11+s23+$0x0] =	vst.idx.add.s32.msk vm0, v3;
	v57 =	vand.u32 $0x3FF, v55;
	vm10 =	veq.s32 v56, v5;
	v52 =	vshrl.u32 v26, $0x15  }
0x18a: {  	v53 =	vshrl.u32 v26, $0xB;
	v14 =	vor.u32 v4, v14;
	v18 =	vor.u32 v4, v57;
	[tilespmem:v47+s23+$0x0] =	vst.idx.add.s32.msk vm4, v3  }
0x18b: {  	v48 =	vshrl.u32 v28, $0x15;
	v51 =	vshrl.u32 v28, $0xB;
	vm12 =	veq.s32 v52, v5;
	[tilespmem:v46+s23+$0x0] =	vst.idx.add.s32.msk vm7, v3  }
0x18c: {  	v60 =	vand.u32 $0x3FF, v53;
	v50 =	vshrl.u32 v27, $0x15;
	v54 =	vshrl.u32 v27, $0xB;
	[tilespmem:v6+s23+$0x0] =	vst.idx.add.s32.msk vm9, v3  }
0x18d: {  	v59 =	vand.u32 $0x3FF, v51;
	vm11 =	veq.s32 v48, v5;
	v61 =	vor.u32 v4, v60;
	[tilespmem:v7+s23+$0x0] =	vst.idx.add.s32.msk vm13, v3  }
0x18e: {  	vm8 =	veq.s32 v50, v5;
	v27 =	vand.u32 $0x3FF, v54;
	v12 =	vor.u32 v4, v59;
	[tilespmem:v13+s23+$0x0] =	vst.idx.add.s32.msk vm2, v3  }
0x18f: {  	vm14 =	veq.s32 v8, v5;
	v58 =	vor.u32 v4, v27;
	[tilespmem:v10+s23+$0x0] =	vst.idx.add.s32.msk vm15, v3  }
0x190: {  	v6 =	vor.u32 v4, v9;
	[tilespmem:v14+s23+$0x0] =	vst.idx.add.s32.msk vm3, v3  }
0x191: {  	v4 =	vor.u32 v4, v17;
	[tilespmem:v18+s23+$0x0] =	vst.idx.add.s32.msk vm10, v3  }
0x192: {  	[tilespmem:v61+s23+$0x0] =	vst.idx.add.s32.msk vm12, v3  }
0x193: {  	[tilespmem:v12+s23+$0x0] =	vst.idx.add.s32.msk vm11, v3  }
0x194: {  	[tilespmem:v58+s23+$0x0] =	vst.idx.add.s32.msk vm8, v3  }
0x195: {  	[tilespmem:v6+s23+$0x0] =	vst.idx.add.s32.msk vm14, v3  }
0x196: {  	s25 =	simm.s32 $0x12000;
	[tilespmem:v4+s23+$0x0] =	vst.idx.add.s32.msk vm1, v3  }
0x197: {  	v3 =	vld [tilespmem:s25+$0xFFFFE010]  }
0x198: {  	v4 =	vld [tilespmem:s25+$0xFFFFE410]  }
0x199: {  	v5 =	vld [tilespmem:s25+$0xFFFFE810]  }
0x19a: {  	v6 =	vld [tilespmem:s25+$0xFFFFEC10]  }
0x19b: {  	v7 =	vld [tilespmem:s25+$0xFFFFF010]  }
0x19c: {  	v8 =	vld [tilespmem:s25+$0xFFFFF410]  }
0x19d: {  	v9 =	vld [tilespmem:s25+$0xFFFFF810]  }
0x19e: {  	v10 =	vld [tilespmem:s25+$0xFFFFFC10]  }
0x19f: {  	v11 =	vld [tilespmem:s25+$0x10]  }
0x1a0: {  	v12 =	vld [tilespmem:s25+$0x410]  }
0x1a1: {  	v13 =	vld [tilespmem:s25+$0x810]  }
0x1a2: {  	v14 =	vld [tilespmem:s25+$0xC10]  }
0x1a3: {  	v62 =	vld [tilespmem:s25+$0x1010]  }
0x1a4: {  	v16 =	vld [tilespmem:s25+$0x1410]  }
0x1a5: {  	v63 =	vld [tilespmem:s25+$0x1810]  }
0x1a6: {  	v18 =	vld [tilespmem:s25+$0x1C10]  }
0x1a7: {  	v3 =	vadd.s32 v3, v4;
	v4 =	vld [tilespmem:s25+$0xFFFFE400]  }
0x1a8: {  	v3 =	vadd.s32 v5, v3;
	v5 =	vld [tilespmem:s25+$0xFFFFE000]  }
0x1a9: {  	v3 =	vadd.s32 v6, v3;
	v6 =	vld [tilespmem:s25+$0xFFFFE800]  }
0x1aa: {  	v3 =	vadd.s32 v7, v3;
	v7 =	vld [tilespmem:s25+$0xFFFFEC00]  }
0x1ab: {  	v3 =	vadd.s32 v8, v3;
	v8 =	vld [tilespmem:s25+$0xFFFFF000]  }
0x1ac: {  	v3 =	vadd.s32 v9, v3;
	v9 =	vld [tilespmem:s25+$0xFFFFF400]  }
0x1ad: {  	v3 =	vadd.s32 v10, v3;
	v4 =	vadd.s32 v5, v4;
	v5 =	vld [tilespmem:s25+$0xFFFFF800]  }
0x1ae: {  	v3 =	vadd.s32 v11, v3;
	v4 =	vadd.s32 v6, v4;
	v6 =	vld [tilespmem:s25+$0xFFFFFC00]  }
0x1af: {  	v3 =	vadd.s32 v12, v3;
	v4 =	vadd.s32 v7, v4;
	v7 =	vld [tilespmem:s25+$0x0]  }
0x1b0: {  	v3 =	vadd.s32 v13, v3;
	v4 =	vadd.s32 v8, v4;
	v8 =	vld [tilespmem:s25+$0x400]  }
0x1b1: {  	v3 =	vadd.s32 v14, v3;
	v4 =	vadd.s32 v9, v4;
	v9 =	vld [tilespmem:s25+$0x800]  }
0x1b2: {  	v10 =	vadd.s32 v62, v3;
	v4 =	vadd.s32 v5, v4;
	v3 =	vld [tilespmem:s25+$0xC00]  }
0x1b3: {  	v5 =	vadd.s32 v16, v10;
	v6 =	vadd.s32 v6, v4;
	v4 =	vld [tilespmem:s25+$0x1000]  }
0x1b4: {  	v10 =	vadd.s32 v63, v5;
	v6 =	vadd.s32 v7, v6;
	v5 =	vld [tilespmem:s25+$0x1400]  }
0x1b5: {  	s23 =	simm.s32 $0x18010;
	v7 =	vadd.s32 v18, v10;
	v8 =	vadd.s32 v8, v6;
	v6 =	vld [tilespmem:s25+$0x1800]  }
0x1b6: {  	s24 =	simm.s32 $0x0;
	[tilespmem:s23+$0x0] =	vst v7;
	v8 =	vadd.s32 v9, v8;
	v7 =	vld [tilespmem:s25+$0x1C00];
	s25 =	simm.s32 $0x12020  }
.LBB2_19:
0x1b7: {  	v9 =	vld [tilespmem:s25+$0xFFFFE010];
	v3 =	vadd.s32 v3, v8  }
0x1b8: {  	s24 =	sadd.s32 $0x2, s24;
	v8 =	vld [tilespmem:s25+$0xFFFFE410];
	v3 =	vadd.s32 v4, v3  }
0x1b9: {  	p1 =	slt.u32 s24, $0x3E;
	v4 =	vld [tilespmem:s25+$0xFFFFE810];
	v3 =	vadd.s32 v5, v3  }
0x1ba: {  	v5 =	vld [tilespmem:s25+$0xFFFFEC10];
	v3 =	vadd.s32 v6, v3  }
0x1bb: {  	v6 =	vld [tilespmem:s25+$0xFFFFF010];
	v3 =	vadd.s32 v7, v3  }
0x1bc: {  	v7 =	vld [tilespmem:s25+$0xFFFFF410];
	[tilespmem:s23+$0xFFFFFFF0] =	vst v3  }
0x1bd: {  	v3 =	vadd.s32 v9, v8;
	v8 =	vld [tilespmem:s25+$0xFFFFF810]  }
0x1be: {  	v3 =	vadd.s32 v4, v3;
	v4 =	vld [tilespmem:s25+$0xFFFFFC10]  }
0x1bf: {  	v3 =	vadd.s32 v5, v3;
	v5 =	vld [tilespmem:s25+$0x10]  }
0x1c0: {  	v3 =	vadd.s32 v6, v3;
	v6 =	vld [tilespmem:s25+$0x410]  }
0x1c1: {  	v3 =	vadd.s32 v7, v3;
	v7 =	vld [tilespmem:s25+$0x810]  }
0x1c2: {  	v3 =	vadd.s32 v8, v3;
	v8 =	vld [tilespmem:s25+$0xC10]  }
0x1c3: {  	v3 =	vadd.s32 v4, v3;
	v4 =	vld [tilespmem:s25+$0x1010]  }
0x1c4: {  	v3 =	vadd.s32 v5, v3;
	v5 =	vld [tilespmem:s25+$0x1410]  }
0x1c5: {  	v3 =	vadd.s32 v6, v3;
	v6 =	vld [tilespmem:s25+$0x1810]  }
0x1c6: {  	v3 =	vadd.s32 v7, v3;
	v7 =	vld [tilespmem:s25+$0x1C10]  }
0x1c7: {  	v9 =	vld [tilespmem:s25+$0xFFFFE400];
	v3 =	vadd.s32 v8, v3  }
0x1c8: {  	v8 =	vld [tilespmem:s25+$0xFFFFE000];
	v3 =	vadd.s32 v4, v3  }
0x1c9: {  	v4 =	vld [tilespmem:s25+$0xFFFFE800];
	v3 =	vadd.s32 v5, v3  }
0x1ca: {  	v5 =	vld [tilespmem:s25+$0xFFFFEC00];
	v3 =	vadd.s32 v6, v3  }
0x1cb: {  	s23 =	sadd.s32 $0x20, s23;
	v6 =	vld [tilespmem:s25+$0xFFFFF000];
	v3 =	vadd.s32 v7, v3  }
0x1cc: {  	v7 =	vld [tilespmem:s25+$0xFFFFF400];
	[tilespmem:s23+$0x0] =	vst v3  }
0x1cd: {  	v3 =	vadd.s32 v8, v9;
	v8 =	vld [tilespmem:s25+$0xFFFFF800]  }
0x1ce: {  	v3 =	vadd.s32 v4, v3;
	v4 =	vld [tilespmem:s25+$0xFFFFFC00]  }
0x1cf: {  	v3 =	vadd.s32 v5, v3;
	v5 =	vld [tilespmem:s25+$0x0]  }
0x1d0: {  	v3 =	vadd.s32 v6, v3;
	v6 =	vld [tilespmem:s25+$0x400]  }
0x1d1: {  	v3 =	vadd.s32 v7, v3;
	v7 =	vld [tilespmem:s25+$0x800]  }
.Ltmp9:
0x1d2: {  	v8 =	vadd.s32 v8, v3;
	v3 =	vld [tilespmem:s25+$0xC00];
	(pc) =	sbr.rel @p1 .LBB2_19-.Ltmp9, $4  }
0x1d3: {  	v8 =	vadd.s32 v4, v8;
	v4 =	vld [tilespmem:s25+$0x1000]  }
0x1d4: {  	v8 =	vadd.s32 v5, v8;
	v5 =	vld [tilespmem:s25+$0x1400]  }
0x1d5: {  	v8 =	vadd.s32 v6, v8;
	v6 =	vld [tilespmem:s25+$0x1800]  }
0x1d6: {  	v8 =	vadd.s32 v7, v8;
	v7 =	vld [tilespmem:s25+$0x1C00];
	s25 =	sadd.s32 $0x20, s25  }
0x1d7: {  	vm0 =	vge.s32 v1, v2  }
0x1d8: {  	v0 =	vsel vm0, $0x0, v0  }
0x1d9: {  	(xrf0) =	vadd.scan.msk.s32 $0xffff, v0;
	_ =	sdelay $0x5  }
0x1da: {  	v0, _, _ =	vpop (xrf0)  }
0x1db: {  	(v2sf) =	vpush v0, $0xF;
	_ =	sdelay $0x9  }
0x1dc: {  	v0 =	vadd.s32 v3, v8  }
0x1dd: {  	v0 =	vadd.s32 v4, v0  }
0x1de: {  	v0 =	vadd.s32 v5, v0  }
0x1df: {  	v0 =	vadd.s32 v6, v0  }
0x1e0: {  	v0 =	vadd.s32 v7, v0  }
0x1e1: {  	s24 =	simm.s32 @p0 $0x40;
	[tilespmem:s23+$0xFFFFFFF0] =	vst v0;
	s23 =	spop (v2sf)  }
0x1e2: {  	s25 =	simm.s32 @p0 $0x19000;
	s26 =	simm.s32 @p0 $0x18000;
	[bflag:$0x0] =	sbarrier.arrive @p0 $0xFFFF  }
0x1e3: {  	[spmem:s3] =	stream.indirect.scatter.add.s32 @p0 [tilespmem:s26], [sflag:$0x1], $0x10, s25, s24, $0xb8;
	[tilespmem:$0x19170] =	vst v63  }
0x1e4: {  	s24 =	simm.s32 @p0 $0x1  }
0x1e5: {  	_ =	swait.ge @p0 [sflag:s24], $0x400  }
0x1e6: {  	s25 =	simm.s32 @!p0 $0x19000;
	[sflag:s24] =	ssyncset.done @p0 $0x0  }
0x1e7: {  	s26 =	simm.s32 @!p0 $0x18000;
	[sflag:s24] =	ssyncadd.s32 @p0 $0xFFFFFC00;
	s24 =	simm.s32 @!p0 $0x40  }
0x1e8: {  	[spmem:s3] =	stream.indirect.scatter @!p0 [tilespmem:s26], [sflag:$0x1], $0x10, s25, s24, $0xb8;
	[tilespmem:$0x19170] =	vst v63  }
0x1e9: {  	s24 =	simm.s32 @!p0 $0x1  }
0x1ea: {  	_ =	swait.ge @!p0 [sflag:s24], $0x400  }
0x1eb: {  	[sflag:s24] =	ssyncset.done @!p0 $0x0  }
0x1ec: {  	[sflag:s24] =	ssyncadd.s32 @!p0 $0xFFFFFC00  }
0x1ed: {  	[bflag:$0x0] =	sbarrier.arrive @!p0 $0xFFFF  }
0x1ee: {  	s28 =	simm.s32 $0x18800;
	s29 =	simm.s32 $0x1;
	[bflag:$0x0] =	sbarrier.arrive $0xFFFF  }
0x1ef: {  	[tilespmem:s28], [sflag:$0x1] =	stream.linear.gather [spmem:s3], $0x400, $0x38;
	[tilespmem:$0x19170] =	vst v63  }
0x1f0: {  	_ =	swait.ge [sflag:s29], $0x400  }
0x1f1: {  	[sflag:s29] =	ssyncset.done $0x0  }
0x1f2: {  	s30 =	simm.s32 $0x18820;
	[sflag:s29] =	ssyncadd.s32 $0xFFFFFC00  }
0x1f3: {  	v0 =	vld [tilespmem:s30+$0xFFFFFFE0];
	_ =	sdelay $0x1  }
0x1f4: {  	v1 =	vld [tilespmem:s30+$0xFFFFFFF0];
	_ =	sdelay $0x2  }
0x1f5: {  	(xrf0) =	vadd.scan.msk.s32 $0xffff, v0  }
0x1f6: {  	v2 =	vld [tilespmem:s30+$0x0]  }
0x1f7: {  	s31 =	simm.s32 $0x18860;
	v3 =	vld [tilespmem:s30+$0x10];
	(xrf0) =	vadd.scan.msk.s32 $0xffff, v1  }
0x1f8: {  	v0 =	vld [tilespmem:s31+$0xFFFFFFE0];
	_ =	sdelay $0x1  }
0x1f9: {  	v1 =	vld [tilespmem:s31+$0xFFFFFFF0]  }
0x1fa: {  	(xrf0) =	vadd.scan.msk.s32 $0xffff, v2;
	v2 =	vld [tilespmem:s31+$0x0];
	v4, _, _ =	vpop (xrf0)  }
0x1fb: {  	s25 =	simm.s32 $0x188A0;
	(xrf0) =	vadd.scan.msk.s32 $0xffff, v3;
	v3 =	vld [tilespmem:s31+$0x10];
	(v2sf) =	vpush v4, $0xF  }
0x1fc: {  	v5 =	vld [tilespmem:s25+$0xFFFFFFE0];
	(xrf0) =	vadd.scan.msk.s32 $0xffff, v0;
	v0, _, _ =	vpop (xrf0)  }
0x1fd: {  	v4 =	vld [tilespmem:s25+$0xFFFFFFF0];
	(v2sf) =	vpush v0, $0xF  }
0x1fe: {  	(xrf0) =	vadd.scan.msk.s32 $0xffff, v1;
	v0 =	vld [tilespmem:s25+$0x0]  }
0x1ff: {  	(xrf0) =	vadd.scan.msk.s32 $0xffff, v2;
	v2 =	vld [tilespmem:s25+$0x10]  }
0x200: {  	v1, _, _ =	vpop (xrf0);
	(xrf0) =	vadd.scan.msk.s32 $0xffff, v3  }
0x201: {  	s26 =	simm.s32 $0x188E0;
	(v2sf) =	vpush v1, $0xF;
	v1, _, _ =	vpop (xrf0);
	(xrf0) =	vadd.scan.msk.s32 $0xffff, v5  }
0x202: {  	(v2sf) =	vpush v1, $0xF;
	v1 =	vld [tilespmem:s26+$0xFFFFFFE0];
	(xrf0) =	vadd.scan.msk.s32 $0xffff, v4  }
0x203: {  	v3, _, _ =	vpop (xrf0);
	(xrf0) =	vadd.scan.msk.s32 $0xffff, v0  }
0x204: {  	(v2sf) =	vpush v3, $0xF;
	v3 =	vld [tilespmem:s26+$0xFFFFFFF0];
	v0, _, _ =	vpop (xrf0);
	(xrf0) =	vadd.scan.msk.s32 $0xffff, v2  }
0x205: {  	v2, _, _ =	vpop (xrf0);
	(v2sf) =	vpush v0, $0xF;
	v0 =	vld [tilespmem:s26+$0x0]  }
0x206: {  	v4 =	vld [tilespmem:s26+$0x10];
	(v2sf) =	vpush v2, $0xF;
	v2, _, _ =	vpop (xrf0)  }
0x207: {  	s28 =	simm.s32 $0x18920;
	(xrf0) =	vadd.scan.msk.s32 $0xffff, v1;
	(v2sf) =	vpush v2, $0xF;
	v1, _, _ =	vpop (xrf0)  }
0x208: {  	v2 =	vld [tilespmem:s28+$0xFFFFFFE0];
	(v2sf) =	vpush v1, $0xF;
	v1, _, _ =	vpop (xrf0)  }
0x209: {  	(xrf0) =	vadd.scan.msk.s32 $0xffff, v3;
	v3 =	vld [tilespmem:s28+$0xFFFFFFF0];
	(v2sf) =	vpush v1, $0xF;
	v5, _, _ =	vpop (xrf0)  }
0x20a: {  	(xrf0) =	vadd.scan.msk.s32 $0xffff, v0;
	v1 =	vld [tilespmem:s28+$0x0];
	(v2sf) =	vpush v5, $0xF;
	v5, _, _ =	vpop (xrf0);
	s29 =	spop (v2sf)  }
0x20b: {  	v0 =	vld [tilespmem:s28+$0x10];
	(xrf0) =	vadd.scan.msk.s32 $0xffff, v4;
	(v2sf) =	vpush v5, $0xF;
	[smem:$0x0] =	sst s29  }
0x20c: {  	s30 =	spop (v2sf)  }
0x20d: {  	(xrf0) =	vadd.scan.msk.s32 $0xffff, v2;
	v4, _, _ =	vpop (xrf0);
	[smem:$0x1] =	sst s30  }
0x20e: {  	(v2sf) =	vpush v4, $0xF;
	_ =	sdelay $0x5  }
0x20f: {  	s22 =	sadd.s32 s23, s22;
	s23 =	simm.s32 $0x18960  }
0x210: {  	s20 =	ssub.s32 s20, s22;
	s22 =	simm.s32 $0x2;
	s31 =	spop (v2sf)  }
0x211: {  	s24 =	simm.s32 $0x14;
	v2 =	vld [tilespmem:s23+$0xFFFFFFE0];
	(xrf0) =	vadd.scan.msk.s32 $0xffff, v3;
	v3, _, _ =	vpop (xrf0);
	[smem:s22] =	sst s31;
	s25 =	spop (v2sf)  }
.LBB2_21:
0x212: {  	s24 =	sadd.s32 $0x4, s24  }
0x213: {  	v4 =	vld [tilespmem:s23+$0xFFFFFFF0];
	(xrf0) =	vadd.scan.msk.s32 $0xffff, v1;
	(v2sf) =	vpush v3, $0xF;
	v3, _, _ =	vpop (xrf0);
	[smem:s22+$0x1] =	sst s25;
	s22 =	sadd.s32 $0x4, s22;
	p1 =	slt.u32 s24, $0x3C  }
.Ltmp10:
0x214: {  	v1 =	vld [tilespmem:s23+$0x0];
	(xrf0) =	vadd.scan.msk.s32 $0xffff, v0;
	(v2sf) =	vpush v3, $0xF;
	v3, _, _ =	vpop (xrf0);
	(pc) =	sbr.rel @p1 .LBB2_21-.Ltmp10, $4  }
0x215: {  	v0 =	vld [tilespmem:s23+$0x10];
	(v2sf) =	vpush v3, $0xF;
	s25 =	spop (v2sf)  }
0x216: {  	[smem:s22+$0xFFFFFFFE] =	sst s25;
	s25 =	spop (v2sf)  }
0x217: {  	s23 =	sadd.s32 $0x40, s23;
	(xrf0) =	vadd.scan.msk.s32 $0xffff, v2;
	v3, _, _ =	vpop (xrf0);
	[smem:s22+$0xFFFFFFFF] =	sst s25;
	s25 =	spop (v2sf)  }
0x218: {  	v2 =	vld [tilespmem:s23+$0xFFFFFFE0];
	(xrf0) =	vadd.scan.msk.s32 $0xffff, v4;
	(v2sf) =	vpush v3, $0xF;
	v3, _, _ =	vpop (xrf0);
	[smem:s22] =	sst s25;
	s25 =	spop (v2sf)  }
0x219: {  	v4 =	vld [tilespmem:s23+$0xFFFFFFF0]  }
0x21a: {  	v5 =	vld [tilespmem:s23+$0x0]  }
0x21b: {  	(xrf0) =	vadd.scan.msk.s32 $0xffff, v1;
	v53 =	vld [tilespmem:s23+$0x10]  }
0x21c: {  	(xrf0) =	vadd.scan.msk.s32 $0xffff, v0  }
0x21d: {  	(v2sf) =	vpush v3, $0xF;
	v54, _, _ =	vpop (xrf0);
	(xrf0) =	vadd.scan.msk.s32 $0xffff, v2  }
0x21e: {  	(v2sf) =	vpush v54, $0xF;
	v55, _, _ =	vpop (xrf0);
	(xrf0) =	vadd.scan.msk.s32 $0xffff, v4  }
0x21f: {  	(v2sf) =	vpush v55, $0xF;
	v56, _, _ =	vpop (xrf0);
	(xrf0) =	vadd.scan.msk.s32 $0xffff, v5  }
0x220: {  	(v2sf) =	vpush v56, $0xF;
	v57, _, _ =	vpop (xrf0);
	(xrf0) =	vadd.scan.msk.s32 $0xffff, v53  }
0x221: {  	v58, _, _ =	vpop (xrf0);
	(v2sf) =	vpush v57, $0xF  }
0x222: {  	(v2sf) =	vpush v58, $0xF;
	v59, _, _ =	vpop (xrf0)  }
0x223: {  	[smem:s22+$0x1] =	sst s25;
	s31 =	sadd.s32 $0x4, s22;
	s24 =	spop (v2sf);
	(v2sf) =	vpush v59, $0xF;
	v60, _, _ =	vpop (xrf0)  }
0x224: {  	[smem:s31+$0xFFFFFFFE] =	sst s24;
	s25 =	spop (v2sf);
	(v2sf) =	vpush v60, $0xF;
	v61, _, _ =	vpop (xrf0)  }
0x225: {  	[smem:s31+$0xFFFFFFFF] =	sst s25;
	s26 =	spop (v2sf);
	(v2sf) =	vpush v61, $0xF;
	v62, _, _ =	vpop (xrf0)  }
0x226: {  	[smem:s31] =	sst s26;
	s30 =	spop (v2sf);
	(v2sf) =	vpush v62, $0xF;
	v63, _, _ =	vpop (xrf0)  }
0x227: {  	s22 =	sadd.s32 $0x4, s31;
	[smem:s31+$0x1] =	sst s30;
	s31 =	spop (v2sf);
	(v2sf) =	vpush v63, $0xF  }
0x228: {  	[smem:s22+$0xFFFFFFFE] =	sst s31;
	s24 =	spop (v2sf)  }
0x229: {  	s25 =	spop (v2sf);
	[smem:s22+$0xFFFFFFFF] =	sst s24  }
0x22a: {  	s26 =	spop (v2sf);
	[smem:s22] =	sst s25  }
0x22b: {  	[smem:s22+$0x1] =	sst s26;
	s22 =	sadd.s32 $0x4, s22;
	s30 =	spop (v2sf)  }
0x22c: {  	[smem:s22+$0xFFFFFFFE] =	sst s30;
	s31 =	spop (v2sf)  }
0x22d: {  	[smem:s22+$0xFFFFFFFF] =	sst s31;
	s24 =	spop (v2sf)  }
0x22e: {  	[smem:s22] =	sst s24;
	s25 =	spop (v2sf)  }
0x22f: {  	[smem:s22+$0x1] =	sst s25;
	s22 =	sadd.s32 $0x4, s22;
	s26 =	spop (v2sf)  }
0x230: {  	[smem:s22+$0xFFFFFFFE] =	sst s26;
	s30 =	spop (v2sf)  }
0x231: {  	[smem:s22+$0xFFFFFFFF] =	sst s30;
	s31 =	spop (v2sf)  }
0x232: {  	[smem:s22] =	sst s31;
	s24 =	spop (v2sf)  }
0x233: {  	[smem:s22+$0x1] =	sst s24;
	s22 =	sadd.s32 $0x4, s22;
	s25 =	spop (v2sf)  }
0x234: {  	[smem:s22+$0xFFFFFFFE] =	sst s25;
	s26 =	spop (v2sf)  }
0x235: {  	[smem:s22+$0xFFFFFFFF] =	sst s26;
	s30 =	spop (v2sf)  }
0x236: {  	[smem:s22] =	sst s30;
	s31 =	spop (v2sf)  }
0x237: {  	[smem:s22+$0x1] =	sst s31  }
0x238: {  	s22 =	sld [smem:$0x3F]  }
0x239: {  	s23 =	simm.s32 $0x0  }
0x23a: {  	p1 =	por $0x0, $0x0;
	s28 =	simm.s32 $0x3E;
	s29 =	simm.s32 $0x3E  }
0x23b: {  	p4 =	por !p1, !p1;
	s24 =	simm.s32 $0x0;
	s26 =	sadd.s32 $0x0, s22  }
0x23c: {  	s25 =	simm.s32 $0x3F;
	s22 =	simm.s32 $0x0;
	p2 =	sge.s32 s26, s20  }
.LBB2_23:
0x23d: {  	s30 =	sld [smem:s29+$0x0]  }
0x23e: {  	p4 =	por !p2, !p4;
	s31 =	smov.u32 s28;
	p3 =	sne.s32 s28, $0x0  }
.Ltmp11:
0x23f: {  	s28 =	sadd.s32 $0xFFFFFFFF, s28;
	p4 =	por !p4, !p4;
	(pc) =	sbr.rel @p3 .LBB2_23-.Ltmp11, $4  }
0x240: {  	s23 =	smov.u32 @p4 s25;
	s22 =	smov.u32 @p4 s24;
	s25 =	smov.u32 s31  }
0x241: {  	s24 =	smov.u32 s26  }
0x242: {  	p1 =	por p1, p2;
	s26 =	sadd.s32 s26, s30  }
0x243: {  	s29 =	sadd.s32 $0xFFFFFFFF, s29;
	p4 =	por !p1, !p1;
	p2 =	sge.s32 s26, s20  }
0x244: {  	p1 =	por !p2, !p4  }
0x245: {  	p1 =	por !p1, !p1  }
0x246: {  	s23 =	smov.u32 @p1 s25  }
0x247: {  	s23 =	sshll.u32 s23, $0x4  }
0x248: {  	v0 =	vld [tilespmem:s23+$0x18800]  }
0x249: {  	v1 =	vlaneseq.u32  }
0x24a: {  	v1 =	vmul.u32 $0xFFFFFFFF, v1;
	_ =	sdelay $0x1  }
0x24b: {  	v1 =	vadd.s32 $0xF, v1  }
0x24c: {  	v2 =	vperm.xlane v0, v1;
	_ =	sdelay $0x1  }
0x24d: {  	(xrf0) =	vadd.scan.msk.s32 $0xffff, v2;
	_ =	sdelay $0x5  }
0x24e: {  	v2, _, _ =	vpop (xrf0)  }
0x24f: {  	s22 =	smov.u32 @p1 s24;
	s24 =	simm.s32 $0x10040;
	v1 =	vperm.xlane v2, v1;
	v2 =	vimm.s32 $0x0  }
0x250: {  	[tilespmem:s24+$0xFFFFFFC0] =	vst v2  }
0x251: {  	[tilespmem:s24+$0x30] =	vst v2  }
0x252: {  	[tilespmem:s24+$0x20] =	vst v2  }
0x253: {  	[tilespmem:s24+$0x10] =	vst v2  }
0x254: {  	[tilespmem:s24+$0x0] =	vst v2  }
0x255: {  	[tilespmem:s24+$0xFFFFFFF0] =	vst v2  }
0x256: {  	s25 =	simm.s32 $0x0;
	[tilespmem:s24+$0xFFFFFFE0] =	vst v2  }
.LBB2_25:
0x257: {  	s25 =	sadd.s32 $0x8, s25;
	[tilespmem:s24+$0xFFFFFFD0] =	vst v2;
	s24 =	sadd.s32 $0x80, s24  }
0x258: {  	[tilespmem:s24+$0xFFFFFFC0] =	vst v2;
	p1 =	slt.u32 s25, $0x7F8  }
0x259: {  	[tilespmem:s24+$0x30] =	vst v2  }
.Ltmp12:
0x25a: {  	[tilespmem:s24+$0x20] =	vst v2;
	(pc) =	sbr.rel @p1 .LBB2_25-.Ltmp12, $4  }
0x25b: {  	[tilespmem:s24+$0x10] =	vst v2  }
0x25c: {  	[tilespmem:s24+$0x0] =	vst v2  }
0x25d: {  	[tilespmem:s24+$0xFFFFFFF0] =	vst v2  }
0x25e: {  	[tilespmem:s24+$0xFFFFFFE0] =	vst v2  }
0x25f: {  	v1 =	vadd.s32 s22, v1  }
0x260: {  	[tilespmem:s24+$0xFFFFFFD0] =	vst v2;
	v2 =	vimm.s32 $0x0;
	vm0 =	vge.s32 v1, s20  }
0x261: {  	v2 =	vsel vm0, $0x1, v2  }
0x262: {  	(xrf0) =	vadd.scan.msk.s32 $0xffff, v2;
	_ =	sdelay $0x5  }
0x263: {  	v2, _, _ =	vpop (xrf0)  }
0x264: {  	(v2sf) =	vpush v2, $0xF;
	_ =	sdelay $0x7  }
0x265: {  	s25 =	simm.s32 $0x80  }
0x266: {  	v7 =	vld [tilespmem:s25+$0x10]  }
0x267: {  	v8 =	vld [tilespmem:s25+$0x0]  }
0x268: {  	v9 =	vld [tilespmem:s25+$0xFFFFFFE0]  }
0x269: {  	v10 =	vld [tilespmem:s25+$0xFFFFFFD0]  }
0x26a: {  	v11 =	vld [tilespmem:s25+$0xFFFFFFF0]  }
0x26b: {  	v3 =	vlaneseq.u32;
	v12 =	vld [tilespmem:s25+$0x20]  }
0x26c: {  	v4 =	vmul.u32 $0x800, v3;
	v16 =	vld [tilespmem:s25+$0xFFFFFFB0];
	s31 =	spop (v2sf)  }
0x26d: {  	v3 =	vimm.s32 $0x1;
	v14 =	vld [tilespmem:s25+$0x30];
	v6 =	vshrl.u32 v9, $0xB;
	v15 =	vshrl.u32 v7, $0xB;
	s23 =	sadd.s32 s31, s23  }
0x26e: {  	s21 =	sshll.u32 s21, $0xA;
	v20 =	vld [tilespmem:s25+$0xFFFFFFA0];
	v7 =	vand.u32 $0x7FF, v7;
	v19 =	vshrl.u32 v8, $0xB;
	v18 =	vand.u32 $0x7FF, v8;
	s23 =	sadd.s32 $0xFFFFFFFF, s23  }
0x26f: {  	v13 =	vld [tilespmem:s25+$0xFFFFFFC0];
	v21 =	vand.u32 $0x7FF, v10;
	v8 =	vshrl.u32 v11, $0xB;
	v11 =	vand.u32 $0x7FF, v11;
	s21 =	sor.u32 s21, s23  }
0x270: {  	v17 =	vshrl.u32 v10, $0xB;
	v10 =	vand.u32 $0x7FF, v9;
	v5 =	vmov s21  }
0x271: {  	v9 =	vand.u32 $0x7FF, v12;
	v22 =	vshrl.u32 v16, $0xB;
	vm2 =	veq.s32 v8, v5  }
0x272: {  	v16 =	vand.u32 $0x7FF, v16;
	vm6 =	veq.s32 v15, v5;
	v15 =	vld [tilespmem:s25+$0xFFFFFF90];
	v8 =	vor.u32 v4, v11  }
0x273: {  	v24 =	vand.u32 $0x7FF, v14;
	v23 =	vor.u32 v4, v7;
	v7 =	vshrl.u32 v20, $0xB  }
0x274: {  	v2 =	vmov s20;
	v11 =	vshrl.u32 v12, $0xB;
	v12 =	vshrl.u32 v13, $0xB  }
0x275: {  	vm1 =	veq.s32 v17, v5;
	v17 =	vshrl.u32 v14, $0xB;
	vm0 =	veq.s32 v22, v5  }
0x276: {  	s23 =	simm.s32 $0x10000;
	v22 =	vld [tilespmem:s25+$0xFFFFFF80];
	vm4 =	veq.s32 v7, v5;
	v14 =	vor.u32 v4, v9;
	v9 =	vand.u32 $0x7FF, v13  }
0x277: {  	v13 =	vor.u32 v4, v18;
	vm5 =	veq.s32 v17, v5;
	v17 =	vshrl.u32 v15, $0xB;
	[tilespmem:v8+s23+$0x0] =	vst.idx.add.s32.msk vm2, v3  }
0x278: {  	vm7 =	veq.s32 v19, v5;
	vm8 =	veq.s32 v11, v5;
	vm3 =	veq.s32 v17, v5;
	v17 =	vld [tilespmem:s25+$0x50]  }
0x279: {  	v11 =	vor.u32 v4, v21;
	v7 =	vand.u32 $0x7FF, v15;
	v8 =	vor.u32 v4, v16;
	v16 =	vld [tilespmem:s25+$0x70]  }
0x27a: {  	v18 =	vld [tilespmem:s25+$0x60];
	v9 =	vor.u32 v4, v9;
	v15 =	vor.u32 v4, v24;
	v7 =	vor.u32 v4, v7  }
0x27b: {  	v19 =	vld [tilespmem:s25+$0x40];
	vm2 =	veq.s32 v12, v5;
	v12 =	vand.u32 $0x7FF, v20;
	v20 =	vshrl.u32 v22, $0xB  }
0x27c: {  	s24 =	simm.s32 $0x0;
	[tilespmem:v23+s23+$0x0] =	vst.idx.add.s32.msk vm6, v3;
	s25 =	simm.s32 $0x180;
	v12 =	vor.u32 v4, v12;
	vm6 =	veq.s32 v20, v5;
	v20 =	vand.u32 $0x7FF, v22  }
.LBB2_27:
0x27d: {  	v21 =	vld [tilespmem:s25+$0x10];
	s24 =	sadd.s32 $0x10, s24;
	v20 =	vor.u32 v4, v20;
	v22 =	vshrl.u32 v17, $0xB;
	v17 =	vand.u32 $0x7FF, v17  }
0x27e: {  	p1 =	slt.u32 s24, $0xFF0;
	[tilespmem:v14+s23+$0x0] =	vst.idx.add.s32.msk vm8, v3;
	vm9 =	veq.s32 v22, v5;
	v14 =	vshrl.u32 v16, $0xB;
	v16 =	vand.u32 $0x7FF, v16  }
0x27f: {  	vm8 =	veq.s32 v6, v5;
	[tilespmem:v15+s23+$0x0] =	vst.idx.add.s32.msk vm5, v3;
	vm5 =	veq.s32 v14, v5  }
0x280: {  	v10 =	vor.u32 v4, v10;
	v15 =	vor.u32 v4, v16;
	v14 =	vld [tilespmem:s25+$0xFFFFFF90];
	v6 =	vshrl.u32 v18, $0xB  }
0x281: {  	v16 =	vld [tilespmem:s25+$0x0];
	v22 =	vshrl.u32 v19, $0xB;
	vm10 =	veq.s32 v6, v5;
	v6 =	vand.u32 $0x7FF, v18  }
0x282: {  	v19 =	vand.u32 $0x7FF, v19;
	v18 =	vld [tilespmem:s25+$0xFFFFFFA0];
	vm11 =	veq.s32 v22, v5;
	v6 =	vor.u32 v4, v6  }
0x283: {  	v19 =	vor.u32 v4, v19;
	v22 =	vld [tilespmem:s25+$0xFFFFFFB0]  }
0x284: {  	v23 =	vld [tilespmem:s25+$0xFFFFFFC0]  }
0x285: {  	v17 =	vor.u32 v4, v17;
	v24 =	vld [tilespmem:s25+$0xFFFFFFD0]  }
0x286: {  	v25 =	vld [tilespmem:s25+$0xFFFFFFE0]  }
0x287: {  	v26 =	vld [tilespmem:s25+$0xFFFFFFF0]  }
0x288: {  	[tilespmem:v13+s23+$0x0] =	vst.idx.add.s32.msk vm7, v3  }
0x289: {  	[tilespmem:v19+s23+$0x0] =	vst.idx.add.s32.msk vm11, v3  }
0x28a: {  	[tilespmem:v6+s23+$0x0] =	vst.idx.add.s32.msk vm10, v3  }
0x28b: {  	[tilespmem:v17+s23+$0x0] =	vst.idx.add.s32.msk vm9, v3  }
0x28c: {  	v13 =	vld [tilespmem:s25+$0x20]  }
0x28d: {  	v17 =	vld [tilespmem:s25+$0x30]  }
0x28e: {  	v19 =	vshrl.u32 v21, $0xB;
	v21 =	vand.u32 $0x7FF, v21;
	v6 =	vshrl.u32 v25, $0xB;
	[tilespmem:v20+s23+$0x0] =	vst.idx.add.s32.msk vm6, v3  }
0x28f: {  	v27 =	vshrl.u32 v16, $0xB;
	v20 =	vand.u32 $0x7FF, v16;
	vm6 =	veq.s32 v19, v5;
	[tilespmem:v15+s23+$0x0] =	vst.idx.add.s32.msk vm5, v3  }
0x290: {  	v19 =	vand.u32 $0x7FF, v24;
	v16 =	vand.u32 $0x7FF, v26;
	v15 =	vshrl.u32 v26, $0xB;
	[tilespmem:v10+s23+$0x0] =	vst.idx.add.s32.msk vm8, v3  }
0x291: {  	vm7 =	veq.s32 v15, v5;
	v15 =	vor.u32 v4, v16;
	v16 =	vshrl.u32 v13, $0xB;
	[tilespmem:v11+s23+$0x0] =	vst.idx.add.s32.msk vm1, v3  }
0x292: {  	v10 =	vand.u32 $0x7FF, v25;
	v11 =	vshrl.u32 v24, $0xB;
	v13 =	vand.u32 $0x7FF, v13;
	[tilespmem:v12+s23+$0x0] =	vst.idx.add.s32.msk vm4, v3  }
0x293: {  	v12 =	vshrl.u32 v23, $0xB;
	vm1 =	veq.s32 v11, v5;
	v11 =	vshrl.u32 v17, $0xB;
	[tilespmem:v7+s23+$0x0] =	vst.idx.add.s32.msk vm3, v3  }
0x294: {  	v21 =	vor.u32 v4, v21;
	v7 =	vshrl.u32 v22, $0xB;
	v22 =	vand.u32 $0x7FF, v22;
	[tilespmem:v8+s23+$0x0] =	vst.idx.add.s32.msk vm0, v3  }
0x295: {  	vm5 =	veq.s32 v11, v5;
	v8 =	vshrl.u32 v18, $0xB;
	vm0 =	veq.s32 v7, v5;
	[tilespmem:v9+s23+$0x0] =	vst.idx.add.s32.msk vm2, v3  }
0x296: {  	v7 =	vshrl.u32 v14, $0xB;
	vm4 =	veq.s32 v8, v5;
	v9 =	vand.u32 $0x7FF, v17;
	v24 =	vld [tilespmem:s25+$0xFFFFFF80]  }
0x297: {  	vm3 =	veq.s32 v7, v5;
	v7 =	vand.u32 $0x7FF, v14;
	v14 =	vor.u32 v4, v13;
	[tilespmem:v15+s23+$0x0] =	vst.idx.add.s32.msk vm7, v3  }
.Ltmp13:
0x298: {  	vm8 =	veq.s32 v16, v5;
	vm2 =	veq.s32 v12, v5;
	v7 =	vor.u32 v4, v7;
	v17 =	vld [tilespmem:s25+$0x50];
	(pc) =	sbr.rel @p1 .LBB2_27-.Ltmp13, $4  }
0x299: {  	v8 =	vor.u32 v4, v22;
	v22 =	vand.u32 $0x7FF, v23;
	v15 =	vor.u32 v4, v9;
	v16 =	vld [tilespmem:s25+$0x70]  }
0x29a: {  	v11 =	vor.u32 v4, v19;
	v13 =	vor.u32 v4, v20;
	v9 =	vand.u32 $0x7FF, v18;
	[tilespmem:v21+s23+$0x0] =	vst.idx.add.s32.msk vm6, v3  }
0x29b: {  	v12 =	vor.u32 v4, v9;
	v9 =	vor.u32 v4, v22;
	v19 =	vshrl.u32 v24, $0xB;
	v18 =	vld [tilespmem:s25+$0x60]  }
0x29c: {  	vm7 =	veq.s32 v27, v5;
	v20 =	vand.u32 $0x7FF, v24;
	vm6 =	veq.s32 v19, v5;
	v19 =	vld [tilespmem:s25+$0x40];
	s25 =	sadd.s32 $0x100, s25  }
0x29d: {  	_ =	sdelay $0x4  }
0x29e: {  	[tilespmem:v14+s23+$0x0] =	vst.idx.add.s32.msk vm8, v3  }
0x29f: {  	v56 =	vshrl.u32 v17, $0xB;
	[tilespmem:v15+s23+$0x0] =	vst.idx.add.s32.msk vm5, v3;
	v60 =	vor.u32 v4, v20  }
0x2a0: {  	v58 =	vand.u32 $0x7FF, v17;
	vm15 =	veq.s32 v6, v5;
	[tilespmem:v13+s23+$0x0] =	vst.idx.add.s32.msk vm7, v3;
	vm11 =	veq.s32 v56, v5  }
0x2a1: {  	[tilespmem:v11+s23+$0x0] =	vst.idx.add.s32.msk vm1, v3;
	v59 =	vshrl.u32 v16, $0xB;
	v17 =	vor.u32 v4, v58;
	v21 =	vshrl.u32 v18, $0xB  }
0x2a2: {  	[tilespmem:v12+s23+$0x0] =	vst.idx.add.s32.msk vm4, v3;
	v61 =	vand.u32 $0x7FF, v16;
	v57 =	vand.u32 $0x7FF, v18;
	vm9 =	veq.s32 v21, v5  }
0x2a3: {  	[tilespmem:v7+s23+$0x0] =	vst.idx.add.s32.msk vm3, v3;
	vm14 =	veq.s32 v59, v5;
	v22 =	vshrl.u32 v19, $0xB;
	v18 =	vor.u32 v4, v57  }
0x2a4: {  	[tilespmem:v8+s23+$0x0] =	vst.idx.add.s32.msk vm0, v3;
	v55 =	vand.u32 $0x7FF, v19;
	vm10 =	veq.s32 v22, v5;
	v5 =	vor.u32 v4, v61  }
0x2a5: {  	[tilespmem:v9+s23+$0x0] =	vst.idx.add.s32.msk vm2, v3;
	v19 =	vor.u32 v4, v55;
	v4 =	vor.u32 v4, v10  }
0x2a6: {  	[tilespmem:v60+s23+$0x0] =	vst.idx.add.s32.msk vm6, v3  }
0x2a7: {  	[tilespmem:v17+s23+$0x0] =	vst.idx.add.s32.msk vm11, v3  }
0x2a8: {  	[tilespmem:v18+s23+$0x0] =	vst.idx.add.s32.msk vm9, v3  }
0x2a9: {  	[tilespmem:v5+s23+$0x0] =	vst.idx.add.s32.msk vm14, v3  }
0x2aa: {  	[tilespmem:v4+s23+$0x0] =	vst.idx.add.s32.msk vm15, v3  }
0x2ab: {  	[tilespmem:v19+s23+$0x0] =	vst.idx.add.s32.msk vm10, v3;
	s23 =	simm.s32 $0x0  }
0x2ac: {  	v3 =	vld [tilespmem:s23+$0x10010]  }
0x2ad: {  	v4 =	vld [tilespmem:s23+$0x10810]  }
0x2ae: {  	v5 =	vld [tilespmem:s23+$0x11010]  }
0x2af: {  	v6 =	vld [tilespmem:s23+$0x11810]  }
0x2b0: {  	v7 =	vld [tilespmem:s23+$0x12010]  }
0x2b1: {  	v8 =	vld [tilespmem:s23+$0x12810]  }
0x2b2: {  	v9 =	vld [tilespmem:s23+$0x13010]  }
0x2b3: {  	v10 =	vld [tilespmem:s23+$0x13810]  }
0x2b4: {  	v11 =	vld [tilespmem:s23+$0x14010]  }
0x2b5: {  	v12 =	vld [tilespmem:s23+$0x14810]  }
0x2b6: {  	v13 =	vld [tilespmem:s23+$0x15010]  }
0x2b7: {  	v62 =	vld [tilespmem:s23+$0x15810]  }
0x2b8: {  	v15 =	vld [tilespmem:s23+$0x16010]  }
0x2b9: {  	v63 =	vld [tilespmem:s23+$0x16810]  }
0x2ba: {  	v17 =	vld [tilespmem:s23+$0x17010]  }
0x2bb: {  	v18 =	vld [tilespmem:s23+$0x17810];
	v3 =	vadd.s32 v3, v4  }
0x2bc: {  	v4 =	vld [tilespmem:s23+$0x10000];
	v3 =	vadd.s32 v5, v3  }
0x2bd: {  	v5 =	vld [tilespmem:s23+$0x10800];
	v3 =	vadd.s32 v6, v3  }
0x2be: {  	v6 =	vld [tilespmem:s23+$0x11000];
	v3 =	vadd.s32 v7, v3  }
0x2bf: {  	v7 =	vld [tilespmem:s23+$0x11800];
	v3 =	vadd.s32 v8, v3  }
0x2c0: {  	v8 =	vld [tilespmem:s23+$0x12000];
	v3 =	vadd.s32 v9, v3  }
0x2c1: {  	v9 =	vld [tilespmem:s23+$0x12800];
	v3 =	vadd.s32 v10, v3  }
0x2c2: {  	v4 =	vadd.s32 v4, v5;
	v5 =	vld [tilespmem:s23+$0x13000];
	v3 =	vadd.s32 v11, v3  }
0x2c3: {  	v4 =	vadd.s32 v6, v4;
	v6 =	vld [tilespmem:s23+$0x13800];
	v3 =	vadd.s32 v12, v3  }
0x2c4: {  	v4 =	vadd.s32 v7, v4;
	v7 =	vld [tilespmem:s23+$0x14000];
	v3 =	vadd.s32 v13, v3  }
0x2c5: {  	v4 =	vadd.s32 v8, v4;
	v8 =	vld [tilespmem:s23+$0x14800];
	v3 =	vadd.s32 v62, v3  }
0x2c6: {  	v9 =	vadd.s32 v9, v4;
	v4 =	vld [tilespmem:s23+$0x15000];
	v3 =	vadd.s32 v15, v3  }
0x2c7: {  	v5 =	vadd.s32 v5, v9;
	v10 =	vadd.s32 v63, v3;
	v3 =	vld [tilespmem:s23+$0x15800]  }
0x2c8: {  	v6 =	vadd.s32 v6, v5;
	v5 =	vld [tilespmem:s23+$0x16000];
	v9 =	vadd.s32 v17, v10  }
0x2c9: {  	v7 =	vadd.s32 v7, v6;
	v6 =	vld [tilespmem:s23+$0x16800];
	v9 =	vadd.s32 v18, v9  }
0x2ca: {  	s24 =	simm.s32 $0x0;
	s25 =	simm.s32 $0x80;
	v8 =	vadd.s32 v8, v7;
	v7 =	vld [tilespmem:s23+$0x17000];
	[tilespmem:s23+$0x18010] =	vst v9  }
.LBB2_29:
0x2cb: {  	s26 =	sshra.s32 s25, $0x2;
	v4 =	vadd.s32 v4, v8;
	v8 =	vld [tilespmem:s23+$0x17800]  }
0x2cc: {  	s24 =	sadd.s32 $0x2, s24;
	v9 =	vld [tilespmem:s26+$0x10010];
	v3 =	vadd.s32 v3, v4  }
0x2cd: {  	p1 =	slt.u32 s24, $0x7E;
	v4 =	vld [tilespmem:s26+$0x10810];
	v3 =	vadd.s32 v5, v3  }
0x2ce: {  	v5 =	vld [tilespmem:s26+$0x11010];
	v3 =	vadd.s32 v6, v3  }
0x2cf: {  	v6 =	vld [tilespmem:s26+$0x11810];
	v3 =	vadd.s32 v7, v3  }
0x2d0: {  	v7 =	vld [tilespmem:s26+$0x12010];
	v3 =	vadd.s32 v8, v3  }
0x2d1: {  	v8 =	vld [tilespmem:s26+$0x12810];
	[tilespmem:s23+$0x18000] =	vst v3;
	s23 =	smov.u32 s26  }
0x2d2: {  	v3 =	vadd.s32 v9, v4;
	v4 =	vld [tilespmem:s23+$0x13010]  }
0x2d3: {  	v3 =	vadd.s32 v5, v3;
	v5 =	vld [tilespmem:s23+$0x13810]  }
0x2d4: {  	v3 =	vadd.s32 v6, v3;
	v6 =	vld [tilespmem:s23+$0x14010]  }
0x2d5: {  	v3 =	vadd.s32 v7, v3;
	v7 =	vld [tilespmem:s23+$0x14810]  }
0x2d6: {  	v3 =	vadd.s32 v8, v3;
	v8 =	vld [tilespmem:s23+$0x15010]  }
0x2d7: {  	v3 =	vadd.s32 v4, v3;
	v4 =	vld [tilespmem:s23+$0x15810]  }
0x2d8: {  	v3 =	vadd.s32 v5, v3;
	v5 =	vld [tilespmem:s23+$0x16010]  }
0x2d9: {  	v3 =	vadd.s32 v6, v3;
	v6 =	vld [tilespmem:s23+$0x16810]  }
0x2da: {  	v3 =	vadd.s32 v7, v3;
	v7 =	vld [tilespmem:s23+$0x17010]  }
0x2db: {  	v3 =	vadd.s32 v8, v3;
	v8 =	vld [tilespmem:s23+$0x17810]  }
0x2dc: {  	v9 =	vld [tilespmem:s23+$0x10000];
	v3 =	vadd.s32 v4, v3  }
0x2dd: {  	v4 =	vld [tilespmem:s23+$0x10800];
	v3 =	vadd.s32 v5, v3  }
0x2de: {  	v5 =	vld [tilespmem:s23+$0x11000];
	v3 =	vadd.s32 v6, v3  }
0x2df: {  	v6 =	vld [tilespmem:s23+$0x11800];
	v3 =	vadd.s32 v7, v3  }
0x2e0: {  	v7 =	vld [tilespmem:s23+$0x12000];
	v3 =	vadd.s32 v8, v3  }
0x2e1: {  	v8 =	vld [tilespmem:s23+$0x12800];
	[tilespmem:s23+$0x18010] =	vst v3  }
0x2e2: {  	v3 =	vadd.s32 v9, v4;
	v9 =	vld [tilespmem:s23+$0x13000]  }
0x2e3: {  	v3 =	vadd.s32 v5, v3;
	v5 =	vld [tilespmem:s23+$0x13800]  }
0x2e4: {  	v3 =	vadd.s32 v6, v3;
	v6 =	vld [tilespmem:s23+$0x14000]  }
0x2e5: {  	v3 =	vadd.s32 v7, v3;
	v7 =	vld [tilespmem:s23+$0x14800]  }
.Ltmp14:
0x2e6: {  	v3 =	vadd.s32 v8, v3;
	v4 =	vld [tilespmem:s23+$0x15000];
	(pc) =	sbr.rel @p1 .LBB2_29-.Ltmp14, $4  }
0x2e7: {  	v8 =	vadd.s32 v9, v3;
	v3 =	vld [tilespmem:s23+$0x15800]  }
0x2e8: {  	v8 =	vadd.s32 v5, v8;
	v5 =	vld [tilespmem:s23+$0x16000]  }
0x2e9: {  	v8 =	vadd.s32 v6, v8;
	v6 =	vld [tilespmem:s23+$0x16800]  }
0x2ea: {  	s25 =	sadd.s32 $0x80, s25;
	v8 =	vadd.s32 v7, v8;
	v7 =	vld [tilespmem:s23+$0x17000]  }
0x2eb: {  	vm0 =	vge.s32 v1, v2  }
0x2ec: {  	v0 =	vsel vm0, $0x0, v0  }
0x2ed: {  	(xrf0) =	vadd.scan.msk.s32 $0xffff, v0;
	_ =	sdelay $0x5  }
0x2ee: {  	v0, _, _ =	vpop (xrf0)  }
0x2ef: {  	(v2sf) =	vpush v0, $0xF;
	_ =	sdelay $0x8  }
0x2f0: {  	v1 =	vld [tilespmem:s23+$0x17800];
	v0 =	vadd.s32 v4, v8  }
0x2f1: {  	v0 =	vadd.s32 v3, v0  }
0x2f2: {  	v0 =	vadd.s32 v5, v0  }
0x2f3: {  	v0 =	vadd.s32 v6, v0  }
0x2f4: {  	v0 =	vadd.s32 v7, v0  }
0x2f5: {  	v0 =	vadd.s32 v1, v0  }
0x2f6: {  	s24 =	simm.s32 @p0 $0x80;
	[tilespmem:s23+$0x18000] =	vst v0;
	s23 =	spop (v2sf)  }
0x2f7: {  	s25 =	simm.s32 @p0 $0x19040;
	s26 =	simm.s32 @p0 $0x18000;
	[bflag:$0x0] =	sbarrier.arrive @p0 $0xFFFF  }
0x2f8: {  	[spmem:s3] =	stream.indirect.scatter.add.s32 @p0 [tilespmem:s26], [sflag:$0x1], $0x10, s25, s24, $0xb8;
	[tilespmem:$0x19170] =	vst v63  }
0x2f9: {  	s24 =	simm.s32 @p0 $0x1  }
0x2fa: {  	_ =	swait.ge @p0 [sflag:s24], $0x800  }
0x2fb: {  	s25 =	simm.s32 @!p0 $0x19040;
	[sflag:s24] =	ssyncset.done @p0 $0x0  }
0x2fc: {  	s26 =	simm.s32 @!p0 $0x18000;
	[sflag:s24] =	ssyncadd.s32 @p0 $0xFFFFF800;
	s24 =	simm.s32 @!p0 $0x80  }
0x2fd: {  	[spmem:s3] =	stream.indirect.scatter @!p0 [tilespmem:s26], [sflag:$0x1], $0x10, s25, s24, $0xb8;
	[tilespmem:$0x19170] =	vst v63  }
0x2fe: {  	s24 =	simm.s32 @!p0 $0x1  }
0x2ff: {  	_ =	swait.ge @!p0 [sflag:s24], $0x800  }
0x300: {  	[sflag:s24] =	ssyncset.done @!p0 $0x0  }
0x301: {  	[sflag:s24] =	ssyncadd.s32 @!p0 $0xFFFFF800  }
0x302: {  	[bflag:$0x0] =	sbarrier.arrive @!p0 $0xFFFF  }
0x303: {  	s28 =	simm.s32 $0x18800;
	s29 =	simm.s32 $0x1;
	[bflag:$0x0] =	sbarrier.arrive $0xFFFF  }
0x304: {  	[tilespmem:s28], [sflag:$0x1] =	stream.linear.gather [spmem:s3], $0x800, $0x38;
	[tilespmem:$0x19170] =	vst v63  }
0x305: {  	_ =	swait.ge [sflag:s29], $0x800  }
0x306: {  	[sflag:s29] =	ssyncset.done $0x0  }
0x307: {  	s30 =	simm.s32 $0x18820;
	[sflag:s29] =	ssyncadd.s32 $0xFFFFF800  }
0x308: {  	v0 =	vld [tilespmem:s30+$0xFFFFFFE0];
	_ =	sdelay $0x1  }
0x309: {  	v1 =	vld [tilespmem:s30+$0xFFFFFFF0];
	_ =	sdelay $0x2  }
0x30a: {  	(xrf0) =	vadd.scan.msk.s32 $0xffff, v0  }
0x30b: {  	v2 =	vld [tilespmem:s30+$0x0]  }
0x30c: {  	s31 =	simm.s32 $0x18860;
	v3 =	vld [tilespmem:s30+$0x10];
	(xrf0) =	vadd.scan.msk.s32 $0xffff, v1  }
0x30d: {  	v0 =	vld [tilespmem:s31+$0xFFFFFFE0];
	_ =	sdelay $0x1  }
0x30e: {  	v1 =	vld [tilespmem:s31+$0xFFFFFFF0]  }
0x30f: {  	(xrf0) =	vadd.scan.msk.s32 $0xffff, v2;
	v2 =	vld [tilespmem:s31+$0x0];
	v4, _, _ =	vpop (xrf0)  }
0x310: {  	s24 =	simm.s32 $0x188A0;
	(xrf0) =	vadd.scan.msk.s32 $0xffff, v3;
	v3 =	vld [tilespmem:s31+$0x10];
	(v2sf) =	vpush v4, $0xF  }
0x311: {  	v5 =	vld [tilespmem:s24+$0xFFFFFFE0];
	(xrf0) =	vadd.scan.msk.s32 $0xffff, v0;
	v0, _, _ =	vpop (xrf0)  }
0x312: {  	v4 =	vld [tilespmem:s24+$0xFFFFFFF0];
	(v2sf) =	vpush v0, $0xF  }
0x313: {  	(xrf0) =	vadd.scan.msk.s32 $0xffff, v1;
	v0 =	vld [tilespmem:s24+$0x0]  }
0x314: {  	(xrf0) =	vadd.scan.msk.s32 $0xffff, v2;
	v2 =	vld [tilespmem:s24+$0x10]  }
0x315: {  	v1, _, _ =	vpop (xrf0);
	(xrf0) =	vadd.scan.msk.s32 $0xffff, v3  }
0x316: {  	s25 =	simm.s32 $0x188E0;
	(v2sf) =	vpush v1, $0xF;
	v1, _, _ =	vpop (xrf0);
	(xrf0) =	vadd.scan.msk.s32 $0xffff, v5  }
0x317: {  	(v2sf) =	vpush v1, $0xF;
	v1 =	vld [tilespmem:s25+$0xFFFFFFE0];
	(xrf0) =	vadd.scan.msk.s32 $0xffff, v4  }
0x318: {  	v3, _, _ =	vpop (xrf0);
	(xrf0) =	vadd.scan.msk.s32 $0xffff, v0  }
0x319: {  	(v2sf) =	vpush v3, $0xF;
	v3 =	vld [tilespmem:s25+$0xFFFFFFF0];
	v0, _, _ =	vpop (xrf0);
	(xrf0) =	vadd.scan.msk.s32 $0xffff, v2  }
0x31a: {  	v2, _, _ =	vpop (xrf0);
	(v2sf) =	vpush v0, $0xF;
	v0 =	vld [tilespmem:s25+$0x0]  }
0x31b: {  	v4 =	vld [tilespmem:s25+$0x10];
	(v2sf) =	vpush v2, $0xF;
	v2, _, _ =	vpop (xrf0)  }
0x31c: {  	s26 =	simm.s32 $0x18920;
	(xrf0) =	vadd.scan.msk.s32 $0xffff, v1;
	(v2sf) =	vpush v2, $0xF;
	v1, _, _ =	vpop (xrf0)  }
0x31d: {  	v2 =	vld [tilespmem:s26+$0xFFFFFFE0];
	(v2sf) =	vpush v1, $0xF;
	v1, _, _ =	vpop (xrf0)  }
0x31e: {  	(xrf0) =	vadd.scan.msk.s32 $0xffff, v3;
	v3 =	vld [tilespmem:s26+$0xFFFFFFF0];
	(v2sf) =	vpush v1, $0xF;
	v5, _, _ =	vpop (xrf0)  }
0x31f: {  	(xrf0) =	vadd.scan.msk.s32 $0xffff, v0;
	v1 =	vld [tilespmem:s26+$0x0];
	(v2sf) =	vpush v5, $0xF;
	v5, _, _ =	vpop (xrf0);
	s28 =	spop (v2sf)  }
0x320: {  	v0 =	vld [tilespmem:s26+$0x10];
	(xrf0) =	vadd.scan.msk.s32 $0xffff, v4;
	(v2sf) =	vpush v5, $0xF;
	[smem:$0x0] =	sst s28  }
0x321: {  	s30 =	spop (v2sf)  }
0x322: {  	(xrf0) =	vadd.scan.msk.s32 $0xffff, v2;
	v4, _, _ =	vpop (xrf0);
	[smem:$0x1] =	sst s30  }
0x323: {  	(v2sf) =	vpush v4, $0xF;
	_ =	sdelay $0x5  }
0x324: {  	s29 =	sadd.s32 s23, s22;
	s22 =	simm.s32 $0x18960  }
0x325: {  	s3 =	ssub.s32 s20, s29;
	s20 =	simm.s32 $0x2;
	s31 =	spop (v2sf)  }
0x326: {  	s23 =	simm.s32 $0x14;
	v2 =	vld [tilespmem:s22+$0xFFFFFFE0];
	(xrf0) =	vadd.scan.msk.s32 $0xffff, v3;
	v3, _, _ =	vpop (xrf0);
	[smem:s20] =	sst s31;
	s24 =	spop (v2sf)  }
.LBB2_31:
0x327: {  	s23 =	sadd.s32 $0x4, s23  }
0x328: {  	v4 =	vld [tilespmem:s22+$0xFFFFFFF0];
	(xrf0) =	vadd.scan.msk.s32 $0xffff, v1;
	(v2sf) =	vpush v3, $0xF;
	v3, _, _ =	vpop (xrf0);
	[smem:s20+$0x1] =	sst s24;
	s20 =	sadd.s32 $0x4, s20;
	p1 =	slt.u32 s23, $0x7C  }
.Ltmp15:
0x329: {  	v1 =	vld [tilespmem:s22+$0x0];
	(xrf0) =	vadd.scan.msk.s32 $0xffff, v0;
	(v2sf) =	vpush v3, $0xF;
	v3, _, _ =	vpop (xrf0);
	(pc) =	sbr.rel @p1 .LBB2_31-.Ltmp15, $4  }
0x32a: {  	v0 =	vld [tilespmem:s22+$0x10];
	(v2sf) =	vpush v3, $0xF;
	s24 =	spop (v2sf)  }
0x32b: {  	[smem:s20+$0xFFFFFFFE] =	sst s24;
	s24 =	spop (v2sf)  }
0x32c: {  	s22 =	sadd.s32 $0x40, s22;
	(xrf0) =	vadd.scan.msk.s32 $0xffff, v2;
	v3, _, _ =	vpop (xrf0);
	[smem:s20+$0xFFFFFFFF] =	sst s24;
	s24 =	spop (v2sf)  }
0x32d: {  	v2 =	vld [tilespmem:s22+$0xFFFFFFE0];
	(xrf0) =	vadd.scan.msk.s32 $0xffff, v4;
	(v2sf) =	vpush v3, $0xF;
	v3, _, _ =	vpop (xrf0);
	[smem:s20] =	sst s24;
	s24 =	spop (v2sf)  }
0x32e: {  	v4 =	vld [tilespmem:s22+$0xFFFFFFF0]  }
0x32f: {  	v5 =	vld [tilespmem:s22+$0x0]  }
0x330: {  	(xrf0) =	vadd.scan.msk.s32 $0xffff, v1;
	v53 =	vld [tilespmem:s22+$0x10]  }
0x331: {  	(xrf0) =	vadd.scan.msk.s32 $0xffff, v0  }
0x332: {  	(v2sf) =	vpush v3, $0xF;
	v54, _, _ =	vpop (xrf0);
	(xrf0) =	vadd.scan.msk.s32 $0xffff, v2  }
0x333: {  	(v2sf) =	vpush v54, $0xF;
	v55, _, _ =	vpop (xrf0);
	(xrf0) =	vadd.scan.msk.s32 $0xffff, v4  }
0x334: {  	(v2sf) =	vpush v55, $0xF;
	v56, _, _ =	vpop (xrf0);
	(xrf0) =	vadd.scan.msk.s32 $0xffff, v5  }
0x335: {  	(v2sf) =	vpush v56, $0xF;
	v57, _, _ =	vpop (xrf0);
	(xrf0) =	vadd.scan.msk.s32 $0xffff, v53  }
0x336: {  	v58, _, _ =	vpop (xrf0);
	(v2sf) =	vpush v57, $0xF  }
0x337: {  	(v2sf) =	vpush v58, $0xF;
	v59, _, _ =	vpop (xrf0)  }
0x338: {  	[smem:s20+$0x1] =	sst s24;
	s23 =	sadd.s32 $0x4, s20;
	s24 =	spop (v2sf);
	(v2sf) =	vpush v59, $0xF;
	v60, _, _ =	vpop (xrf0)  }
0x339: {  	[smem:s23+$0xFFFFFFFE] =	sst s24;
	s25 =	spop (v2sf);
	(v2sf) =	vpush v60, $0xF;
	v61, _, _ =	vpop (xrf0)  }
0x33a: {  	[smem:s23+$0xFFFFFFFF] =	sst s25;
	s26 =	spop (v2sf);
	(v2sf) =	vpush v61, $0xF;
	v62, _, _ =	vpop (xrf0)  }
0x33b: {  	[smem:s23] =	sst s26;
	s29 =	spop (v2sf);
	(v2sf) =	vpush v62, $0xF;
	v63, _, _ =	vpop (xrf0)  }
0x33c: {  	s20 =	sadd.s32 $0x4, s23;
	[smem:s23+$0x1] =	sst s29;
	s30 =	spop (v2sf);
	(v2sf) =	vpush v63, $0xF  }
0x33d: {  	[smem:s20+$0xFFFFFFFE] =	sst s30;
	s23 =	spop (v2sf)  }
0x33e: {  	s31 =	spop (v2sf);
	[smem:s20+$0xFFFFFFFF] =	sst s23  }
0x33f: {  	s24 =	spop (v2sf);
	[smem:s20] =	sst s31  }
0x340: {  	[smem:s20+$0x1] =	sst s24;
	s20 =	sadd.s32 $0x4, s20;
	s25 =	spop (v2sf)  }
0x341: {  	[smem:s20+$0xFFFFFFFE] =	sst s25;
	s26 =	spop (v2sf)  }
0x342: {  	[smem:s20+$0xFFFFFFFF] =	sst s26;
	s29 =	spop (v2sf)  }
0x343: {  	[smem:s20] =	sst s29;
	s30 =	spop (v2sf)  }
0x344: {  	[smem:s20+$0x1] =	sst s30;
	s20 =	sadd.s32 $0x4, s20;
	s31 =	spop (v2sf)  }
0x345: {  	[smem:s20+$0xFFFFFFFE] =	sst s31;
	s23 =	spop (v2sf)  }
0x346: {  	[smem:s20+$0xFFFFFFFF] =	sst s23;
	s24 =	spop (v2sf)  }
0x347: {  	[smem:s20] =	sst s24;
	s25 =	spop (v2sf)  }
0x348: {  	[smem:s20+$0x1] =	sst s25;
	s20 =	sadd.s32 $0x4, s20;
	s26 =	spop (v2sf)  }
0x349: {  	[smem:s20+$0xFFFFFFFE] =	sst s26;
	s29 =	spop (v2sf)  }
0x34a: {  	[smem:s20+$0xFFFFFFFF] =	sst s29;
	s30 =	spop (v2sf)  }
0x34b: {  	[smem:s20] =	sst s30;
	s31 =	spop (v2sf)  }
0x34c: {  	[smem:s20+$0x1] =	sst s31  }
0x34d: {  	s20 =	sld [smem:$0x7F]  }
0x34e: {  	p1 =	por $0x0, $0x0  }
0x34f: {  	s22 =	simm.s32 $0x0;
	s28 =	simm.s32 $0x7E;
	p4 =	por !p1, !p1  }
0x350: {  	s23 =	simm.s32 $0x0;
	s24 =	simm.s32 $0x7F;
	s25 =	sadd.s32 $0x0, s20  }
0x351: {  	s26 =	simm.s32 $0x7E;
	s20 =	simm.s32 $0x0;
	p2 =	sge.s32 s25, s3  }
.LBB2_33:
0x352: {  	s29 =	sld [smem:s28+$0x0]  }
0x353: {  	p4 =	por !p2, !p4;
	s30 =	smov.u32 s26;
	p3 =	sne.s32 s26, $0x0  }
.Ltmp16:
0x354: {  	s26 =	sadd.s32 $0xFFFFFFFF, s26;
	p4 =	por !p4, !p4;
	(pc) =	sbr.rel @p3 .LBB2_33-.Ltmp16, $4  }
0x355: {  	s22 =	smov.u32 @p4 s24;
	s20 =	smov.u32 @p4 s23;
	s24 =	smov.u32 s30  }
0x356: {  	s23 =	smov.u32 s25  }
0x357: {  	p1 =	por p1, p2;
	s25 =	sadd.s32 s25, s29  }
0x358: {  	s28 =	sadd.s32 $0xFFFFFFFF, s28;
	p4 =	por !p1, !p1;
	p2 =	sge.s32 s25, s3  }
0x359: {  	p1 =	por !p2, !p4  }
0x35a: {  	p1 =	por !p1, !p1  }
0x35b: {  	s22 =	smov.u32 @p1 s24  }
0x35c: {  	s22 =	sshll.u32 s22, $0x4  }
0x35d: {  	v0 =	vld [tilespmem:s22+$0x18800]  }
0x35e: {  	v1 =	vlaneseq.u32  }
0x35f: {  	v1 =	vmul.u32 $0xFFFFFFFF, v1;
	_ =	sdelay $0x1  }
0x360: {  	v1 =	vadd.s32 $0xF, v1  }
0x361: {  	v0 =	vperm.xlane v0, v1;
	_ =	sdelay $0x1  }
0x362: {  	(xrf0) =	vadd.scan.msk.s32 $0xffff, v0;
	_ =	sdelay $0x5  }
0x363: {  	v0, _, _ =	vpop (xrf0)  }
0x364: {  	v0 =	vperm.xlane v0, v1  }
0x365: {  	s20 =	smov.u32 @p1 s23  }
0x366: {  	v0 =	vadd.s32 s20, v0  }
0x367: {  	vm0 =	vge.s32 v0, s3;
	v0 =	vimm.s32 $0x0  }
0x368: {  	v0 =	vsel vm0, $0x1, v0  }
0x369: {  	(xrf0) =	vadd.scan.msk.s32 $0xffff, v0;
	_ =	sdelay $0x5  }
0x36a: {  	v0, _, _ =	vpop (xrf0)  }
0x36b: {  	(v2sf) =	vpush v0, $0xF;
	_ =	sdelay $0xc  }
0x36c: {  	s30 =	simm.s32 $0x80  }
0x36d: {  	v2 =	vld [tilespmem:s30+$0xFFFFFF90]  }
0x36e: {  	v1 =	vld [tilespmem:s30+$0xFFFFFF80];
	s31 =	spop (v2sf)  }
0x36f: {  	v3 =	vld [tilespmem:s30+$0xFFFFFFA0];
	s3 =	sadd.s32 s31, s22  }
0x370: {  	s21 =	sshll.u32 s21, $0xB;
	v4 =	vld [tilespmem:s30+$0xFFFFFFB0];
	s3 =	sadd.s32 $0xFFFFFFFF, s3  }
0x371: {  	v5 =	vld [tilespmem:s30+$0xFFFFFFC0];
	s3 =	sor.u32 s21, s3  }
0x372: {  	v6 =	vld [tilespmem:s30+$0xFFFFFFD0];
	v0 =	vmov s3  }
0x373: {  	v7 =	vimm.f32 $0.0e+00;
	v8 =	vld [tilespmem:s30+$0xFFFFFFE0];
	vm0 =	vlt.s32 v1, v0;
	vm1 =	vlt.s32 v2, v0  }
0x374: {  	v9 =	vld [tilespmem:s30+$0xFFFFFFF0];
	v1 =	vsel vm0, $0x0, v1;
	v2 =	vsel vm1, $0x0, v2;
	vm0 =	vlt.s32 v3, v0  }
0x375: {  	v10 =	vld [tilespmem:s30+$0x0];
	vm1 =	vlt.s32 v4, v0;
	v1 =	vadd.f32 v1, v7;
	v2 =	vadd.f32 v2, v7  }
0x376: {  	v11 =	vld [tilespmem:s30+$0x10];
	v3 =	vsel vm0, $0x0, v3;
	v4 =	vsel vm1, $0x0, v4;
	vm0 =	vlt.s32 v5, v0  }
0x377: {  	vm1 =	vlt.s32 v6, v0;
	v3 =	vadd.f32 v3, v1;
	v2 =	vadd.f32 v4, v2;
	v1 =	vld [tilespmem:s30+$0x20]  }
0x378: {  	v5 =	vsel vm0, $0x0, v5;
	v6 =	vsel vm1, $0x0, v6;
	vm0 =	vlt.s32 v8, v0;
	v4 =	vld [tilespmem:s30+$0x30]  }
0x379: {  	vm1 =	vlt.s32 v9, v0;
	v3 =	vadd.f32 v5, v3;
	v6 =	vadd.f32 v6, v2;
	v2 =	vld [tilespmem:s30+$0x40]  }
0x37a: {  	v7 =	vsel vm0, $0x0, v8;
	v8 =	vsel vm1, $0x0, v9;
	vm0 =	vlt.s32 v10, v0;
	v5 =	vld [tilespmem:s30+$0x50]  }
0x37b: {  	vm1 =	vlt.s32 v11, v0;
	v7 =	vadd.f32 v7, v3;
	v8 =	vadd.f32 v8, v6;
	v3 =	vld [tilespmem:s30+$0x60]  }
0x37c: {  	s20 =	simm.s32 $0x180;
	s3 =	simm.s32 $0x0;
	v9 =	vsel vm0, $0x0, v10;
	v10 =	vsel vm1, $0x0, v11;
	v6 =	vld [tilespmem:s30+$0x70];
	vm0 =	vlt.s32 v1, v0  }
.LBB2_35:
0x37d: {  	v11 =	vld [tilespmem:s20+$0xFFFFFF80];
	v7 =	vadd.f32 v9, v7;
	v8 =	vadd.f32 v10, v8;
	vm1 =	vlt.s32 v4, v0  }
0x37e: {  	s3 =	sadd.s32 $0x10, s3;
	v1 =	vsel vm0, $0x0, v1;
	v9 =	vld [tilespmem:s20+$0xFFFFFF90];
	v4 =	vsel vm1, $0x0, v4;
	vm0 =	vlt.s32 v2, v0  }
0x37f: {  	p1 =	slt.u32 s3, $0xFF0;
	v10 =	vld [tilespmem:s20+$0xFFFFFFA0];
	v1 =	vadd.f32 v1, v7;
	v4 =	vadd.f32 v4, v8;
	vm1 =	vlt.s32 v5, v0  }
0x380: {  	v2 =	vsel vm0, $0x0, v2;
	v7 =	vld [tilespmem:s20+$0xFFFFFFB0];
	v5 =	vsel vm1, $0x0, v5;
	vm0 =	vlt.s32 v3, v0  }
0x381: {  	v8 =	vld [tilespmem:s20+$0xFFFFFFC0];
	v1 =	vadd.f32 v2, v1;
	v2 =	vadd.f32 v5, v4;
	vm1 =	vlt.s32 v6, v0  }
0x382: {  	v3 =	vsel vm0, $0x0, v3;
	vm2 =	vlt.s32 v11, v0;
	v4 =	vld [tilespmem:s20+$0xFFFFFFD0];
	v5 =	vsel vm1, $0x0, v6  }
0x383: {  	vm0 =	vlt.s32 v9, v0;
	v6 =	vld [tilespmem:s20+$0xFFFFFFE0];
	v1 =	vadd.f32 v3, v1;
	v2 =	vadd.f32 v5, v2  }
0x384: {  	v3 =	vsel vm2, $0x0, v11;
	v5 =	vsel vm0, $0x0, v9;
	vm0 =	vlt.s32 v10, v0;
	v9 =	vld [tilespmem:s20+$0xFFFFFFF0]  }
0x385: {  	v1 =	vadd.f32 v3, v1;
	v2 =	vadd.f32 v5, v2;
	vm1 =	vlt.s32 v7, v0;
	v11 =	vld [tilespmem:s20+$0x0]  }
0x386: {  	v3 =	vsel vm0, $0x0, v10;
	v5 =	vsel vm1, $0x0, v7;
	vm0 =	vlt.s32 v8, v0;
	v10 =	vld [tilespmem:s20+$0x10]  }
0x387: {  	v3 =	vadd.f32 v3, v1;
	v2 =	vadd.f32 v5, v2;
	vm1 =	vlt.s32 v4, v0;
	v1 =	vld [tilespmem:s20+$0x20]  }
.Ltmp17:
0x388: {  	v5 =	vsel vm0, $0x0, v8;
	v7 =	vsel vm1, $0x0, v4;
	vm0 =	vlt.s32 v6, v0;
	v4 =	vld [tilespmem:s20+$0x30];
	(pc) =	sbr.rel @p1 .LBB2_35-.Ltmp17, $4  }
0x389: {  	v3 =	vadd.f32 v5, v3;
	v8 =	vadd.f32 v7, v2;
	vm1 =	vlt.s32 v9, v0;
	v2 =	vld [tilespmem:s20+$0x40]  }
0x38a: {  	v6 =	vsel vm0, $0x0, v6;
	v9 =	vsel vm1, $0x0, v9;
	vm0 =	vlt.s32 v11, v0;
	v5 =	vld [tilespmem:s20+$0x50]  }
0x38b: {  	v7 =	vadd.f32 v6, v3;
	v8 =	vadd.f32 v9, v8;
	vm1 =	vlt.s32 v10, v0;
	v3 =	vld [tilespmem:s20+$0x60]  }
0x38c: {  	v9 =	vsel vm0, $0x0, v11;
	v10 =	vsel vm1, $0x0, v10;
	vm0 =	vlt.s32 v1, v0;
	v6 =	vld [tilespmem:s20+$0x70];
	s20 =	sadd.s32 $0x100, s20  }
0x38d: {  	v7 =	vadd.f32 v9, v7;
	v8 =	vadd.f32 v10, v8;
	vm1 =	vlt.s32 v4, v0  }
0x38e: {  	v1 =	vsel vm0, $0x0, v1;
	v4 =	vsel vm1, $0x0, v4;
	vm12 =	vlt.s32 v2, v0  }
0x38f: {  	v1 =	vadd.f32 v1, v7;
	v4 =	vadd.f32 v4, v8;
	vm13 =	vlt.s32 v5, v0  }
0x390: {  	v2 =	vsel vm12, $0x0, v2;
	v5 =	vsel vm13, $0x0, v5;
	vm14 =	vlt.s32 v3, v0  }
0x391: {  	v1 =	vadd.f32 v2, v1;
	v60 =	vadd.f32 v5, v4;
	vm15 =	vlt.s32 v6, v0  }
0x392: {  	v61 =	vsel vm14, $0x0, v3;
	v62 =	vsel vm15, $0x0, v6  }
0x393: {  	v0 =	vadd.f32 v61, v1;
	v63 =	vadd.f32 v62, v60;
	_ =	sdelay $0x1  }
0x394: {  	v0 =	vadd.f32 v63, v0;
	_ =	sdelay $0x1  }
0x395: {  	(xrf2) =	vadd.scan.msk.f32 $0xffff, v0;
	_ =	sdelay $0x9  }
0x396: {  	v0, _, _ =	vpop (xrf2)  }
0x397: {  	v0 =	vbroadcast v0, $0xF;
	_ =	sdelay $0x1  }
0x398: {  	s20 =	simm.s32 $0x190D0;
	s3 =	simm.s32 $0x1;
	[tilespmem:$0x190D0] =	vst v0  }
0x399: {  	[spmem:s19] =	stream.linear.scatter [tilespmem:s20], [sflag:$0x1], $0x10, $0x38;
	[tilespmem:$0x19170] =	vst v63  }
0x39a: {  	_ =	swait.ge [sflag:s3], $0x10  }
0x39b: {  	[sflag:s3] =	ssyncset.done $0x0  }
0x39c: {  	[sflag:s3] =	ssyncadd.s32 $0xFFFFFFF0  }
0x39d: {  	[bflag:$0x0] =	sbarrier.arrive $0xFFFF  }
0x39e: {  	_ =	sfence.sel @p0 $0x180000  }
0x39f: {  	[bflag:$0x0] =	sbarrier.arrive @p0 $0xFFFF  }
0x3a0: {  	_ =	strace @p0 $0x90000047  }
0x3a1: {  	[bflag:$0x2] =	sbarrier.arrive @p0 $0xFFFF  }
0x3a2: {  	_ =	shalt @p0  }
.LBB2_37:
0x3a3: {  	[tilespmem:s20], [sflag:$0x1] =	stream.linear.gather [spmem:s2], $0x10, $0x38;
	[tilespmem:$0x19170] =	vst v63  }
0x3a4: {  	_ =	swait.ge [sflag:s3], $0x10  }
0x3a5: {  	[sflag:s3] =	ssyncset.done $0x0  }
0x3a6: {  	[sflag:s3] =	ssyncadd.s32 $0xFFFFFFF0  }
0x3a7: {  	v0 =	vld [tilespmem:$0x190D0];
	[tilespmem:s20], [sflag:$0x1] =	stream.linear.gather [spmem:s18], $0x10, $0x38  }
0x3a8: {  	_ =	swait.ge [sflag:s3], $0x10  }
0x3a9: {  	[sflag:s3] =	ssyncset.done $0x0  }
0x3aa: {  	[sflag:s3] =	ssyncadd.s32 $0xFFFFFFF0  }
0x3ab: {  	v1 =	vld [tilespmem:$0x190D0];
	[tilespmem:s20], [sflag:$0x1] =	stream.linear.gather [spmem:s17], $0x10, $0x38  }
0x3ac: {  	_ =	swait.ge [sflag:s3], $0x10  }
0x3ad: {  	[sflag:s3] =	ssyncset.done $0x0  }
0x3ae: {  	[sflag:s3] =	ssyncadd.s32 $0xFFFFFFF0  }
0x3af: {  	v2 =	vld [tilespmem:$0x190D0];
	[tilespmem:s20], [sflag:$0x1] =	stream.linear.gather [spmem:s16], $0x10, $0x38  }
0x3b0: {  	_ =	swait.ge [sflag:s3], $0x10  }
0x3b1: {  	[sflag:s3] =	ssyncset.done $0x0  }
0x3b2: {  	[sflag:s3] =	ssyncadd.s32 $0xFFFFFFF0  }
0x3b3: {  	v3 =	vld [tilespmem:$0x190D0];
	[tilespmem:s20], [sflag:$0x1] =	stream.linear.gather [spmem:s15], $0x10, $0x38  }
0x3b4: {  	_ =	swait.ge [sflag:s3], $0x10  }
0x3b5: {  	[sflag:s3] =	ssyncset.done $0x0  }
0x3b6: {  	[sflag:s3] =	ssyncadd.s32 $0xFFFFFFF0  }
0x3b7: {  	v4 =	vld [tilespmem:$0x190D0];
	[tilespmem:s20], [sflag:$0x1] =	stream.linear.gather [spmem:s13], $0x10, $0x38  }
0x3b8: {  	_ =	swait.ge [sflag:s3], $0x10  }
0x3b9: {  	[sflag:s3] =	ssyncset.done $0x0  }
0x3ba: {  	[sflag:s3] =	ssyncadd.s32 $0xFFFFFFF0  }
0x3bb: {  	v5 =	vld [tilespmem:$0x190D0];
	[tilespmem:s20], [sflag:$0x1] =	stream.linear.gather [spmem:s14], $0x10, $0x38  }
0x3bc: {  	_ =	swait.ge [sflag:s3], $0x10  }
0x3bd: {  	[sflag:s3] =	ssyncset.done $0x0  }
0x3be: {  	[sflag:s3] =	ssyncadd.s32 $0xFFFFFFF0  }
0x3bf: {  	v6 =	vld [tilespmem:$0x190D0];
	[tilespmem:s20], [sflag:$0x1] =	stream.linear.gather [spmem:s12], $0x10, $0x38  }
0x3c0: {  	_ =	swait.ge [sflag:s3], $0x10  }
0x3c1: {  	[sflag:s3] =	ssyncset.done $0x0  }
0x3c2: {  	[sflag:s3] =	ssyncadd.s32 $0xFFFFFFF0  }
0x3c3: {  	v7 =	vld [tilespmem:$0x190D0];
	[tilespmem:s20], [sflag:$0x1] =	stream.linear.gather [spmem:s10], $0x10, $0x38  }
0x3c4: {  	_ =	swait.ge [sflag:s3], $0x10  }
0x3c5: {  	[sflag:s3] =	ssyncset.done $0x0  }
0x3c6: {  	[sflag:s3] =	ssyncadd.s32 $0xFFFFFFF0  }
0x3c7: {  	v8 =	vld [tilespmem:$0x190D0];
	[tilespmem:s20], [sflag:$0x1] =	stream.linear.gather [spmem:s11], $0x10, $0x38  }
0x3c8: {  	_ =	swait.ge [sflag:s3], $0x10  }
0x3c9: {  	[sflag:s3] =	ssyncset.done $0x0  }
0x3ca: {  	v0 =	vadd.f32 $0.0e+00, v0;
	[sflag:s3] =	ssyncadd.s32 $0xFFFFFFF0  }
0x3cb: {  	v9 =	vld [tilespmem:$0x190D0];
	[tilespmem:s20], [sflag:$0x1] =	stream.linear.gather [spmem:s9], $0x10, $0x38  }
0x3cc: {  	v0 =	vadd.f32 v1, v0;
	_ =	swait.ge [sflag:s3], $0x10  }
0x3cd: {  	[sflag:s3] =	ssyncset.done $0x0  }
0x3ce: {  	v0 =	vadd.f32 v2, v0;
	[sflag:s3] =	ssyncadd.s32 $0xFFFFFFF0  }
0x3cf: {  	v10 =	vld [tilespmem:$0x190D0];
	[tilespmem:s20], [sflag:$0x1] =	stream.linear.gather [spmem:s8], $0x10, $0x38  }
0x3d0: {  	v0 =	vadd.f32 v3, v0;
	_ =	swait.ge [sflag:s3], $0x10  }
0x3d1: {  	[sflag:s3] =	ssyncset.done $0x0  }
0x3d2: {  	v0 =	vadd.f32 v4, v0;
	[sflag:s3] =	ssyncadd.s32 $0xFFFFFFF0  }
0x3d3: {  	v59 =	vld [tilespmem:$0x190D0];
	[tilespmem:s20], [sflag:$0x1] =	stream.linear.gather [spmem:s7], $0x10, $0x38  }
0x3d4: {  	v0 =	vadd.f32 v5, v0;
	_ =	swait.ge [sflag:s3], $0x10  }
0x3d5: {  	[sflag:s3] =	ssyncset.done $0x0  }
0x3d6: {  	v0 =	vadd.f32 v6, v0;
	[sflag:s3] =	ssyncadd.s32 $0xFFFFFFF0  }
0x3d7: {  	v60 =	vld [tilespmem:$0x190D0];
	[tilespmem:s20], [sflag:$0x1] =	stream.linear.gather [spmem:s6], $0x10, $0x38  }
0x3d8: {  	v0 =	vadd.f32 v7, v0;
	_ =	swait.ge [sflag:s3], $0x10  }
0x3d9: {  	[sflag:s3] =	ssyncset.done $0x0  }
0x3da: {  	v0 =	vadd.f32 v8, v0;
	[sflag:s3] =	ssyncadd.s32 $0xFFFFFFF0  }
0x3db: {  	v61 =	vld [tilespmem:$0x190D0];
	[tilespmem:s20], [sflag:$0x1] =	stream.linear.gather [spmem:s5], $0x10, $0x38  }
0x3dc: {  	v0 =	vadd.f32 v9, v0;
	_ =	swait.ge [sflag:s3], $0x10  }
0x3dd: {  	[sflag:s3] =	ssyncset.done $0x0  }
0x3de: {  	v0 =	vadd.f32 v10, v0;
	[sflag:s3] =	ssyncadd.s32 $0xFFFFFFF0  }
0x3df: {  	v62 =	vld [tilespmem:$0x190D0];
	[tilespmem:s20], [sflag:$0x1] =	stream.linear.gather [spmem:s4], $0x10, $0x38  }
0x3e0: {  	v0 =	vadd.f32 v59, v0;
	_ =	swait.ge [sflag:s3], $0x10  }
0x3e1: {  	[sflag:s3] =	ssyncset.done $0x0  }
0x3e2: {  	v0 =	vadd.f32 v60, v0;
	[sflag:s3] =	ssyncadd.s32 $0xFFFFFFF0  }
0x3e3: {  	v63 =	vld [tilespmem:$0x190D0]  }
0x3e4: {  	v0 =	vadd.f32 v61, v0;
	_ =	sdelay $0x1  }
0x3e5: {  	v0 =	vadd.f32 v62, v0;
	_ =	sdelay $0x1  }
0x3e6: {  	v0 =	vadd.f32 v63, v0;
	_ =	sdelay $0x1  }
0x3e7: {  	s31 =	simm.s32 $0x0;
	[tilespmem:$0x190D0] =	vst v0  }
0x3e8: {  	[hbm4b:s1+s31] =	stream.linear.scatter [tilespmem:s20], [sflag:$0x1], $0x10, $0x38;
	[tilespmem:$0x19170] =	vst v63  }
0x3e9: {  	_ =	swait.ge [sflag:s3], $0x10  }
0x3ea: {  	[sflag:s3] =	ssyncset.done $0x0  }
0x3eb: {  	[sflag:s3] =	ssyncadd.s32 $0xFFFFFFF0  }
0x3ec: {  	_ =	sfence.sel $0x180000  }
0x3ed: {  	[bflag:$0x0] =	sbarrier.arrive $0xFFFF  }
0x3ee: {  	_ =	strace $0x90000047  }
0x3ef: {  	s0 =	sadd.s32 $0x100000, s0;
	[bflag:$0x2] =	sbarrier.arrive $0xFFFF  }
0x3f0: {  	[sflag:s0] =	ssyncadd.tile.s32 $0x1;
	_ =	shalt  }
.Lfunc_end2:
_tile_overlayer_lowered:
.L_overlay_start_2:
0x3f1: {  	(tag) =	ssettag $0x2  }
0x3f2: {  	s0 =	rddreg [dreg:$0x0];
	s2 =	stileid.u32  }
0x3f3: {  	s1 =	rddreg [dreg:$0x1];
	p0 =	sne.s32 s2, $0x0  }
0x3f4: {  	s3 =	rddreg [dreg:$0x2];
	[bflag:$0x3] =	sbarrier.arrive $0xFFFF;
	s2 =	simm.s32 @!p0 $0x1C01  }
0x3f5: {  	[timem:s3], [sflag:s2] =	dma.local @!p0 [hbm:s0], s1  }
0x3f6: {  	s0 =	simm.s32 @!p0 $0x1  }
0x3f7: {  	_ =	swait.ge @!p0 [sflag:s0], s1  }
0x3f8: {  	s1 =	ssub.s32 @!p0 $0x0, s1;
	[sflag:s0] =	ssyncset.done @!p0 $0x0  }
0x3f9: {  	[sflag:s0] =	ssyncadd.s32 @!p0 s1  }
0x3fa: {  	[bflag:$0x3] =	sbarrier.arrive $0xFFFF  }
0x3fb: {  	_ =	shalt  }

</sc_bundles>
